<compile_context>
chip_gen: v7x
topology: tpu7x:2x2x1
jax: 0.10.2.dev20260603
libtpu: 0.0.44.dev20260713+nightly
codegen_flags: <defaults>
</compile_context>

<pallas_src>
import functools
import math

import jax
import jax.numpy as jnp
from jax import lax
from jax.experimental import pallas as pl
from jax.experimental.pallas import tpu as pltpu
from jax.experimental.pallas import tpu_sc as plsc

N = 10000
E = 320000
D = 128
HD = 64
H = 4
DH = 32
RH = 32
ED_ = 16

NC = 2
NS = 16
EPT = E // NS
RPT = 624
TAIL = N - NS * RPT
CE = 80
NCH = EPT // CE
DEN_W = 16

_f32 = jnp.float32



_NB = 10
_BN = N // _NB
_EB = 2000


def _row_spec(width):
    return pl.BlockSpec((_BN, width), lambda i: (i, 0))


def _full_spec(shape):
    return pl.BlockSpec(shape, lambda i: tuple(0 for _ in shape))


def _split_spec(width):
    return pl.BlockSpec((NC, _BN, width), lambda i: (0, i, 0))


def _qkv_body(x_ref, wq_ref, wk_ref, wv_ref, q_ref, k_ref, v_ref):
    x = x_ref[...]
    q = jnp.dot(x, wq_ref[...], preferred_element_type=_f32)
    k = jnp.dot(x, wk_ref[...], preferred_element_type=_f32)
    v = jnp.dot(x, wv_ref[...], preferred_element_type=_f32)
    q_ref[0], q_ref[1] = q[:, :HD], q[:, HD:]
    k_ref[0], k_ref[1] = k[:, :HD], k[:, HD:]
    v_ref[0], v_ref[1] = v[:, :HD], v[:, HD:]


def _qkv(x, wq, wk, wv):
    outs = pl.pallas_call(
        _qkv_body,
        grid=(_NB,),
        in_specs=[_row_spec(D), _full_spec((D, D)), _full_spec((D, D)),
                  _full_spec((D, D))],
        out_specs=[_split_spec(HD)] * 3,
        out_shape=[jax.ShapeDtypeStruct((NC, N, HD), _f32)] * 3,
    )(x, wq, wk, wv)
    return tuple(o.reshape(NC * N, HD) for o in outs)


def _lin_body(x_ref, w_ref, o_ref):
    o = jnp.dot(x_ref[...], w_ref[...], preferred_element_type=_f32)
    o_ref[0], o_ref[1] = o[:, :HD], o[:, HD:]


def _lin_split(x, w):
    out = pl.pallas_call(
        _lin_body,
        grid=(_NB,),
        in_specs=[_row_spec(D), _full_spec((D, D))],
        out_specs=_split_spec(HD),
        out_shape=jax.ShapeDtypeStruct((NC, N, HD), _f32),
    )(x, w)
    return out.reshape(NC * N, HD)


def _edge_mlp_body(r_ref, ea_ref, bs_ref,
                   w1ra, w1ea, b1a, w2a, b2a,
                   w1rb, w1eb, b1b, w2b, b2b,
                   w1rc, w1ec, b1c, w2c, b2c,
                   o1_ref, o2_ref, oc_ref):
    r = r_ref[...]
    ea = ea_ref[...]
    bs = bs_ref[...]

    def mlp(w1r, w1e, b1, w2, b2):
        hid = jnp.dot(r, w1r[...], preferred_element_type=_f32)
        hid = hid + jnp.dot(ea, w1e[...], preferred_element_type=_f32)
        hid = jnp.maximum(hid + b1[...], 0.0)
        return (jnp.dot(hid, w2[...], preferred_element_type=_f32) + b2[...]) * bs

    r1 = mlp(w1ra, w1ea, b1a, w2a, b2a)
    o1_ref[0], o1_ref[1] = r1[:, :D], r1[:, D:]
    r2 = mlp(w1rb, w1eb, b1b, w2b, b2b)
    o2_ref[0], o2_ref[1] = r2[:, :D], r2[:, D:]
    rc = mlp(w1rc, w1ec, b1c, w2c, b2c)
    oc_ref[0], oc_ref[1] = rc[:, :HD], rc[:, HD:]


def _perm_att_w2(w2, b2):
    cols = jnp.concatenate(
        [w2[:, :HD], w2[:, D:D + HD], w2[:, HD:D], w2[:, D + HD:]], axis=1)
    bias = jnp.concatenate(
        [b2[:HD], b2[D:D + HD], b2[HD:D], b2[D + HD:]]).reshape(1, 2 * D)
    return cols, bias


def _edge_mlp(r, ea, bs, p):
    espec = lambda w: pl.BlockSpec((_EB, w), lambda i: (i, 0))
    osplit = lambda w: pl.BlockSpec((NC, _EB, w), lambda i: (0, i, 0))
    args = [r, ea, bs]
    in_specs = [espec(1), espec(ED_), espec(1)]
    for pre in ('att1', 'att2'):
        w1 = p[pre + '_Wr1']
        w2, b2 = _perm_att_w2(p[pre + '_Wr2'], p[pre + '_br2'])
        args += [w1[:1], w1[1:], p[pre + '_br1'].reshape(1, RH), w2, b2]
        in_specs += [_full_spec((1, RH)), _full_spec((ED_, RH)),
                     _full_spec((1, RH)), _full_spec((RH, 2 * D)),
                     _full_spec((1, 2 * D))]
    w1 = p['conv_Wr1']
    args += [w1[:1], w1[1:], p['conv_br1'].reshape(1, RH),
             p['conv_Wr2'], p['conv_br2'].reshape(1, D)]
    in_specs += [_full_spec((1, RH)), _full_spec((ED_, RH)),
                 _full_spec((1, RH)), _full_spec((RH, D)),
                 _full_spec((1, D))]
    o1, o2, oc = pl.pallas_call(
        _edge_mlp_body,
        grid=(E // _EB,),
        in_specs=in_specs,
        out_specs=[osplit(D), osplit(D), osplit(HD)],
        out_shape=[jax.ShapeDtypeStruct((NC, E, D), _f32),
                   jax.ShapeDtypeStruct((NC, E, D), _f32),
                   jax.ShapeDtypeStruct((NC, E, HD), _f32)],
    )(*args)
    return (o1.reshape(NC * E, D), o2.reshape(NC * E, D),
            oc.reshape(NC * E, HD))


def _post_att_body(x_ref, np_ref, dp_ref, exp_ref, woa_ref, woh_ref, bo_ref,
                   g_ref, b_ref, o_ref):
    num = jnp.concatenate([np_ref[0], np_ref[1]], axis=-1)
    den4 = jnp.concatenate([dp_ref[0][:, :2], dp_ref[1][:, :2]], axis=-1)
    denb = jnp.dot(den4, exp_ref[...], preferred_element_type=_f32)
    agg = num / (denb + 1e-9)
    x = x_ref[...]
    out = (jnp.dot(agg, woa_ref[...], preferred_element_type=_f32)
           + jnp.dot(x, woh_ref[...], preferred_element_type=_f32)
           + bo_ref[...])
    nrm = jnp.abs(out)
    phase = out / (nrm + 1e-6)
    mu = jnp.mean(nrm, axis=-1, keepdims=True)
    sd = jnp.sqrt(jnp.mean((nrm - mu) ** 2, axis=-1, keepdims=True))
    ln = (nrm - mu) / (sd + 1e-6) * g_ref[...] + b_ref[...]
    o_ref[...] = jnp.maximum(ln, 0.0) * phase


def _post_att(x, npart, dpart, wo, bo, g, b):
    expand = jnp.repeat(jnp.eye(H, dtype=_f32), DH, axis=1)
    return pl.pallas_call(
        _post_att_body,
        grid=(_NB,),
        in_specs=[_row_spec(D), _split_spec(HD), _split_spec(DEN_W),
                  _full_spec((H, D)), _full_spec((D, D)), _full_spec((D, D)),
                  _full_spec((1, D)), _full_spec((1, D)), _full_spec((1, D))],
        out_specs=_row_spec(D),
        out_shape=jax.ShapeDtypeStruct((N, D), _f32),
    )(x, npart, dpart, expand, wo[:D], wo[D:], bo.reshape(1, D),
      g.reshape(1, D), b.reshape(1, D))


def _post_conv_body(x_ref, np_ref, dp_ref, wself_ref, bself_ref, o_ref):
    num = jnp.concatenate([np_ref[0], np_ref[1]], axis=-1)
    deg = dp_ref[0][:, :1]
    agg = num / jnp.maximum(deg, 1.0)
    o_ref[...] = (agg
                  + jnp.dot(x_ref[...], wself_ref[...],
                            preferred_element_type=_f32)
                  + bself_ref[...])


def _post_conv(x, npart, dpart, wself, bself):
    return pl.pallas_call(
        _post_conv_body,
        grid=(_NB,),
        in_specs=[_row_spec(D), _split_spec(HD), _split_spec(DEN_W),
                  _full_spec((D, D)), _full_spec((1, D))],
        out_specs=_row_spec(D),
        out_shape=jax.ShapeDtypeStruct((N, D), _f32),
    )(x, npart, dpart, wself, bself.reshape(1, D))



def _tab_zero(s, zn_hbm, zd_hbm, num_tab, den_tab):
    row0 = s * RPT
    pltpu.sync_copy(zn_hbm, num_tab.at[pl.ds(row0, RPT)])
    pltpu.sync_copy(zd_hbm, den_tab.at[pl.ds(row0, RPT)])

    @pl.when(s == 0)
    def _():
        pltpu.sync_copy(zn_hbm.at[pl.ds(0, TAIL)],
                        num_tab.at[pl.ds(NS * RPT, TAIL)])
        pltpu.sync_copy(zd_hbm.at[pl.ds(0, TAIL)],
                        den_tab.at[pl.ds(NS * RPT, TAIL)])


def _tab_out(c, s, num_tab, den_tab, num_out, den_out):
    row0 = s * RPT
    pltpu.sync_copy(num_tab.at[pl.ds(row0, RPT)],
                    num_out.at[c, pl.ds(row0, RPT)])
    pltpu.sync_copy(den_tab.at[pl.ds(row0, RPT)],
                    den_out.at[c, pl.ds(row0, RPT)])

    @pl.when(s == 0)
    def _():
        pltpu.sync_copy(num_tab.at[pl.ds(NS * RPT, TAIL)],
                        num_out.at[c, pl.ds(NS * RPT, TAIL)])
        pltpu.sync_copy(den_tab.at[pl.ds(NS * RPT, TAIL)],
                        den_out.at[c, pl.ds(NS * RPT, TAIL)])


def _shift_idx(idx_ref, out_ref, off):
    for o in range(0, CE, 16):
        out_ref[pl.ds(o, 16)] = idx_ref[pl.ds(o, 16)] + off


def _sc_att_body(q_hbm, k_hbm, v_hbm, rad_hbm, src_hbm, dst_hbm,
                 zn_hbm, zd_hbm, num_out, den_out,
                 src_v, dst_v, dst2_v, k_rows, v_rows, q_rows, rad_rows,
                 den_buf, num_tab, den_tab, sem1, sem2, sem3):
    c = lax.axis_index("c")
    s = lax.axis_index("s")
    _tab_zero(s, zn_hbm, zd_hbm, num_tab, den_tab)
    plsc.subcore_barrier()

    base = s * EPT
    roff = c * N
    eoff = c * E
    isq = 1.0 / math.sqrt(DH)
    lane = lax.iota(jnp.int32, 16)

    def chunk(j, carry):
        eb = base + j * CE
        pltpu.sync_copy(src_hbm.at[pl.ds(eb, CE)], src_v)
        pltpu.sync_copy(dst_hbm.at[pl.ds(eb, CE)], dst_v)
        _shift_idx(src_v, src_v, roff)
        _shift_idx(dst_v, dst2_v, roff)
        cp1 = pltpu.async_copy(k_hbm.at[src_v], k_rows, sem1)
        cp2 = pltpu.async_copy(v_hbm.at[src_v], v_rows, sem2)
        cp3 = pltpu.async_copy(q_hbm.at[dst2_v], q_rows, sem3)
        pltpu.sync_copy(rad_hbm.at[pl.ds(eoff + eb, CE)], rad_rows)
        cp1.wait()
        cp2.wait()
        cp3.wait()

        def edge(i, carry2):
            dv = jnp.zeros((16,), _f32)
            for hh in range(2):
                c0 = hh * DH
                t = (q_rows[i, pl.ds(c0, 16)]
                     * k_rows[i, pl.ds(c0, 16)]
                     * rad_rows[i, pl.ds(c0, 16)])
                t = t + (q_rows[i, pl.ds(c0 + 16, 16)]
                         * k_rows[i, pl.ds(c0 + 16, 16)]
                         * rad_rows[i, pl.ds(c0 + 16, 16)])
                ev = jnp.exp(jnp.full((16,), jnp.sum(t) * isq, _f32))
                for o in (c0, c0 + 16):
                    v_rows[i, pl.ds(o, 16)] = (
                        v_rows[i, pl.ds(o, 16)]
                        * rad_rows[i, pl.ds(HD + o, 16)] * ev)
                dv = jnp.where(lane == hh, ev, dv)
            den_buf[i, pl.ds(0, DEN_W)] = dv
            return carry2

        lax.fori_loop(0, CE, edge, 0)
        pltpu.sync_copy(v_rows, num_tab.at[dst_v], add=True)
        pltpu.sync_copy(den_buf, den_tab.at[dst_v], add=True)
        return carry

    lax.fori_loop(0, NCH, chunk, 0)
    plsc.subcore_barrier()
    _tab_out(c, s, num_tab, den_tab, num_out, den_out)


def _sc_att(q2, k2, v2, rad2, src, dst, zn, zd):
    mesh = plsc.VectorSubcoreMesh(core_axis_name="c", subcore_axis_name="s")
    f = pl.kernel(
        _sc_att_body,
        compiler_params=pltpu.CompilerParams(needs_layout_passes=False, use_tc_tiling_on_sc=False),
        out_type=[jax.ShapeDtypeStruct((NC, N, HD), _f32),
                  jax.ShapeDtypeStruct((NC, N, DEN_W), _f32)],
        mesh=mesh,
        scratch_types=[
            pltpu.VMEM((CE,), jnp.int32),
            pltpu.VMEM((CE,), jnp.int32),
            pltpu.VMEM((CE,), jnp.int32),
            pltpu.VMEM((CE, HD), _f32),
            pltpu.VMEM((CE, HD), _f32),
            pltpu.VMEM((CE, HD), _f32),
            pltpu.VMEM((CE, 2 * HD), _f32),
            pltpu.VMEM((CE, DEN_W), _f32),
            pltpu.VMEM_SHARED((N, HD), _f32),
            pltpu.VMEM_SHARED((N, DEN_W), _f32),
            pltpu.SemaphoreType.DMA,
            pltpu.SemaphoreType.DMA,
            pltpu.SemaphoreType.DMA,
        ],
    )
    return f(q2, k2, v2, rad2, src, dst, zn, zd)


def _sc_conv_body(x_hbm, rad_hbm, src_hbm, dst_hbm, zn_hbm, zd_hbm,
                  num_out, den_out,
                  src_v, dst_v, g_rows, rad_rows, den_buf,
                  num_tab, den_tab, sem1):
    c = lax.axis_index("c")
    s = lax.axis_index("s")
    _tab_zero(s, zn_hbm, zd_hbm, num_tab, den_tab)
    plsc.subcore_barrier()

    base = s * EPT
    roff = c * N
    eoff = c * E
    lane = lax.iota(jnp.int32, 16)
    one0 = jnp.where(lane == 0, 1.0, 0.0).astype(_f32)

    def fill(i, carry):
        den_buf[i, pl.ds(0, DEN_W)] = one0
        return carry

    lax.fori_loop(0, CE, fill, 0)

    def chunk(j, carry):
        eb = base + j * CE
        pltpu.sync_copy(src_hbm.at[pl.ds(eb, CE)], src_v)
        pltpu.sync_copy(dst_hbm.at[pl.ds(eb, CE)], dst_v)
        _shift_idx(src_v, src_v, roff)
        cp1 = pltpu.async_copy(x_hbm.at[src_v], g_rows, sem1)
        pltpu.sync_copy(rad_hbm.at[pl.ds(eoff + eb, CE)], rad_rows)
        cp1.wait()

        def edge(i, carry2):
            for jj in range(HD // 16):
                o = jj * 16
                g_rows[i, pl.ds(o, 16)] = (g_rows[i, pl.ds(o, 16)]
                                           * rad_rows[i, pl.ds(o, 16)])
            return carry2

        lax.fori_loop(0, CE, edge, 0)
        pltpu.sync_copy(g_rows, num_tab.at[dst_v], add=True)
        pltpu.sync_copy(den_buf, den_tab.at[dst_v], add=True)
        return carry

    lax.fori_loop(0, NCH, chunk, 0)
    plsc.subcore_barrier()
    _tab_out(c, s, num_tab, den_tab, num_out, den_out)


def _sc_conv(x2, radc2, src, dst, zn, zd):
    mesh = plsc.VectorSubcoreMesh(core_axis_name="c", subcore_axis_name="s")
    f = pl.kernel(
        _sc_conv_body,
        compiler_params=pltpu.CompilerParams(needs_layout_passes=False, use_tc_tiling_on_sc=False),
        out_type=[jax.ShapeDtypeStruct((NC, N, HD), _f32),
                  jax.ShapeDtypeStruct((NC, N, DEN_W), _f32)],
        mesh=mesh,
        scratch_types=[
            pltpu.VMEM((CE,), jnp.int32),
            pltpu.VMEM((CE,), jnp.int32),
            pltpu.VMEM((CE, HD), _f32),
            pltpu.VMEM((CE, HD), _f32),
            pltpu.VMEM((CE, DEN_W), _f32),
            pltpu.VMEM_SHARED((N, HD), _f32),
            pltpu.VMEM_SHARED((N, DEN_W), _f32),
            pltpu.SemaphoreType.DMA,
        ],
    )
    return f(x2, radc2, src, dst, zn, zd)



def kernel(h, edge_index, r, edge_attr, basis, params):
    p = params
    src = edge_index[0].astype(jnp.int32)
    dst = edge_index[1].astype(jnp.int32)
    zn = jnp.zeros((RPT, HD), _f32)
    zd = jnp.zeros((RPT, DEN_W), _f32)

    rad1, rad2, radc = _edge_mlp(r, edge_attr, basis, p)

    q, k, v = _qkv(h, p['att1_Wq'], p['att1_Wk'], p['att1_Wv'])
    npart, dpart = _sc_att(q, k, v, rad1, src, dst, zn, zd)
    x = _post_att(h, npart, dpart, p['att1_Wo'], p['att1_bo'],
                  p['norm1_g'], p['norm1_b'])

    q, k, v = _qkv(x, p['att2_Wq'], p['att2_Wk'], p['att2_Wv'])
    npart, dpart = _sc_att(q, k, v, rad2, src, dst, zn, zd)
    x = _post_att(x, npart, dpart, p['att2_Wo'], p['att2_bo'],
                  p['norm2_g'], p['norm2_b'])

    xc = _lin_split(x, p['conv_W'])
    npart, dpart = _sc_conv(xc, radc, src, dst, zn, zd)
    return _post_conv(x, npart, dpart, p['conv_Wself'], p['conv_bself'])

# --- scband reference (transcript-rebuilt; emitter-appended) ---
"""Pipeline reference for scband-gcnblock-49624052138201 (READ-ONLY COPY).

The authoritative reference and input builder live on the scoring server;
editing this copy changes nothing except your own understanding.
"""

import jax, jax.numpy as jnp
import numpy as np

N = 10000
E = 320000
D = 128
H = 4
DH = 32
ED = 16
RH = 32


def setup_inputs(seed: int = 0) -> dict:
    key = jax.random.key(seed)
    ks = jax.random.split(key, 40)
    h = jax.random.normal(ks[0], (N, D), dtype=jnp.float32)
    edge_index = jax.random.randint(ks[1], (2, E), 0, N).astype(jnp.int64)
    r = jax.random.uniform(ks[2], (E, 1), dtype=jnp.float32)
    edge_attr = jax.random.normal(ks[3], (E, ED), dtype=jnp.float32)
    basis = jnp.ones((E, 1), dtype=jnp.float32)
    idx = [4]
    def lin(i, o):
        w = jax.random.normal(ks[idx[0]], (i, o), dtype=jnp.float32) / np.sqrt(i)
        idx[0] += 1
        return w
    params = {}
    rin = 1 + ED
    for pre in ('att1', 'att2'):
        params[pre + '_Wr1'] = lin(rin, RH)
        params[pre + '_br1'] = jnp.zeros((RH,), jnp.float32)
        params[pre + '_Wr2'] = lin(RH, 2 * D)
        params[pre + '_br2'] = jnp.zeros((2 * D,), jnp.float32)
        params[pre + '_Wq'] = lin(D, D)
        params[pre + '_Wk'] = lin(D, D)
        params[pre + '_Wv'] = lin(D, D)
        params[pre + '_Wo'] = lin(2 * D, D)
        params[pre + '_bo'] = jnp.zeros((D,), jnp.float32)
    for pre in ('norm1', 'norm2'):
        params[pre + '_g'] = jnp.ones((D,), jnp.float32)
        params[pre + '_b'] = jnp.zeros((D,), jnp.float32)
    params['conv_Wr1'] = lin(rin, RH)
    params['conv_br1'] = jnp.zeros((RH,), jnp.float32)
    params['conv_Wr2'] = lin(RH, D)
    params['conv_br2'] = jnp.zeros((D,), jnp.float32)
    params['conv_W'] = lin(D, D)
    params['conv_Wself'] = lin(D, D)
    params['conv_bself'] = jnp.zeros((D,), jnp.float32)
    return {'h': h, 'edge_index': edge_index, 'r': r, 'edge_attr': edge_attr, 'basis': basis, 'params': params}


def _attn(h, src, dst, rfeat, basis, p, pre):
    n = h.shape[0]
    hid = jax.nn.relu(rfeat @ p[pre + '_Wr1'] + p[pre + '_br1'])
    rad = hid @ p[pre + '_Wr2'] + p[pre + '_br2']
    rad_k = rad[:, :D] * basis
    rad_v = rad[:, D:] * basis
    q = (h @ p[pre + '_Wq']).reshape(n, H, DH)
    kk = ((h @ p[pre + '_Wk'])[src] * rad_k).reshape(-1, H, DH)
    vv = ((h @ p[pre + '_Wv'])[src] * rad_v).reshape(-1, H, DH)
    logits = jnp.sum(q[dst] * kk, axis=-1) / np.sqrt(DH)
    m = jax.ops.segment_max(logits, dst, num_segments=n)
    m = jnp.where(jnp.isfinite(m), m, 0.0)
    ex = jnp.exp(logits - m[dst])
    den = jax.ops.segment_sum(ex, dst, num_segments=n)
    alpha = ex / (den[dst] + 1e-9)
    agg = jax.ops.segment_sum(alpha[:, :, None] * vv, dst, num_segments=n).reshape(n, D)
    return jnp.concatenate([agg, h], axis=-1) @ p[pre + '_Wo'] + p[pre + '_bo']


def _norm(h, p, pre):
    nrm = jnp.abs(h)
    phase = h / (nrm + 1e-6)
    mu = jnp.mean(nrm, axis=-1, keepdims=True)
    sd = jnp.std(nrm, axis=-1, keepdims=True)
    ln = (nrm - mu) / (sd + 1e-6) * p[pre + '_g'] + p[pre + '_b']
    return jax.nn.relu(ln) * phase


def _conv(h, src, dst, rfeat, basis, p):
    n = h.shape[0]
    hid = jax.nn.relu(rfeat @ p['conv_Wr1'] + p['conv_br1'])
    rad = (hid @ p['conv_Wr2'] + p['conv_br2']) * basis
    msg = (h @ p['conv_W'])[src] * rad
    agg = jax.ops.segment_sum(msg, dst, num_segments=n)
    deg = jax.ops.segment_sum(jnp.ones((msg.shape[0], 1), jnp.float32), dst, num_segments=n)
    agg = agg / jnp.maximum(deg, 1.0)
    return agg + h @ p['conv_Wself'] + p['conv_bself']


def reference(h, edge_index, r, edge_attr, basis, params):
    src = edge_index[0]
    dst = edge_index[1]
    rfeat = jnp.concatenate([r, edge_attr], axis=-1)
    x = _attn(h, src, dst, rfeat, basis, params, 'att1')
    x = _norm(x, params, 'norm1')
    x = _attn(x, src, dst, rfeat, basis, params, 'att2')
    x = _norm(x, params, 'norm2')
    x = _conv(x, src, dst, rfeat, basis, params)
    return x

if __name__ == "__main__":
    import jax
    _d = setup_inputs()
    print(jax.jit(kernel)(*tuple(_d.values())))

</pallas_src>

<mosaic_0001>
#map = affine_map<(d0, d1) -> (0, 0)>
#map1 = affine_map<(d0, d1) -> (0)>
#map2 = affine_map<(d0, d1) -> (0, 0, 0)>
module attributes {stable_mosaic.version = 14 : i64} {
  func.func @_sc_att_body(%arg0: i32, %arg1: i32, %arg2: memref<20000x64xf32, #tpu.memory_space<hbm>>, %arg3: memref<20000x64xf32, #tpu.memory_space<hbm>>, %arg4: memref<20000x64xf32, #tpu.memory_space<hbm>>, %arg5: memref<640000x128xf32, #tpu.memory_space<hbm>>, %arg6: memref<320000xi32, #tpu.memory_space<hbm>>, %arg7: memref<320000xi32, #tpu.memory_space<hbm>>, %arg8: memref<624x64xf32, #tpu.memory_space<hbm>>, %arg9: memref<624x16xf32, #tpu.memory_space<hbm>>, %arg10: memref<2x10000x64xf32, #tpu.memory_space<hbm>>, %arg11: memref<2x10000x16xf32, #tpu.memory_space<hbm>>, %arg12: memref<80xi32, #tpu.memory_space<vmem>>, %arg13: memref<80xi32, #tpu.memory_space<vmem>>, %arg14: memref<80xi32, #tpu.memory_space<vmem>>, %arg15: memref<80x64xf32, #tpu.memory_space<vmem>>, %arg16: memref<80x64xf32, #tpu.memory_space<vmem>>, %arg17: memref<80x64xf32, #tpu.memory_space<vmem>>, %arg18: memref<80x128xf32, #tpu.memory_space<vmem>>, %arg19: memref<80x16xf32, #tpu.memory_space<vmem>>, %arg20: memref<10000x64xf32, #tpu.memory_space<vmem_shared>>, %arg21: memref<10000x16xf32, #tpu.memory_space<vmem_shared>>, %arg22: memref<!tpu.dma_semaphore, #tpu.memory_space<semaphore_mem>>, %arg23: memref<!tpu.dma_semaphore, #tpu.memory_space<semaphore_mem>>, %arg24: memref<!tpu.dma_semaphore, #tpu.memory_space<semaphore_mem>>) attributes {dimension_semantics = [#tpu.dimension_semantics<core_parallel>, #tpu.dimension_semantics<subcore_parallel>], iteration_bounds = array<i64: 2, 16>, scalar_prefetch = 0 : i64, scratch_operands = 13 : i64, tpu.core_type = #tpu.core_type<sc_vector_subcore>, window_params = [{transform_indices = #map}, {transform_indices = #map}, {transform_indices = #map}, {transform_indices = #map}, {transform_indices = #map1}, {transform_indices = #map1}, {transform_indices = #map}, {transform_indices = #map}, {transform_indices = #map2}, {transform_indices = #map2}]} {
    %mul3A = arith.constant 624 : i32
    %mul3A_0 = arith.muli %arg1, %mul3A : i32
    "tpu.region"() ({
      %run_scoped3A = tpu.sem_alloc : memref<!tpu.dma_semaphore, #tpu.memory_space<semaphore_mem>>
      %dma_start3A = arith.constant 0 : i32
      %dma_start3A_22 = tpu.memref_slice %arg20[%mul3A_0, %dma_start3A] : memref<10000x64xf32, #tpu.memory_space<vmem_shared>> -> memref<624x64xf32, #tpu.memory_space<vmem_shared>>
      tpu.enqueue_dma source(%arg8 : memref<624x64xf32, #tpu.memory_space<hbm>>) target(%dma_start3A_22 : memref<624x64xf32, #tpu.memory_space<vmem_shared>>) target_semaphore(%run_scoped3A : memref<!tpu.dma_semaphore, #tpu.memory_space<semaphore_mem>>)
      %dma_wait3A = arith.constant 0 : i32
      %dma_wait3A_23 = tpu.memref_slice %arg20[%mul3A_0, %dma_wait3A] : memref<10000x64xf32, #tpu.memory_space<vmem_shared>> -> memref<624x64xf32, #tpu.memory_space<vmem_shared>>
      tpu.wait_dma2 semaphore(%run_scoped3A : memref<!tpu.dma_semaphore, #tpu.memory_space<semaphore_mem>>) src(%arg8 : memref<624x64xf32, #tpu.memory_space<hbm>>) dst(%dma_wait3A_23 : memref<624x64xf32, #tpu.memory_space<vmem_shared>>)
      tpu.yield
    }) : () -> ()
    "tpu.region"() ({
      %run_scoped3A = tpu.sem_alloc : memref<!tpu.dma_semaphore, #tpu.memory_space<semaphore_mem>>
      %dma_start3A = arith.constant 0 : i32
      %dma_start3A_22 = tpu.memref_slice %arg21[%mul3A_0, %dma_start3A] : memref<10000x16xf32, #tpu.memory_space<vmem_shared>> -> memref<624x16xf32, #tpu.memory_space<vmem_shared>>
      tpu.enqueue_dma source(%arg9 : memref<624x16xf32, #tpu.memory_space<hbm>>) target(%dma_start3A_22 : memref<624x16xf32, #tpu.memory_space<vmem_shared>>) target_semaphore(%run_scoped3A : memref<!tpu.dma_semaphore, #tpu.memory_space<semaphore_mem>>)
      %dma_wait3A = arith.constant 0 : i32
      %dma_wait3A_23 = tpu.memref_slice %arg21[%mul3A_0, %dma_wait3A] : memref<10000x16xf32, #tpu.memory_space<vmem_shared>> -> memref<624x16xf32, #tpu.memory_space<vmem_shared>>
      tpu.wait_dma2 semaphore(%run_scoped3A : memref<!tpu.dma_semaphore, #tpu.memory_space<semaphore_mem>>) src(%arg9 : memref<624x16xf32, #tpu.memory_space<hbm>>) dst(%dma_wait3A_23 : memref<624x16xf32, #tpu.memory_space<vmem_shared>>)
      tpu.yield
    }) : () -> ()
    %eq3A = arith.constant 0 : i32
    %eq3A_1 = arith.cmpi eq, %arg1, %eq3A : i32
    %convert_element_type3A = arith.extui %eq3A_1 : i1 to i32
    %cond3A = arith.constant 0 : i32
    %cond3A_2 = arith.cmpi ne, %convert_element_type3A, %cond3A : i32
    scf.if %cond3A_2 {
      "tpu.region"() ({
        %run_scoped3A = tpu.sem_alloc : memref<!tpu.dma_semaphore, #tpu.memory_space<semaphore_mem>>
        %dma_start3A = arith.constant 9984 : i32
        %dma_start3A_22 = arith.constant 0 : i32
        %dma_start3A_23 = tpu.memref_slice %arg20[%dma_start3A, %dma_start3A_22] : memref<10000x64xf32, #tpu.memory_space<vmem_shared>> -> memref<16x64xf32, #tpu.memory_space<vmem_shared>>
        %dma_start3A_24 = arith.constant 0 : i32
        %dma_start3A_25 = arith.constant 0 : i32
        %dma_start3A_26 = tpu.memref_slice %arg8[%dma_start3A_24, %dma_start3A_25] : memref<624x64xf32, #tpu.memory_space<hbm>> -> memref<16x64xf32, #tpu.memory_space<hbm>>
        tpu.enqueue_dma source(%dma_start3A_26 : memref<16x64xf32, #tpu.memory_space<hbm>>) target(%dma_start3A_23 : memref<16x64xf32, #tpu.memory_space<vmem_shared>>) target_semaphore(%run_scoped3A : memref<!tpu.dma_semaphore, #tpu.memory_space<semaphore_mem>>)
        %dma_wait3A = arith.constant 9984 : i32
        %dma_wait3A_27 = arith.constant 0 : i32
        %dma_wait3A_28 = tpu.memref_slice %arg20[%dma_wait3A, %dma_wait3A_27] : memref<10000x64xf32, #tpu.memory_space<vmem_shared>> -> memref<16x64xf32, #tpu.memory_space<vmem_shared>>
        %dma_wait3A_29 = arith.constant 0 : i32
        %dma_wait3A_30 = arith.constant 0 : i32
        %dma_wait3A_31 = tpu.memref_slice %arg8[%dma_wait3A_29, %dma_wait3A_30] : memref<624x64xf32, #tpu.memory_space<hbm>> -> memref<16x64xf32, #tpu.memory_space<hbm>>
        tpu.wait_dma2 semaphore(%run_scoped3A : memref<!tpu.dma_semaphore, #tpu.memory_space<semaphore_mem>>) src(%dma_wait3A_31 : memref<16x64xf32, #tpu.memory_space<hbm>>) dst(%dma_wait3A_28 : memref<16x64xf32, #tpu.memory_space<vmem_shared>>)
        tpu.yield
      }) : () -> ()
      "tpu.region"() ({
        %run_scoped3A = tpu.sem_alloc : memref<!tpu.dma_semaphore, #tpu.memory_space<semaphore_mem>>
        %dma_start3A = arith.constant 9984 : i32
        %dma_start3A_22 = arith.constant 0 : i32
        %dma_start3A_23 = tpu.memref_slice %arg21[%dma_start3A, %dma_start3A_22] : memref<10000x16xf32, #tpu.memory_space<vmem_shared>> -> memref<16x16xf32, #tpu.memory_space<vmem_shared>>
        %dma_start3A_24 = arith.constant 0 : i32
        %dma_start3A_25 = arith.constant 0 : i32
        %dma_start3A_26 = tpu.memref_slice %arg9[%dma_start3A_24, %dma_start3A_25] : memref<624x16xf32, #tpu.memory_space<hbm>> -> memref<16x16xf32, #tpu.memory_space<hbm>>
        tpu.enqueue_dma source(%dma_start3A_26 : memref<16x16xf32, #tpu.memory_space<hbm>>) target(%dma_start3A_23 : memref<16x16xf32, #tpu.memory_space<vmem_shared>>) target_semaphore(%run_scoped3A : memref<!tpu.dma_semaphore, #tpu.memory_space<semaphore_mem>>)
        %dma_wait3A = arith.constant 9984 : i32
        %dma_wait3A_27 = arith.constant 0 : i32
        %dma_wait3A_28 = tpu.memref_slice %arg21[%dma_wait3A, %dma_wait3A_27] : memref<10000x16xf32, #tpu.memory_space<vmem_shared>> -> memref<16x16xf32, #tpu.memory_space<vmem_shared>>
        %dma_wait3A_29 = arith.constant 0 : i32
        %dma_wait3A_30 = arith.constant 0 : i32
        %dma_wait3A_31 = tpu.memref_slice %arg9[%dma_wait3A_29, %dma_wait3A_30] : memref<624x16xf32, #tpu.memory_space<hbm>> -> memref<16x16xf32, #tpu.memory_space<hbm>>
        tpu.wait_dma2 semaphore(%run_scoped3A : memref<!tpu.dma_semaphore, #tpu.memory_space<semaphore_mem>>) src(%dma_wait3A_31 : memref<16x16xf32, #tpu.memory_space<hbm>>) dst(%dma_wait3A_28 : memref<16x16xf32, #tpu.memory_space<vmem_shared>>)
        tpu.yield
      }) : () -> ()
    } else {
    }
    %barrier3A = arith.constant 0 : index
    tpu.barrier barrier_id(%barrier3A)
    %mul3A_3 = arith.constant 20000 : i32
    %mul3A_4 = arith.muli %arg1, %mul3A_3 : i32
    %mul3A_5 = arith.constant 10000 : i32
    %mul3A_6 = arith.muli %arg0, %mul3A_5 : i32
    %mul3A_7 = arith.constant 320000 : i32
    %mul3A_8 = arith.muli %arg0, %mul3A_7 : i32
    %iota3A = tpu.iota {dimensions = array<i32: 0>} : vector<16xi32>
    %scan3A = arith.constant 0 : i32
    %scan3A_9 = arith.constant 0 : i32
    %scan3A_10 = arith.constant 250 : i32
    %scan3A_11 = arith.addi %scan3A_9, %scan3A_10 : i32
    %scan3A_12 = arith.constant 1 : i32
    scf.for %scan3A_22 = %scan3A_9 to %scan3A_11 step %scan3A_12  : i32 {
      %mul3A_23 = arith.constant 80 : i32
      %mul3A_24 = arith.muli %scan3A_22, %mul3A_23 : i32
      %add3A = arith.addi %mul3A_4, %mul3A_24 : i32
      "tpu.region"() ({
        %run_scoped3A = tpu.sem_alloc : memref<!tpu.dma_semaphore, #tpu.memory_space<semaphore_mem>>
        %dma_start3A_106 = tpu.memref_slice %arg6[%add3A] : memref<320000xi32, #tpu.memory_space<hbm>> -> memref<80xi32, #tpu.memory_space<hbm>>
        %dma_start3A_107 = tpu.memref_slice %arg6[%add3A] : memref<320000xi32, #tpu.memory_space<hbm>> -> memref<80xi32, #tpu.memory_space<hbm>>
        tpu.enqueue_dma source(%dma_start3A_107 : memref<80xi32, #tpu.memory_space<hbm>>) target(%arg12 : memref<80xi32, #tpu.memory_space<vmem>>) target_semaphore(%run_scoped3A : memref<!tpu.dma_semaphore, #tpu.memory_space<semaphore_mem>>)
        %dma_wait3A_108 = tpu.memref_slice %arg6[%add3A] : memref<320000xi32, #tpu.memory_space<hbm>> -> memref<80xi32, #tpu.memory_space<hbm>>
        %dma_wait3A_109 = tpu.memref_slice %arg6[%add3A] : memref<320000xi32, #tpu.memory_space<hbm>> -> memref<80xi32, #tpu.memory_space<hbm>>
        tpu.wait_dma2 semaphore(%run_scoped3A : memref<!tpu.dma_semaphore, #tpu.memory_space<semaphore_mem>>) src(%dma_wait3A_109 : memref<80xi32, #tpu.memory_space<hbm>>) dst(%arg12 : memref<80xi32, #tpu.memory_space<vmem>>)
        tpu.yield
      }) : () -> ()
      "tpu.region"() ({
        %run_scoped3A = tpu.sem_alloc : memref<!tpu.dma_semaphore, #tpu.memory_space<semaphore_mem>>
        %dma_start3A_106 = tpu.memref_slice %arg7[%add3A] : memref<320000xi32, #tpu.memory_space<hbm>> -> memref<80xi32, #tpu.memory_space<hbm>>
        %dma_start3A_107 = tpu.memref_slice %arg7[%add3A] : memref<320000xi32, #tpu.memory_space<hbm>> -> memref<80xi32, #tpu.memory_space<hbm>>
        tpu.enqueue_dma source(%dma_start3A_107 : memref<80xi32, #tpu.memory_space<hbm>>) target(%arg13 : memref<80xi32, #tpu.memory_space<vmem>>) target_semaphore(%run_scoped3A : memref<!tpu.dma_semaphore, #tpu.memory_space<semaphore_mem>>)
        %dma_wait3A_108 = tpu.memref_slice %arg7[%add3A] : memref<320000xi32, #tpu.memory_space<hbm>> -> memref<80xi32, #tpu.memory_space<hbm>>
        %dma_wait3A_109 = tpu.memref_slice %arg7[%add3A] : memref<320000xi32, #tpu.memory_space<hbm>> -> memref<80xi32, #tpu.memory_space<hbm>>
        tpu.wait_dma2 semaphore(%run_scoped3A : memref<!tpu.dma_semaphore, #tpu.memory_space<semaphore_mem>>) src(%dma_wait3A_109 : memref<80xi32, #tpu.memory_space<hbm>>) dst(%arg13 : memref<80xi32, #tpu.memory_space<vmem>>)
        tpu.yield
      }) : () -> ()
      %get3A = arith.constant 0 : index
      %get3A_25 = tpu.vector_load %arg12[%get3A] {strides = array<i32>} : memref<80xi32, #tpu.memory_space<vmem>>, vector<16xi32>,
      %add3A_26 = vector.broadcast %mul3A_6 : i32 to vector<16xi32>
      %add3A_27 = arith.addi %get3A_25, %add3A_26 : vector<16xi32>
      %swap3A = arith.constant 0 : index
      %swap3A_28 = tpu.vector_load %arg12[%swap3A] {strides = array<i32>} : memref<80xi32, #tpu.memory_space<vmem>>, vector<16xi32>,
      tpu.vector_store %arg12[%swap3A], %add3A_27 {strides = array<i32>} : memref<80xi32, #tpu.memory_space<vmem>>, vector<16xi32>,
      %get3A_29 = arith.constant 16 : index
      %get3A_30 = tpu.vector_load %arg12[%get3A_29] {strides = array<i32>} : memref<80xi32, #tpu.memory_space<vmem>>, vector<16xi32>,
      %add3A_31 = vector.broadcast %mul3A_6 : i32 to vector<16xi32>
      %add3A_32 = arith.addi %get3A_30, %add3A_31 : vector<16xi32>
      %swap3A_33 = arith.constant 16 : index
      %swap3A_34 = tpu.vector_load %arg12[%swap3A_33] {strides = array<i32>} : memref<80xi32, #tpu.memory_space<vmem>>, vector<16xi32>,
      tpu.vector_store %arg12[%swap3A_33], %add3A_32 {strides = array<i32>} : memref<80xi32, #tpu.memory_space<vmem>>, vector<16xi32>,
      %get3A_35 = arith.constant 32 : index
      %get3A_36 = tpu.vector_load %arg12[%get3A_35] {strides = array<i32>} : memref<80xi32, #tpu.memory_space<vmem>>, vector<16xi32>,
      %add3A_37 = vector.broadcast %mul3A_6 : i32 to vector<16xi32>
      %add3A_38 = arith.addi %get3A_36, %add3A_37 : vector<16xi32>
      %swap3A_39 = arith.constant 32 : index
      %swap3A_40 = tpu.vector_load %arg12[%swap3A_39] {strides = array<i32>} : memref<80xi32, #tpu.memory_space<vmem>>, vector<16xi32>,
      tpu.vector_store %arg12[%swap3A_39], %add3A_38 {strides = array<i32>} : memref<80xi32, #tpu.memory_space<vmem>>, vector<16xi32>,
      %get3A_41 = arith.constant 48 : index
      %get3A_42 = tpu.vector_load %arg12[%get3A_41] {strides = array<i32>} : memref<80xi32, #tpu.memory_space<vmem>>, vector<16xi32>,
      %add3A_43 = vector.broadcast %mul3A_6 : i32 to vector<16xi32>
      %add3A_44 = arith.addi %get3A_42, %add3A_43 : vector<16xi32>
      %swap3A_45 = arith.constant 48 : index
      %swap3A_46 = tpu.vector_load %arg12[%swap3A_45] {strides = array<i32>} : memref<80xi32, #tpu.memory_space<vmem>>, vector<16xi32>,
      tpu.vector_store %arg12[%swap3A_45], %add3A_44 {strides = array<i32>} : memref<80xi32, #tpu.memory_space<vmem>>, vector<16xi32>,
      %get3A_47 = arith.constant 64 : index
      %get3A_48 = tpu.vector_load %arg12[%get3A_47] {strides = array<i32>} : memref<80xi32, #tpu.memory_space<vmem>>, vector<16xi32>,
      %add3A_49 = vector.broadcast %mul3A_6 : i32 to vector<16xi32>
      %add3A_50 = arith.addi %get3A_48, %add3A_49 : vector<16xi32>
      %swap3A_51 = arith.constant 64 : index
      %swap3A_52 = tpu.vector_load %arg12[%swap3A_51] {strides = array<i32>} : memref<80xi32, #tpu.memory_space<vmem>>, vector<16xi32>,
      tpu.vector_store %arg12[%swap3A_51], %add3A_50 {strides = array<i32>} : memref<80xi32, #tpu.memory_space<vmem>>, vector<16xi32>,
      %get3A_53 = arith.constant 0 : index
      %get3A_54 = tpu.vector_load %arg13[%get3A_53] {strides = array<i32>} : memref<80xi32, #tpu.memory_space<vmem>>, vector<16xi32>,
      %add3A_55 = vector.broadcast %mul3A_6 : i32 to vector<16xi32>
      %add3A_56 = arith.addi %get3A_54, %add3A_55 : vector<16xi32>
      %swap3A_57 = arith.constant 0 : index
      %swap3A_58 = tpu.vector_load %arg14[%swap3A_57] {strides = array<i32>} : memref<80xi32, #tpu.memory_space<vmem>>, vector<16xi32>,
      tpu.vector_store %arg14[%swap3A_57], %add3A_56 {strides = array<i32>} : memref<80xi32, #tpu.memory_space<vmem>>, vector<16xi32>,
      %get3A_59 = arith.constant 16 : index
      %get3A_60 = tpu.vector_load %arg13[%get3A_59] {strides = array<i32>} : memref<80xi32, #tpu.memory_space<vmem>>, vector<16xi32>,
      %add3A_61 = vector.broadcast %mul3A_6 : i32 to vector<16xi32>
      %add3A_62 = arith.addi %get3A_60, %add3A_61 : vector<16xi32>
      %swap3A_63 = arith.constant 16 : index
      %swap3A_64 = tpu.vector_load %arg14[%swap3A_63] {strides = array<i32>} : memref<80xi32, #tpu.memory_space<vmem>>, vector<16xi32>,
      tpu.vector_store %arg14[%swap3A_63], %add3A_62 {strides = array<i32>} : memref<80xi32, #tpu.memory_space<vmem>>, vector<16xi32>,
      %get3A_65 = arith.constant 32 : index
      %get3A_66 = tpu.vector_load %arg13[%get3A_65] {strides = array<i32>} : memref<80xi32, #tpu.memory_space<vmem>>, vector<16xi32>,
      %add3A_67 = vector.broadcast %mul3A_6 : i32 to vector<16xi32>
      %add3A_68 = arith.addi %get3A_66, %add3A_67 : vector<16xi32>
      %swap3A_69 = arith.constant 32 : index
      %swap3A_70 = tpu.vector_load %arg14[%swap3A_69] {strides = array<i32>} : memref<80xi32, #tpu.memory_space<vmem>>, vector<16xi32>,
      tpu.vector_store %arg14[%swap3A_69], %add3A_68 {strides = array<i32>} : memref<80xi32, #tpu.memory_space<vmem>>, vector<16xi32>,
      %get3A_71 = arith.constant 48 : index
      %get3A_72 = tpu.vector_load %arg13[%get3A_71] {strides = array<i32>} : memref<80xi32, #tpu.memory_space<vmem>>, vector<16xi32>,
      %add3A_73 = vector.broadcast %mul3A_6 : i32 to vector<16xi32>
      %add3A_74 = arith.addi %get3A_72, %add3A_73 : vector<16xi32>
      %swap3A_75 = arith.constant 48 : index
      %swap3A_76 = tpu.vector_load %arg14[%swap3A_75] {strides = array<i32>} : memref<80xi32, #tpu.memory_space<vmem>>, vector<16xi32>,
      tpu.vector_store %arg14[%swap3A_75], %add3A_74 {strides = array<i32>} : memref<80xi32, #tpu.memory_space<vmem>>, vector<16xi32>,
      %get3A_77 = arith.constant 64 : index
      %get3A_78 = tpu.vector_load %arg13[%get3A_77] {strides = array<i32>} : memref<80xi32, #tpu.memory_space<vmem>>, vector<16xi32>,
      %add3A_79 = vector.broadcast %mul3A_6 : i32 to vector<16xi32>
      %add3A_80 = arith.addi %get3A_78, %add3A_79 : vector<16xi32>
      %swap3A_81 = arith.constant 64 : index
      %swap3A_82 = tpu.vector_load %arg14[%swap3A_81] {strides = array<i32>} : memref<80xi32, #tpu.memory_space<vmem>>, vector<16xi32>,
      tpu.vector_store %arg14[%swap3A_81], %add3A_80 {strides = array<i32>} : memref<80xi32, #tpu.memory_space<vmem>>, vector<16xi32>,
      %dma_start3A = arith.constant 0 : i32
      %dma_start3A_83 = arith.constant 0 : i32
      %dma_start3A_84 = tpu.memref_slice %arg3[%dma_start3A, %dma_start3A_83] : memref<20000x64xf32, #tpu.memory_space<hbm>> -> memref<20000x64xf32, #tpu.memory_space<hbm>>
      tpu.enqueue_indirect_dma source(%dma_start3A_84 : memref<20000x64xf32, #tpu.memory_space<hbm>>) target(%arg15 : memref<80x64xf32, #tpu.memory_space<vmem>>) offsets(%arg12 : memref<80xi32, #tpu.memory_space<vmem>>) semaphore(%arg22 : memref<!tpu.dma_semaphore, #tpu.memory_space<semaphore_mem>>)
      %dma_start3A_85 = arith.constant 0 : i32
      %dma_start3A_86 = arith.constant 0 : i32
      %dma_start3A_87 = tpu.memref_slice %arg4[%dma_start3A_85, %dma_start3A_86] : memref<20000x64xf32, #tpu.memory_space<hbm>> -> memref<20000x64xf32, #tpu.memory_space<hbm>>
      tpu.enqueue_indirect_dma source(%dma_start3A_87 : memref<20000x64xf32, #tpu.memory_space<hbm>>) target(%arg16 : memref<80x64xf32, #tpu.memory_space<vmem>>) offsets(%arg12 : memref<80xi32, #tpu.memory_space<vmem>>) semaphore(%arg23 : memref<!tpu.dma_semaphore, #tpu.memory_space<semaphore_mem>>)
      %dma_start3A_88 = arith.constant 0 : i32
      %dma_start3A_89 = arith.constant 0 : i32
      %dma_start3A_90 = tpu.memref_slice %arg2[%dma_start3A_88, %dma_start3A_89] : memref<20000x64xf32, #tpu.memory_space<hbm>> -> memref<20000x64xf32, #tpu.memory_space<hbm>>
      tpu.enqueue_indirect_dma source(%dma_start3A_90 : memref<20000x64xf32, #tpu.memory_space<hbm>>) target(%arg17 : memref<80x64xf32, #tpu.memory_space<vmem>>) offsets(%arg14 : memref<80xi32, #tpu.memory_space<vmem>>) semaphore(%arg24 : memref<!tpu.dma_semaphore, #tpu.memory_space<semaphore_mem>>)
      %add3A_91 = arith.addi %mul3A_8, %add3A : i32
      "tpu.region"() ({
        %run_scoped3A = tpu.sem_alloc : memref<!tpu.dma_semaphore, #tpu.memory_space<semaphore_mem>>
        %dma_start3A_106 = arith.constant 0 : i32
        %dma_start3A_107 = tpu.memref_slice %arg5[%add3A_91, %dma_start3A_106] : memref<640000x128xf32, #tpu.memory_space<hbm>> -> memref<80x128xf32, #tpu.memory_space<hbm>>
        %dma_start3A_108 = arith.constant 0 : i32
        %dma_start3A_109 = tpu.memref_slice %arg5[%add3A_91, %dma_start3A_108] : memref<640000x128xf32, #tpu.memory_space<hbm>> -> memref<80x128xf32, #tpu.memory_space<hbm>>
        tpu.enqueue_dma source(%dma_start3A_109 : memref<80x128xf32, #tpu.memory_space<hbm>>) target(%arg18 : memref<80x128xf32, #tpu.memory_space<vmem>>) target_semaphore(%run_scoped3A : memref<!tpu.dma_semaphore, #tpu.memory_space<semaphore_mem>>)
        %dma_wait3A_110 = arith.constant 0 : i32
        %dma_wait3A_111 = tpu.memref_slice %arg5[%add3A_91, %dma_wait3A_110] : memref<640000x128xf32, #tpu.memory_space<hbm>> -> memref<80x128xf32, #tpu.memory_space<hbm>>
        %dma_wait3A_112 = arith.constant 0 : i32
        %dma_wait3A_113 = tpu.memref_slice %arg5[%add3A_91, %dma_wait3A_112] : memref<640000x128xf32, #tpu.memory_space<hbm>> -> memref<80x128xf32, #tpu.memory_space<hbm>>
        tpu.wait_dma2 semaphore(%run_scoped3A : memref<!tpu.dma_semaphore, #tpu.memory_space<semaphore_mem>>) src(%dma_wait3A_113 : memref<80x128xf32, #tpu.memory_space<hbm>>) dst(%arg18 : memref<80x128xf32, #tpu.memory_space<vmem>>)
        tpu.yield
      }) : () -> ()
      %dma_wait3A = arith.constant 0 : i32
      %dma_wait3A_92 = arith.constant 0 : i32
      %dma_wait3A_93 = tpu.memref_slice %arg3[%dma_wait3A, %dma_wait3A_92] : memref<20000x64xf32, #tpu.memory_space<hbm>> -> memref<20000x64xf32, #tpu.memory_space<hbm>>
      tpu.wait_indirect_dma semaphore(%arg22 : memref<!tpu.dma_semaphore, #tpu.memory_space<semaphore_mem>>) src(%dma_wait3A_93 : memref<20000x64xf32, #tpu.memory_space<hbm>>) dst(%arg15 : memref<80x64xf32, #tpu.memory_space<vmem>>)
      %dma_wait3A_94 = arith.constant 0 : i32
      %dma_wait3A_95 = arith.constant 0 : i32
      %dma_wait3A_96 = tpu.memref_slice %arg4[%dma_wait3A_94, %dma_wait3A_95] : memref<20000x64xf32, #tpu.memory_space<hbm>> -> memref<20000x64xf32, #tpu.memory_space<hbm>>
      tpu.wait_indirect_dma semaphore(%arg23 : memref<!tpu.dma_semaphore, #tpu.memory_space<semaphore_mem>>) src(%dma_wait3A_96 : memref<20000x64xf32, #tpu.memory_space<hbm>>) dst(%arg16 : memref<80x64xf32, #tpu.memory_space<vmem>>)
      %dma_wait3A_97 = arith.constant 0 : i32
      %dma_wait3A_98 = arith.constant 0 : i32
      %dma_wait3A_99 = tpu.memref_slice %arg2[%dma_wait3A_97, %dma_wait3A_98] : memref<20000x64xf32, #tpu.memory_space<hbm>> -> memref<20000x64xf32, #tpu.memory_space<hbm>>
      tpu.wait_indirect_dma semaphore(%arg24 : memref<!tpu.dma_semaphore, #tpu.memory_space<semaphore_mem>>) src(%dma_wait3A_99 : memref<20000x64xf32, #tpu.memory_space<hbm>>) dst(%arg17 : memref<80x64xf32, #tpu.memory_space<vmem>>)
      %scan3A_100 = arith.constant 0 : i32
      %scan3A_101 = arith.constant 0 : i32
      %scan3A_102 = arith.constant 80 : i32
      %scan3A_103 = arith.addi %scan3A_101, %scan3A_102 : i32
      %scan3A_104 = arith.constant 1 : i32
      scf.for %scan3A_106 = %scan3A_101 to %scan3A_103 step %scan3A_104  : i32 {
        %broadcast_in_dim3A = arith.constant 0.000000e+00 : f32
        %broadcast_in_dim3A_107 = vector.broadcast %broadcast_in_dim3A : f32 to vector<16xf32>
        %get3A_108 = arith.index_cast %scan3A_106 : i32 to index
        %get3A_109 = arith.constant 0 : index
        %get3A_110 = tpu.vector_load %arg17[%get3A_108, %get3A_109] {strides = array<i32>} : memref<80x64xf32, #tpu.memory_space<vmem>>, vector<16xf32>,
        %get3A_111 = arith.index_cast %scan3A_106 : i32 to index
        %get3A_112 = arith.constant 0 : index
        %get3A_113 = tpu.vector_load %arg15[%get3A_111, %get3A_112] {strides = array<i32>} : memref<80x64xf32, #tpu.memory_space<vmem>>, vector<16xf32>,
        %mul3A_114 = arith.mulf %get3A_110, %get3A_113 : vector<16xf32>
        %get3A_115 = arith.index_cast %scan3A_106 : i32 to index
        %get3A_116 = arith.constant 0 : index
        %get3A_117 = tpu.vector_load %arg18[%get3A_115, %get3A_116] {strides = array<i32>} : memref<80x128xf32, #tpu.memory_space<vmem>>, vector<16xf32>,
        %mul3A_118 = arith.mulf %mul3A_114, %get3A_117 : vector<16xf32>
        %get3A_119 = arith.index_cast %scan3A_106 : i32 to index
        %get3A_120 = arith.constant 16 : index
        %get3A_121 = tpu.vector_load %arg17[%get3A_119, %get3A_120] {strides = array<i32>} : memref<80x64xf32, #tpu.memory_space<vmem>>, vector<16xf32>,
        %get3A_122 = arith.index_cast %scan3A_106 : i32 to index
        %get3A_123 = arith.constant 16 : index
        %get3A_124 = tpu.vector_load %arg15[%get3A_122, %get3A_123] {strides = array<i32>} : memref<80x64xf32, #tpu.memory_space<vmem>>, vector<16xf32>,
        %mul3A_125 = arith.mulf %get3A_121, %get3A_124 : vector<16xf32>
        %get3A_126 = arith.index_cast %scan3A_106 : i32 to index
        %get3A_127 = arith.constant 16 : index
        %get3A_128 = tpu.vector_load %arg18[%get3A_126, %get3A_127] {strides = array<i32>} : memref<80x128xf32, #tpu.memory_space<vmem>>, vector<16xf32>,
        %mul3A_129 = arith.mulf %mul3A_125, %get3A_128 : vector<16xf32>
        %add3A_130 = arith.addf %mul3A_118, %mul3A_129 : vector<16xf32>
        %reduce_sum3A = arith.constant true
        %reduce_sum3A_131 = vector.broadcast %reduce_sum3A : i1 to vector<16xi1>
        %reduce_sum3A_132 = tpu.scan <sum>, %add3A_130 masked %reduce_sum3A_131 : vector<16xf32>, vector<16xi1> -> vector<16xf32>
        %reduce_sum3A_133 = vector.extract %reduce_sum3A_132[15] : f32 from vector<16xf32>
        %mul3A_134 = arith.constant 0.176776692 : f32
        %mul3A_135 = arith.mulf %reduce_sum3A_133, %mul3A_134 : f32
        %broadcast_in_dim3A_136 = vector.broadcast %mul3A_135 : f32 to vector<16xf32>
        %exp3A = math.exp %broadcast_in_dim3A_136 : vector<16xf32>
        %get3A_137 = arith.index_cast %scan3A_106 : i32 to index
        %get3A_138 = arith.constant 0 : index
        %get3A_139 = tpu.vector_load %arg16[%get3A_137, %get3A_138] {strides = array<i32>} : memref<80x64xf32, #tpu.memory_space<vmem>>, vector<16xf32>,
        %get3A_140 = arith.index_cast %scan3A_106 : i32 to index
        %get3A_141 = arith.constant 64 : index
        %get3A_142 = tpu.vector_load %arg18[%get3A_140, %get3A_141] {strides = array<i32>} : memref<80x128xf32, #tpu.memory_space<vmem>>, vector<16xf32>,
        %mul3A_143 = arith.mulf %get3A_139, %get3A_142 : vector<16xf32>
        %mul3A_144 = arith.mulf %mul3A_143, %exp3A : vector<16xf32>
        %swap3A_145 = arith.index_cast %scan3A_106 : i32 to index
        %swap3A_146 = arith.constant 0 : index
        %swap3A_147 = tpu.vector_load %arg16[%swap3A_145, %swap3A_146] {strides = array<i32>} : memref<80x64xf32, #tpu.memory_space<vmem>>, vector<16xf32>,
        tpu.vector_store %arg16[%swap3A_145, %swap3A_146], %mul3A_144 {strides = array<i32>} : memref<80x64xf32, #tpu.memory_space<vmem>>, vector<16xf32>,
        %get3A_148 = arith.index_cast %scan3A_106 : i32 to index
        %get3A_149 = arith.constant 16 : index
        %get3A_150 = tpu.vector_load %arg16[%get3A_148, %get3A_149] {strides = array<i32>} : memref<80x64xf32, #tpu.memory_space<vmem>>, vector<16xf32>,
        %get3A_151 = arith.index_cast %scan3A_106 : i32 to index
        %get3A_152 = arith.constant 80 : index
        %get3A_153 = tpu.vector_load %arg18[%get3A_151, %get3A_152] {strides = array<i32>} : memref<80x128xf32, #tpu.memory_space<vmem>>, vector<16xf32>,
        %mul3A_154 = arith.mulf %get3A_150, %get3A_153 : vector<16xf32>
        %mul3A_155 = arith.mulf %mul3A_154, %exp3A : vector<16xf32>
        %swap3A_156 = arith.index_cast %scan3A_106 : i32 to index
        %swap3A_157 = arith.constant 16 : index
        %swap3A_158 = tpu.vector_load %arg16[%swap3A_156, %swap3A_157] {strides = array<i32>} : memref<80x64xf32, #tpu.memory_space<vmem>>, vector<16xf32>,
        tpu.vector_store %arg16[%swap3A_156, %swap3A_157], %mul3A_155 {strides = array<i32>} : memref<80x64xf32, #tpu.memory_space<vmem>>, vector<16xf32>,
        %eq3A_159 = arith.constant 0 : i32
        %eq3A_160 = vector.broadcast %eq3A_159 : i32 to vector<16xi32>
        %eq3A_161 = arith.cmpi eq, %iota3A, %eq3A_160 : vector<16xi32>
        %select_n3A = arith.select %eq3A_161, %exp3A, %broadcast_in_dim3A_107 : vector<16xi1>, vector<16xf32>
        %get3A_162 = arith.index_cast %scan3A_106 : i32 to index
        %get3A_163 = arith.constant 32 : index
        %get3A_164 = tpu.vector_load %arg17[%get3A_162, %get3A_163] {strides = array<i32>} : memref<80x64xf32, #tpu.memory_space<vmem>>, vector<16xf32>,
        %get3A_165 = arith.index_cast %scan3A_106 : i32 to index
        %get3A_166 = arith.constant 32 : index
        %get3A_167 = tpu.vector_load %arg15[%get3A_165, %get3A_166] {strides = array<i32>} : memref<80x64xf32, #tpu.memory_space<vmem>>, vector<16xf32>,
        %mul3A_168 = arith.mulf %get3A_164, %get3A_167 : vector<16xf32>
        %get3A_169 = arith.index_cast %scan3A_106 : i32 to index
        %get3A_170 = arith.constant 32 : index
        %get3A_171 = tpu.vector_load %arg18[%get3A_169, %get3A_170] {strides = array<i32>} : memref<80x128xf32, #tpu.memory_space<vmem>>, vector<16xf32>,
        %mul3A_172 = arith.mulf %mul3A_168, %get3A_171 : vector<16xf32>
        %get3A_173 = arith.index_cast %scan3A_106 : i32 to index
        %get3A_174 = arith.constant 48 : index
        %get3A_175 = tpu.vector_load %arg17[%get3A_173, %get3A_174] {strides = array<i32>} : memref<80x64xf32, #tpu.memory_space<vmem>>, vector<16xf32>,
        %get3A_176 = arith.index_cast %scan3A_106 : i32 to index
        %get3A_177 = arith.constant 48 : index
        %get3A_178 = tpu.vector_load %arg15[%get3A_176, %get3A_177] {strides = array<i32>} : memref<80x64xf32, #tpu.memory_space<vmem>>, vector<16xf32>,
        %mul3A_179 = arith.mulf %get3A_175, %get3A_178 : vector<16xf32>
        %get3A_180 = arith.index_cast %scan3A_106 : i32 to index
        %get3A_181 = arith.constant 48 : index
        %get3A_182 = tpu.vector_load %arg18[%get3A_180, %get3A_181] {strides = array<i32>} : memref<80x128xf32, #tpu.memory_space<vmem>>, vector<16xf32>,
        %mul3A_183 = arith.mulf %mul3A_179, %get3A_182 : vector<16xf32>
        %add3A_184 = arith.addf %mul3A_172, %mul3A_183 : vector<16xf32>
        %reduce_sum3A_185 = arith.constant true
        %reduce_sum3A_186 = vector.broadcast %reduce_sum3A_185 : i1 to vector<16xi1>
        %reduce_sum3A_187 = tpu.scan <sum>, %add3A_184 masked %reduce_sum3A_186 : vector<16xf32>, vector<16xi1> -> vector<16xf32>
        %reduce_sum3A_188 = vector.extract %reduce_sum3A_187[15] : f32 from vector<16xf32>
        %mul3A_189 = arith.constant 0.176776692 : f32
        %mul3A_190 = arith.mulf %reduce_sum3A_188, %mul3A_189 : f32
        %broadcast_in_dim3A_191 = vector.broadcast %mul3A_190 : f32 to vector<16xf32>
        %exp3A_192 = math.exp %broadcast_in_dim3A_191 : vector<16xf32>
        %get3A_193 = arith.index_cast %scan3A_106 : i32 to index
        %get3A_194 = arith.constant 32 : index
        %get3A_195 = tpu.vector_load %arg16[%get3A_193, %get3A_194] {strides = array<i32>} : memref<80x64xf32, #tpu.memory_space<vmem>>, vector<16xf32>,
        %get3A_196 = arith.index_cast %scan3A_106 : i32 to index
        %get3A_197 = arith.constant 96 : index
        %get3A_198 = tpu.vector_load %arg18[%get3A_196, %get3A_197] {strides = array<i32>} : memref<80x128xf32, #tpu.memory_space<vmem>>, vector<16xf32>,
        %mul3A_199 = arith.mulf %get3A_195, %get3A_198 : vector<16xf32>
        %mul3A_200 = arith.mulf %mul3A_199, %exp3A_192 : vector<16xf32>
        %swap3A_201 = arith.index_cast %scan3A_106 : i32 to index
        %swap3A_202 = arith.constant 32 : index
        %swap3A_203 = tpu.vector_load %arg16[%swap3A_201, %swap3A_202] {strides = array<i32>} : memref<80x64xf32, #tpu.memory_space<vmem>>, vector<16xf32>,
        tpu.vector_store %arg16[%swap3A_201, %swap3A_202], %mul3A_200 {strides = array<i32>} : memref<80x64xf32, #tpu.memory_space<vmem>>, vector<16xf32>,
        %get3A_204 = arith.index_cast %scan3A_106 : i32 to index
        %get3A_205 = arith.constant 48 : index
        %get3A_206 = tpu.vector_load %arg16[%get3A_204, %get3A_205] {strides = array<i32>} : memref<80x64xf32, #tpu.memory_space<vmem>>, vector<16xf32>,
        %get3A_207 = arith.index_cast %scan3A_106 : i32 to index
        %get3A_208 = arith.constant 112 : index
        %get3A_209 = tpu.vector_load %arg18[%get3A_207, %get3A_208] {strides = array<i32>} : memref<80x128xf32, #tpu.memory_space<vmem>>, vector<16xf32>,
        %mul3A_210 = arith.mulf %get3A_206, %get3A_209 : vector<16xf32>
        %mul3A_211 = arith.mulf %mul3A_210, %exp3A_192 : vector<16xf32>
        %swap3A_212 = arith.index_cast %scan3A_106 : i32 to index
        %swap3A_213 = arith.constant 48 : index
        %swap3A_214 = tpu.vector_load %arg16[%swap3A_212, %swap3A_213] {strides = array<i32>} : memref<80x64xf32, #tpu.memory_space<vmem>>, vector<16xf32>,
        tpu.vector_store %arg16[%swap3A_212, %swap3A_213], %mul3A_211 {strides = array<i32>} : memref<80x64xf32, #tpu.memory_space<vmem>>, vector<16xf32>,
        %eq3A_215 = arith.constant 1 : i32
        %eq3A_216 = vector.broadcast %eq3A_215 : i32 to vector<16xi32>
        %eq3A_217 = arith.cmpi eq, %iota3A, %eq3A_216 : vector<16xi32>
        %select_n3A_218 = arith.select %eq3A_217, %exp3A_192, %select_n3A : vector<16xi1>, vector<16xf32>
        %swap3A_219 = arith.index_cast %scan3A_106 : i32 to index
        %swap3A_220 = arith.constant 0 : index
        %swap3A_221 = tpu.vector_load %arg19[%swap3A_219, %swap3A_220] {strides = array<i32>} : memref<80x16xf32, #tpu.memory_space<vmem>>, vector<16xf32>,
        tpu.vector_store %arg19[%swap3A_219, %swap3A_220], %select_n3A_218 {strides = array<i32>} : memref<80x16xf32, #tpu.memory_space<vmem>>, vector<16xf32>,
      }
      %scan3A_105 = arith.constant 80 : i32
      "tpu.region"() ({
        %run_scoped3A = tpu.sem_alloc : memref<!tpu.dma_semaphore, #tpu.memory_space<semaphore_mem>>
        %dma_start3A_106 = arith.constant 0 : i32
        %dma_start3A_107 = arith.constant 0 : i32
        %dma_start3A_108 = tpu.memref_slice %arg20[%dma_start3A_106, %dma_start3A_107] : memref<10000x64xf32, #tpu.memory_space<vmem_shared>> -> memref<10000x64xf32, #tpu.memory_space<vmem_shared>>
        tpu.enqueue_indirect_dma source(%arg16 : memref<80x64xf32, #tpu.memory_space<vmem>>) target(%dma_start3A_108 : memref<10000x64xf32, #tpu.memory_space<vmem_shared>>) offsets(%arg13 : memref<80xi32, #tpu.memory_space<vmem>>) semaphore(%run_scoped3A : memref<!tpu.dma_semaphore, #tpu.memory_space<semaphore_mem>>) {add = true}
        %dma_wait3A_109 = arith.constant 0 : i32
        %dma_wait3A_110 = arith.constant 0 : i32
        %dma_wait3A_111 = tpu.memref_slice %arg20[%dma_wait3A_109, %dma_wait3A_110] : memref<10000x64xf32, #tpu.memory_space<vmem_shared>> -> memref<10000x64xf32, #tpu.memory_space<vmem_shared>>
        tpu.wait_indirect_dma semaphore(%run_scoped3A : memref<!tpu.dma_semaphore, #tpu.memory_space<semaphore_mem>>) src(%arg16 : memref<80x64xf32, #tpu.memory_space<vmem>>) dst(%dma_wait3A_111 : memref<10000x64xf32, #tpu.memory_space<vmem_shared>>)
        tpu.yield
      }) : () -> ()
      "tpu.region"() ({
        %run_scoped3A = tpu.sem_alloc : memref<!tpu.dma_semaphore, #tpu.memory_space<semaphore_mem>>
        %dma_start3A_106 = arith.constant 0 : i32
        %dma_start3A_107 = arith.constant 0 : i32
        %dma_start3A_108 = tpu.memref_slice %arg21[%dma_start3A_106, %dma_start3A_107] : memref<10000x16xf32, #tpu.memory_space<vmem_shared>> -> memref<10000x16xf32, #tpu.memory_space<vmem_shared>>
        tpu.enqueue_indirect_dma source(%arg19 : memref<80x16xf32, #tpu.memory_space<vmem>>) target(%dma_start3A_108 : memref<10000x16xf32, #tpu.memory_space<vmem_shared>>) offsets(%arg13 : memref<80xi32, #tpu.memory_space<vmem>>) semaphore(%run_scoped3A : memref<!tpu.dma_semaphore, #tpu.memory_space<semaphore_mem>>) {add = true}
        %dma_wait3A_109 = arith.constant 0 : i32
        %dma_wait3A_110 = arith.constant 0 : i32
        %dma_wait3A_111 = tpu.memref_slice %arg21[%dma_wait3A_109, %dma_wait3A_110] : memref<10000x16xf32, #tpu.memory_space<vmem_shared>> -> memref<10000x16xf32, #tpu.memory_space<vmem_shared>>
        tpu.wait_indirect_dma semaphore(%run_scoped3A : memref<!tpu.dma_semaphore, #tpu.memory_space<semaphore_mem>>) src(%arg19 : memref<80x16xf32, #tpu.memory_space<vmem>>) dst(%dma_wait3A_111 : memref<10000x16xf32, #tpu.memory_space<vmem_shared>>)
        tpu.yield
      }) : () -> ()
    }
    %scan3A_13 = arith.constant 250 : i32
    %barrier3A_14 = arith.constant 0 : index
    tpu.barrier barrier_id(%barrier3A_14)
    %mul3A_15 = arith.constant 624 : i32
    %mul3A_16 = arith.muli %arg1, %mul3A_15 : i32
    "tpu.region"() ({
      %run_scoped3A = tpu.sem_alloc : memref<!tpu.dma_semaphore, #tpu.memory_space<semaphore_mem>>
      %dma_start3A = arith.constant 0 : i32
      %dma_start3A_22 = tpu.memref_slice %arg10[%arg0, %mul3A_16, %dma_start3A] : memref<2x10000x64xf32, #tpu.memory_space<hbm>> -> memref<1x624x64xf32, #tpu.memory_space<hbm>>
      %dma_start3A_23 = tpu.memref_squeeze %dma_start3A_22 : memref<1x624x64xf32, #tpu.memory_space<hbm>> -> memref<624x64xf32, #tpu.memory_space<hbm>>
      %dma_start3A_24 = arith.constant 0 : i32
      %dma_start3A_25 = tpu.memref_slice %arg20[%mul3A_16, %dma_start3A_24] : memref<10000x64xf32, #tpu.memory_space<vmem_shared>> -> memref<624x64xf32, #tpu.memory_space<vmem_shared>>
      tpu.enqueue_dma source(%dma_start3A_25 : memref<624x64xf32, #tpu.memory_space<vmem_shared>>) target(%dma_start3A_23 : memref<624x64xf32, #tpu.memory_space<hbm>>) target_semaphore(%run_scoped3A : memref<!tpu.dma_semaphore, #tpu.memory_space<semaphore_mem>>)
      %dma_wait3A = arith.constant 0 : i32
      %dma_wait3A_26 = tpu.memref_slice %arg10[%arg0, %mul3A_16, %dma_wait3A] : memref<2x10000x64xf32, #tpu.memory_space<hbm>> -> memref<1x624x64xf32, #tpu.memory_space<hbm>>
      %dma_wait3A_27 = tpu.memref_squeeze %dma_wait3A_26 : memref<1x624x64xf32, #tpu.memory_space<hbm>> -> memref<624x64xf32, #tpu.memory_space<hbm>>
      %dma_wait3A_28 = arith.constant 0 : i32
      %dma_wait3A_29 = tpu.memref_slice %arg20[%mul3A_16, %dma_wait3A_28] : memref<10000x64xf32, #tpu.memory_space<vmem_shared>> -> memref<624x64xf32, #tpu.memory_space<vmem_shared>>
      tpu.wait_dma2 semaphore(%run_scoped3A : memref<!tpu.dma_semaphore, #tpu.memory_space<semaphore_mem>>) src(%dma_wait3A_29 : memref<624x64xf32, #tpu.memory_space<vmem_shared>>) dst(%dma_wait3A_27 : memref<624x64xf32, #tpu.memory_space<hbm>>)
      tpu.yield
    }) : () -> ()
    "tpu.region"() ({
      %run_scoped3A = tpu.sem_alloc : memref<!tpu.dma_semaphore, #tpu.memory_space<semaphore_mem>>
      %dma_start3A = arith.constant 0 : i32
      %dma_start3A_22 = tpu.memref_slice %arg11[%arg0, %mul3A_16, %dma_start3A] : memref<2x10000x16xf32, #tpu.memory_space<hbm>> -> memref<1x624x16xf32, #tpu.memory_space<hbm>>
      %dma_start3A_23 = tpu.memref_squeeze %dma_start3A_22 : memref<1x624x16xf32, #tpu.memory_space<hbm>> -> memref<624x16xf32, #tpu.memory_space<hbm>>
      %dma_start3A_24 = arith.constant 0 : i32
      %dma_start3A_25 = tpu.memref_slice %arg21[%mul3A_16, %dma_start3A_24] : memref<10000x16xf32, #tpu.memory_space<vmem_shared>> -> memref<624x16xf32, #tpu.memory_space<vmem_shared>>
      tpu.enqueue_dma source(%dma_start3A_25 : memref<624x16xf32, #tpu.memory_space<vmem_shared>>) target(%dma_start3A_23 : memref<624x16xf32, #tpu.memory_space<hbm>>) target_semaphore(%run_scoped3A : memref<!tpu.dma_semaphore, #tpu.memory_space<semaphore_mem>>)
      %dma_wait3A = arith.constant 0 : i32
      %dma_wait3A_26 = tpu.memref_slice %arg11[%arg0, %mul3A_16, %dma_wait3A] : memref<2x10000x16xf32, #tpu.memory_space<hbm>> -> memref<1x624x16xf32, #tpu.memory_space<hbm>>
      %dma_wait3A_27 = tpu.memref_squeeze %dma_wait3A_26 : memref<1x624x16xf32, #tpu.memory_space<hbm>> -> memref<624x16xf32, #tpu.memory_space<hbm>>
      %dma_wait3A_28 = arith.constant 0 : i32
      %dma_wait3A_29 = tpu.memref_slice %arg21[%mul3A_16, %dma_wait3A_28] : memref<10000x16xf32, #tpu.memory_space<vmem_shared>> -> memref<624x16xf32, #tpu.memory_space<vmem_shared>>
      tpu.wait_dma2 semaphore(%run_scoped3A : memref<!tpu.dma_semaphore, #tpu.memory_space<semaphore_mem>>) src(%dma_wait3A_29 : memref<624x16xf32, #tpu.memory_space<vmem_shared>>) dst(%dma_wait3A_27 : memref<624x16xf32, #tpu.memory_space<hbm>>)
      tpu.yield
    }) : () -> ()
    %eq3A_17 = arith.constant 0 : i32
    %eq3A_18 = arith.cmpi eq, %arg1, %eq3A_17 : i32
    %convert_element_type3A_19 = arith.extui %eq3A_18 : i1 to i32
    %cond3A_20 = arith.constant 0 : i32
    %cond3A_21 = arith.cmpi ne, %convert_element_type3A_19, %cond3A_20 : i32
    scf.if %cond3A_21 {
      "tpu.region"() ({
        %run_scoped3A = tpu.sem_alloc : memref<!tpu.dma_semaphore, #tpu.memory_space<semaphore_mem>>
        %dma_start3A = arith.constant 9984 : i32
        %dma_start3A_22 = arith.constant 0 : i32
        %dma_start3A_23 = tpu.memref_slice %arg10[%arg0, %dma_start3A, %dma_start3A_22] : memref<2x10000x64xf32, #tpu.memory_space<hbm>> -> memref<1x16x64xf32, #tpu.memory_space<hbm>>
        %dma_start3A_24 = tpu.memref_squeeze %dma_start3A_23 : memref<1x16x64xf32, #tpu.memory_space<hbm>> -> memref<16x64xf32, #tpu.memory_space<hbm>>
        %dma_start3A_25 = arith.constant 9984 : i32
        %dma_start3A_26 = arith.constant 0 : i32
        %dma_start3A_27 = tpu.memref_slice %arg20[%dma_start3A_25, %dma_start3A_26] : memref<10000x64xf32, #tpu.memory_space<vmem_shared>> -> memref<16x64xf32, #tpu.memory_space<vmem_shared>>
        tpu.enqueue_dma source(%dma_start3A_27 : memref<16x64xf32, #tpu.memory_space<vmem_shared>>) target(%dma_start3A_24 : memref<16x64xf32, #tpu.memory_space<hbm>>) target_semaphore(%run_scoped3A : memref<!tpu.dma_semaphore, #tpu.memory_space<semaphore_mem>>)
        %dma_wait3A = arith.constant 9984 : i32
        %dma_wait3A_28 = arith.constant 0 : i32
        %dma_wait3A_29 = tpu.memref_slice %arg10[%arg0, %dma_wait3A, %dma_wait3A_28] : memref<2x10000x64xf32, #tpu.memory_space<hbm>> -> memref<1x16x64xf32, #tpu.memory_space<hbm>>
        %dma_wait3A_30 = tpu.memref_squeeze %dma_wait3A_29 : memref<1x16x64xf32, #tpu.memory_space<hbm>> -> memref<16x64xf32, #tpu.memory_space<hbm>>
        %dma_wait3A_31 = arith.constant 9984 : i32
        %dma_wait3A_32 = arith.constant 0 : i32
        %dma_wait3A_33 = tpu.memref_slice %arg20[%dma_wait3A_31, %dma_wait3A_32] : memref<10000x64xf32, #tpu.memory_space<vmem_shared>> -> memref<16x64xf32, #tpu.memory_space<vmem_shared>>
        tpu.wait_dma2 semaphore(%run_scoped3A : memref<!tpu.dma_semaphore, #tpu.memory_space<semaphore_mem>>) src(%dma_wait3A_33 : memref<16x64xf32, #tpu.memory_space<vmem_shared>>) dst(%dma_wait3A_30 : memref<16x64xf32, #tpu.memory_space<hbm>>)
        tpu.yield
      }) : () -> ()
      "tpu.region"() ({
        %run_scoped3A = tpu.sem_alloc : memref<!tpu.dma_semaphore, #tpu.memory_space<semaphore_mem>>
        %dma_start3A = arith.constant 9984 : i32
        %dma_start3A_22 = arith.constant 0 : i32
        %dma_start3A_23 = tpu.memref_slice %arg11[%arg0, %dma_start3A, %dma_start3A_22] : memref<2x10000x16xf32, #tpu.memory_space<hbm>> -> memref<1x16x16xf32, #tpu.memory_space<hbm>>
        %dma_start3A_24 = tpu.memref_squeeze %dma_start3A_23 : memref<1x16x16xf32, #tpu.memory_space<hbm>> -> memref<16x16xf32, #tpu.memory_space<hbm>>
        %dma_start3A_25 = arith.constant 9984 : i32
        %dma_start3A_26 = arith.constant 0 : i32
        %dma_start3A_27 = tpu.memref_slice %arg21[%dma_start3A_25, %dma_start3A_26] : memref<10000x16xf32, #tpu.memory_space<vmem_shared>> -> memref<16x16xf32, #tpu.memory_space<vmem_shared>>
        tpu.enqueue_dma source(%dma_start3A_27 : memref<16x16xf32, #tpu.memory_space<vmem_shared>>) target(%dma_start3A_24 : memref<16x16xf32, #tpu.memory_space<hbm>>) target_semaphore(%run_scoped3A : memref<!tpu.dma_semaphore, #tpu.memory_space<semaphore_mem>>)
        %dma_wait3A = arith.constant 9984 : i32
        %dma_wait3A_28 = arith.constant 0 : i32
        %dma_wait3A_29 = tpu.memref_slice %arg11[%arg0, %dma_wait3A, %dma_wait3A_28] : memref<2x10000x16xf32, #tpu.memory_space<hbm>> -> memref<1x16x16xf32, #tpu.memory_space<hbm>>
        %dma_wait3A_30 = tpu.memref_squeeze %dma_wait3A_29 : memref<1x16x16xf32, #tpu.memory_space<hbm>> -> memref<16x16xf32, #tpu.memory_space<hbm>>
        %dma_wait3A_31 = arith.constant 9984 : i32
        %dma_wait3A_32 = arith.constant 0 : i32
        %dma_wait3A_33 = tpu.memref_slice %arg21[%dma_wait3A_31, %dma_wait3A_32] : memref<10000x16xf32, #tpu.memory_space<vmem_shared>> -> memref<16x16xf32, #tpu.memory_space<vmem_shared>>
        tpu.wait_dma2 semaphore(%run_scoped3A : memref<!tpu.dma_semaphore, #tpu.memory_space<semaphore_mem>>) src(%dma_wait3A_33 : memref<16x16xf32, #tpu.memory_space<vmem_shared>>) dst(%dma_wait3A_30 : memref<16x16xf32, #tpu.memory_space<hbm>>)
        tpu.yield
      }) : () -> ()
    } else {
    }
    return
  }
}

#map = affine_map<(d0, d1) -> (0, 0)>
#map1 = affine_map<(d0, d1) -> (0)>
#map2 = affine_map<(d0, d1) -> (0, 0, 0)>
module attributes {stable_mosaic.version = 14 : i64} {
  func.func @_sc_conv_body(%arg0: i32, %arg1: i32, %arg2: memref<20000x64xf32, #tpu.memory_space<hbm>>, %arg3: memref<640000x64xf32, #tpu.memory_space<hbm>>, %arg4: memref<320000xi32, #tpu.memory_space<hbm>>, %arg5: memref<320000xi32, #tpu.memory_space<hbm>>, %arg6: memref<624x64xf32, #tpu.memory_space<hbm>>, %arg7: memref<624x16xf32, #tpu.memory_space<hbm>>, %arg8: memref<2x10000x64xf32, #tpu.memory_space<hbm>>, %arg9: memref<2x10000x16xf32, #tpu.memory_space<hbm>>, %arg10: memref<80xi32, #tpu.memory_space<vmem>>, %arg11: memref<80xi32, #tpu.memory_space<vmem>>, %arg12: memref<80x64xf32, #tpu.memory_space<vmem>>, %arg13: memref<80x64xf32, #tpu.memory_space<vmem>>, %arg14: memref<80x16xf32, #tpu.memory_space<vmem>>, %arg15: memref<10000x64xf32, #tpu.memory_space<vmem_shared>>, %arg16: memref<10000x16xf32, #tpu.memory_space<vmem_shared>>, %arg17: memref<!tpu.dma_semaphore, #tpu.memory_space<semaphore_mem>>) attributes {dimension_semantics = [#tpu.dimension_semantics<core_parallel>, #tpu.dimension_semantics<subcore_parallel>], iteration_bounds = array<i64: 2, 16>, scalar_prefetch = 0 : i64, scratch_operands = 8 : i64, tpu.core_type = #tpu.core_type<sc_vector_subcore>, window_params = [{transform_indices = #map}, {transform_indices = #map}, {transform_indices = #map1}, {transform_indices = #map1}, {transform_indices = #map}, {transform_indices = #map}, {transform_indices = #map2}, {transform_indices = #map2}]} {
    %mul3A = arith.constant 624 : i32
    %mul3A_0 = arith.muli %arg1, %mul3A : i32
    "tpu.region"() ({
      %run_scoped3A = tpu.sem_alloc : memref<!tpu.dma_semaphore, #tpu.memory_space<semaphore_mem>>
      %dma_start3A = arith.constant 0 : i32
      %dma_start3A_33 = tpu.memref_slice %arg15[%mul3A_0, %dma_start3A] : memref<10000x64xf32, #tpu.memory_space<vmem_shared>> -> memref<624x64xf32, #tpu.memory_space<vmem_shared>>
      tpu.enqueue_dma source(%arg6 : memref<624x64xf32, #tpu.memory_space<hbm>>) target(%dma_start3A_33 : memref<624x64xf32, #tpu.memory_space<vmem_shared>>) target_semaphore(%run_scoped3A : memref<!tpu.dma_semaphore, #tpu.memory_space<semaphore_mem>>)
      %dma_wait3A = arith.constant 0 : i32
      %dma_wait3A_34 = tpu.memref_slice %arg15[%mul3A_0, %dma_wait3A] : memref<10000x64xf32, #tpu.memory_space<vmem_shared>> -> memref<624x64xf32, #tpu.memory_space<vmem_shared>>
      tpu.wait_dma2 semaphore(%run_scoped3A : memref<!tpu.dma_semaphore, #tpu.memory_space<semaphore_mem>>) src(%arg6 : memref<624x64xf32, #tpu.memory_space<hbm>>) dst(%dma_wait3A_34 : memref<624x64xf32, #tpu.memory_space<vmem_shared>>)
      tpu.yield
    }) : () -> ()
    "tpu.region"() ({
      %run_scoped3A = tpu.sem_alloc : memref<!tpu.dma_semaphore, #tpu.memory_space<semaphore_mem>>
      %dma_start3A = arith.constant 0 : i32
      %dma_start3A_33 = tpu.memref_slice %arg16[%mul3A_0, %dma_start3A] : memref<10000x16xf32, #tpu.memory_space<vmem_shared>> -> memref<624x16xf32, #tpu.memory_space<vmem_shared>>
      tpu.enqueue_dma source(%arg7 : memref<624x16xf32, #tpu.memory_space<hbm>>) target(%dma_start3A_33 : memref<624x16xf32, #tpu.memory_space<vmem_shared>>) target_semaphore(%run_scoped3A : memref<!tpu.dma_semaphore, #tpu.memory_space<semaphore_mem>>)
      %dma_wait3A = arith.constant 0 : i32
      %dma_wait3A_34 = tpu.memref_slice %arg16[%mul3A_0, %dma_wait3A] : memref<10000x16xf32, #tpu.memory_space<vmem_shared>> -> memref<624x16xf32, #tpu.memory_space<vmem_shared>>
      tpu.wait_dma2 semaphore(%run_scoped3A : memref<!tpu.dma_semaphore, #tpu.memory_space<semaphore_mem>>) src(%arg7 : memref<624x16xf32, #tpu.memory_space<hbm>>) dst(%dma_wait3A_34 : memref<624x16xf32, #tpu.memory_space<vmem_shared>>)
      tpu.yield
    }) : () -> ()
    %eq3A = arith.constant 0 : i32
    %eq3A_1 = arith.cmpi eq, %arg1, %eq3A : i32
    %convert_element_type3A = arith.extui %eq3A_1 : i1 to i32
    %cond3A = arith.constant 0 : i32
    %cond3A_2 = arith.cmpi ne, %convert_element_type3A, %cond3A : i32
    scf.if %cond3A_2 {
      "tpu.region"() ({
        %run_scoped3A = tpu.sem_alloc : memref<!tpu.dma_semaphore, #tpu.memory_space<semaphore_mem>>
        %dma_start3A = arith.constant 9984 : i32
        %dma_start3A_33 = arith.constant 0 : i32
        %dma_start3A_34 = tpu.memref_slice %arg15[%dma_start3A, %dma_start3A_33] : memref<10000x64xf32, #tpu.memory_space<vmem_shared>> -> memref<16x64xf32, #tpu.memory_space<vmem_shared>>
        %dma_start3A_35 = arith.constant 0 : i32
        %dma_start3A_36 = arith.constant 0 : i32
        %dma_start3A_37 = tpu.memref_slice %arg6[%dma_start3A_35, %dma_start3A_36] : memref<624x64xf32, #tpu.memory_space<hbm>> -> memref<16x64xf32, #tpu.memory_space<hbm>>
        tpu.enqueue_dma source(%dma_start3A_37 : memref<16x64xf32, #tpu.memory_space<hbm>>) target(%dma_start3A_34 : memref<16x64xf32, #tpu.memory_space<vmem_shared>>) target_semaphore(%run_scoped3A : memref<!tpu.dma_semaphore, #tpu.memory_space<semaphore_mem>>)
        %dma_wait3A = arith.constant 9984 : i32
        %dma_wait3A_38 = arith.constant 0 : i32
        %dma_wait3A_39 = tpu.memref_slice %arg15[%dma_wait3A, %dma_wait3A_38] : memref<10000x64xf32, #tpu.memory_space<vmem_shared>> -> memref<16x64xf32, #tpu.memory_space<vmem_shared>>
        %dma_wait3A_40 = arith.constant 0 : i32
        %dma_wait3A_41 = arith.constant 0 : i32
        %dma_wait3A_42 = tpu.memref_slice %arg6[%dma_wait3A_40, %dma_wait3A_41] : memref<624x64xf32, #tpu.memory_space<hbm>> -> memref<16x64xf32, #tpu.memory_space<hbm>>
        tpu.wait_dma2 semaphore(%run_scoped3A : memref<!tpu.dma_semaphore, #tpu.memory_space<semaphore_mem>>) src(%dma_wait3A_42 : memref<16x64xf32, #tpu.memory_space<hbm>>) dst(%dma_wait3A_39 : memref<16x64xf32, #tpu.memory_space<vmem_shared>>)
        tpu.yield
      }) : () -> ()
      "tpu.region"() ({
        %run_scoped3A = tpu.sem_alloc : memref<!tpu.dma_semaphore, #tpu.memory_space<semaphore_mem>>
        %dma_start3A = arith.constant 9984 : i32
        %dma_start3A_33 = arith.constant 0 : i32
        %dma_start3A_34 = tpu.memref_slice %arg16[%dma_start3A, %dma_start3A_33] : memref<10000x16xf32, #tpu.memory_space<vmem_shared>> -> memref<16x16xf32, #tpu.memory_space<vmem_shared>>
        %dma_start3A_35 = arith.constant 0 : i32
        %dma_start3A_36 = arith.constant 0 : i32
        %dma_start3A_37 = tpu.memref_slice %arg7[%dma_start3A_35, %dma_start3A_36] : memref<624x16xf32, #tpu.memory_space<hbm>> -> memref<16x16xf32, #tpu.memory_space<hbm>>
        tpu.enqueue_dma source(%dma_start3A_37 : memref<16x16xf32, #tpu.memory_space<hbm>>) target(%dma_start3A_34 : memref<16x16xf32, #tpu.memory_space<vmem_shared>>) target_semaphore(%run_scoped3A : memref<!tpu.dma_semaphore, #tpu.memory_space<semaphore_mem>>)
        %dma_wait3A = arith.constant 9984 : i32
        %dma_wait3A_38 = arith.constant 0 : i32
        %dma_wait3A_39 = tpu.memref_slice %arg16[%dma_wait3A, %dma_wait3A_38] : memref<10000x16xf32, #tpu.memory_space<vmem_shared>> -> memref<16x16xf32, #tpu.memory_space<vmem_shared>>
        %dma_wait3A_40 = arith.constant 0 : i32
        %dma_wait3A_41 = arith.constant 0 : i32
        %dma_wait3A_42 = tpu.memref_slice %arg7[%dma_wait3A_40, %dma_wait3A_41] : memref<624x16xf32, #tpu.memory_space<hbm>> -> memref<16x16xf32, #tpu.memory_space<hbm>>
        tpu.wait_dma2 semaphore(%run_scoped3A : memref<!tpu.dma_semaphore, #tpu.memory_space<semaphore_mem>>) src(%dma_wait3A_42 : memref<16x16xf32, #tpu.memory_space<hbm>>) dst(%dma_wait3A_39 : memref<16x16xf32, #tpu.memory_space<vmem_shared>>)
        tpu.yield
      }) : () -> ()
    } else {
    }
    %barrier3A = arith.constant 0 : index
    tpu.barrier barrier_id(%barrier3A)
    %mul3A_3 = arith.constant 20000 : i32
    %mul3A_4 = arith.muli %arg1, %mul3A_3 : i32
    %mul3A_5 = arith.constant 10000 : i32
    %mul3A_6 = arith.muli %arg0, %mul3A_5 : i32
    %mul3A_7 = arith.constant 320000 : i32
    %mul3A_8 = arith.muli %arg0, %mul3A_7 : i32
    %iota3A = tpu.iota {dimensions = array<i32: 0>} : vector<16xi32>
    %eq3A_9 = arith.constant 0 : i32
    %eq3A_10 = vector.broadcast %eq3A_9 : i32 to vector<16xi32>
    %eq3A_11 = arith.cmpi eq, %iota3A, %eq3A_10 : vector<16xi32>
    %jit3A = arith.constant 1.000000e+00 : f32
    %jit3A_12 = arith.constant 0.000000e+00 : f32
    %broadcast_in_dim3A = vector.broadcast %jit3A : f32 to vector<16xf32>
    %broadcast_in_dim3A_13 = vector.broadcast %jit3A_12 : f32 to vector<16xf32>
    %select_n3A = arith.select %eq3A_11, %broadcast_in_dim3A, %broadcast_in_dim3A_13 : vector<16xi1>, vector<16xf32>
    %scan3A = arith.constant 0 : i32
    %scan3A_14 = arith.constant 0 : i32
    %scan3A_15 = arith.constant 80 : i32
    %scan3A_16 = arith.addi %scan3A_14, %scan3A_15 : i32
    %scan3A_17 = arith.constant 1 : i32
    scf.for %scan3A_33 = %scan3A_14 to %scan3A_16 step %scan3A_17  : i32 {
      %swap3A = arith.index_cast %scan3A_33 : i32 to index
      %swap3A_34 = arith.constant 0 : index
      %swap3A_35 = tpu.vector_load %arg14[%swap3A, %swap3A_34] {strides = array<i32>} : memref<80x16xf32, #tpu.memory_space<vmem>>, vector<16xf32>,
      tpu.vector_store %arg14[%swap3A, %swap3A_34], %select_n3A {strides = array<i32>} : memref<80x16xf32, #tpu.memory_space<vmem>>, vector<16xf32>,
    }
    %scan3A_18 = arith.constant 80 : i32
    %scan3A_19 = arith.constant 0 : i32
    %scan3A_20 = arith.constant 0 : i32
    %scan3A_21 = arith.constant 250 : i32
    %scan3A_22 = arith.addi %scan3A_20, %scan3A_21 : i32
    %scan3A_23 = arith.constant 1 : i32
    scf.for %scan3A_33 = %scan3A_20 to %scan3A_22 step %scan3A_23  : i32 {
      %mul3A_34 = arith.constant 80 : i32
      %mul3A_35 = arith.muli %scan3A_33, %mul3A_34 : i32
      %add3A = arith.addi %mul3A_4, %mul3A_35 : i32
      "tpu.region"() ({
        %run_scoped3A = tpu.sem_alloc : memref<!tpu.dma_semaphore, #tpu.memory_space<semaphore_mem>>
        %dma_start3A_75 = tpu.memref_slice %arg4[%add3A] : memref<320000xi32, #tpu.memory_space<hbm>> -> memref<80xi32, #tpu.memory_space<hbm>>
        %dma_start3A_76 = tpu.memref_slice %arg4[%add3A] : memref<320000xi32, #tpu.memory_space<hbm>> -> memref<80xi32, #tpu.memory_space<hbm>>
        tpu.enqueue_dma source(%dma_start3A_76 : memref<80xi32, #tpu.memory_space<hbm>>) target(%arg10 : memref<80xi32, #tpu.memory_space<vmem>>) target_semaphore(%run_scoped3A : memref<!tpu.dma_semaphore, #tpu.memory_space<semaphore_mem>>)
        %dma_wait3A_77 = tpu.memref_slice %arg4[%add3A] : memref<320000xi32, #tpu.memory_space<hbm>> -> memref<80xi32, #tpu.memory_space<hbm>>
        %dma_wait3A_78 = tpu.memref_slice %arg4[%add3A] : memref<320000xi32, #tpu.memory_space<hbm>> -> memref<80xi32, #tpu.memory_space<hbm>>
        tpu.wait_dma2 semaphore(%run_scoped3A : memref<!tpu.dma_semaphore, #tpu.memory_space<semaphore_mem>>) src(%dma_wait3A_78 : memref<80xi32, #tpu.memory_space<hbm>>) dst(%arg10 : memref<80xi32, #tpu.memory_space<vmem>>)
        tpu.yield
      }) : () -> ()
      "tpu.region"() ({
        %run_scoped3A = tpu.sem_alloc : memref<!tpu.dma_semaphore, #tpu.memory_space<semaphore_mem>>
        %dma_start3A_75 = tpu.memref_slice %arg5[%add3A] : memref<320000xi32, #tpu.memory_space<hbm>> -> memref<80xi32, #tpu.memory_space<hbm>>
        %dma_start3A_76 = tpu.memref_slice %arg5[%add3A] : memref<320000xi32, #tpu.memory_space<hbm>> -> memref<80xi32, #tpu.memory_space<hbm>>
        tpu.enqueue_dma source(%dma_start3A_76 : memref<80xi32, #tpu.memory_space<hbm>>) target(%arg11 : memref<80xi32, #tpu.memory_space<vmem>>) target_semaphore(%run_scoped3A : memref<!tpu.dma_semaphore, #tpu.memory_space<semaphore_mem>>)
        %dma_wait3A_77 = tpu.memref_slice %arg5[%add3A] : memref<320000xi32, #tpu.memory_space<hbm>> -> memref<80xi32, #tpu.memory_space<hbm>>
        %dma_wait3A_78 = tpu.memref_slice %arg5[%add3A] : memref<320000xi32, #tpu.memory_space<hbm>> -> memref<80xi32, #tpu.memory_space<hbm>>
        tpu.wait_dma2 semaphore(%run_scoped3A : memref<!tpu.dma_semaphore, #tpu.memory_space<semaphore_mem>>) src(%dma_wait3A_78 : memref<80xi32, #tpu.memory_space<hbm>>) dst(%arg11 : memref<80xi32, #tpu.memory_space<vmem>>)
        tpu.yield
      }) : () -> ()
      %get3A = arith.constant 0 : index
      %get3A_36 = tpu.vector_load %arg10[%get3A] {strides = array<i32>} : memref<80xi32, #tpu.memory_space<vmem>>, vector<16xi32>,
      %add3A_37 = vector.broadcast %mul3A_6 : i32 to vector<16xi32>
      %add3A_38 = arith.addi %get3A_36, %add3A_37 : vector<16xi32>
      %swap3A = arith.constant 0 : index
      %swap3A_39 = tpu.vector_load %arg10[%swap3A] {strides = array<i32>} : memref<80xi32, #tpu.memory_space<vmem>>, vector<16xi32>,
      tpu.vector_store %arg10[%swap3A], %add3A_38 {strides = array<i32>} : memref<80xi32, #tpu.memory_space<vmem>>, vector<16xi32>,
      %get3A_40 = arith.constant 16 : index
      %get3A_41 = tpu.vector_load %arg10[%get3A_40] {strides = array<i32>} : memref<80xi32, #tpu.memory_space<vmem>>, vector<16xi32>,
      %add3A_42 = vector.broadcast %mul3A_6 : i32 to vector<16xi32>
      %add3A_43 = arith.addi %get3A_41, %add3A_42 : vector<16xi32>
      %swap3A_44 = arith.constant 16 : index
      %swap3A_45 = tpu.vector_load %arg10[%swap3A_44] {strides = array<i32>} : memref<80xi32, #tpu.memory_space<vmem>>, vector<16xi32>,
      tpu.vector_store %arg10[%swap3A_44], %add3A_43 {strides = array<i32>} : memref<80xi32, #tpu.memory_space<vmem>>, vector<16xi32>,
      %get3A_46 = arith.constant 32 : index
      %get3A_47 = tpu.vector_load %arg10[%get3A_46] {strides = array<i32>} : memref<80xi32, #tpu.memory_space<vmem>>, vector<16xi32>,
      %add3A_48 = vector.broadcast %mul3A_6 : i32 to vector<16xi32>
      %add3A_49 = arith.addi %get3A_47, %add3A_48 : vector<16xi32>
      %swap3A_50 = arith.constant 32 : index
      %swap3A_51 = tpu.vector_load %arg10[%swap3A_50] {strides = array<i32>} : memref<80xi32, #tpu.memory_space<vmem>>, vector<16xi32>,
      tpu.vector_store %arg10[%swap3A_50], %add3A_49 {strides = array<i32>} : memref<80xi32, #tpu.memory_space<vmem>>, vector<16xi32>,
      %get3A_52 = arith.constant 48 : index
      %get3A_53 = tpu.vector_load %arg10[%get3A_52] {strides = array<i32>} : memref<80xi32, #tpu.memory_space<vmem>>, vector<16xi32>,
      %add3A_54 = vector.broadcast %mul3A_6 : i32 to vector<16xi32>
      %add3A_55 = arith.addi %get3A_53, %add3A_54 : vector<16xi32>
      %swap3A_56 = arith.constant 48 : index
      %swap3A_57 = tpu.vector_load %arg10[%swap3A_56] {strides = array<i32>} : memref<80xi32, #tpu.memory_space<vmem>>, vector<16xi32>,
      tpu.vector_store %arg10[%swap3A_56], %add3A_55 {strides = array<i32>} : memref<80xi32, #tpu.memory_space<vmem>>, vector<16xi32>,
      %get3A_58 = arith.constant 64 : index
      %get3A_59 = tpu.vector_load %arg10[%get3A_58] {strides = array<i32>} : memref<80xi32, #tpu.memory_space<vmem>>, vector<16xi32>,
      %add3A_60 = vector.broadcast %mul3A_6 : i32 to vector<16xi32>
      %add3A_61 = arith.addi %get3A_59, %add3A_60 : vector<16xi32>
      %swap3A_62 = arith.constant 64 : index
      %swap3A_63 = tpu.vector_load %arg10[%swap3A_62] {strides = array<i32>} : memref<80xi32, #tpu.memory_space<vmem>>, vector<16xi32>,
      tpu.vector_store %arg10[%swap3A_62], %add3A_61 {strides = array<i32>} : memref<80xi32, #tpu.memory_space<vmem>>, vector<16xi32>,
      %dma_start3A = arith.constant 0 : i32
      %dma_start3A_64 = arith.constant 0 : i32
      %dma_start3A_65 = tpu.memref_slice %arg2[%dma_start3A, %dma_start3A_64] : memref<20000x64xf32, #tpu.memory_space<hbm>> -> memref<20000x64xf32, #tpu.memory_space<hbm>>
      tpu.enqueue_indirect_dma source(%dma_start3A_65 : memref<20000x64xf32, #tpu.memory_space<hbm>>) target(%arg12 : memref<80x64xf32, #tpu.memory_space<vmem>>) offsets(%arg10 : memref<80xi32, #tpu.memory_space<vmem>>) semaphore(%arg17 : memref<!tpu.dma_semaphore, #tpu.memory_space<semaphore_mem>>)
      %add3A_66 = arith.addi %mul3A_8, %add3A : i32
      "tpu.region"() ({
        %run_scoped3A = tpu.sem_alloc : memref<!tpu.dma_semaphore, #tpu.memory_space<semaphore_mem>>
        %dma_start3A_75 = arith.constant 0 : i32
        %dma_start3A_76 = tpu.memref_slice %arg3[%add3A_66, %dma_start3A_75] : memref<640000x64xf32, #tpu.memory_space<hbm>> -> memref<80x64xf32, #tpu.memory_space<hbm>>
        %dma_start3A_77 = arith.constant 0 : i32
        %dma_start3A_78 = tpu.memref_slice %arg3[%add3A_66, %dma_start3A_77] : memref<640000x64xf32, #tpu.memory_space<hbm>> -> memref<80x64xf32, #tpu.memory_space<hbm>>
        tpu.enqueue_dma source(%dma_start3A_78 : memref<80x64xf32, #tpu.memory_space<hbm>>) target(%arg13 : memref<80x64xf32, #tpu.memory_space<vmem>>) target_semaphore(%run_scoped3A : memref<!tpu.dma_semaphore, #tpu.memory_space<semaphore_mem>>)
        %dma_wait3A_79 = arith.constant 0 : i32
        %dma_wait3A_80 = tpu.memref_slice %arg3[%add3A_66, %dma_wait3A_79] : memref<640000x64xf32, #tpu.memory_space<hbm>> -> memref<80x64xf32, #tpu.memory_space<hbm>>
        %dma_wait3A_81 = arith.constant 0 : i32
        %dma_wait3A_82 = tpu.memref_slice %arg3[%add3A_66, %dma_wait3A_81] : memref<640000x64xf32, #tpu.memory_space<hbm>> -> memref<80x64xf32, #tpu.memory_space<hbm>>
        tpu.wait_dma2 semaphore(%run_scoped3A : memref<!tpu.dma_semaphore, #tpu.memory_space<semaphore_mem>>) src(%dma_wait3A_82 : memref<80x64xf32, #tpu.memory_space<hbm>>) dst(%arg13 : memref<80x64xf32, #tpu.memory_space<vmem>>)
        tpu.yield
      }) : () -> ()
      %dma_wait3A = arith.constant 0 : i32
      %dma_wait3A_67 = arith.constant 0 : i32
      %dma_wait3A_68 = tpu.memref_slice %arg2[%dma_wait3A, %dma_wait3A_67] : memref<20000x64xf32, #tpu.memory_space<hbm>> -> memref<20000x64xf32, #tpu.memory_space<hbm>>
      tpu.wait_indirect_dma semaphore(%arg17 : memref<!tpu.dma_semaphore, #tpu.memory_space<semaphore_mem>>) src(%dma_wait3A_68 : memref<20000x64xf32, #tpu.memory_space<hbm>>) dst(%arg12 : memref<80x64xf32, #tpu.memory_space<vmem>>)
      %scan3A_69 = arith.constant 0 : i32
      %scan3A_70 = arith.constant 0 : i32
      %scan3A_71 = arith.constant 80 : i32
      %scan3A_72 = arith.addi %scan3A_70, %scan3A_71 : i32
      %scan3A_73 = arith.constant 1 : i32
      scf.for %scan3A_75 = %scan3A_70 to %scan3A_72 step %scan3A_73  : i32 {
        %get3A_76 = arith.index_cast %scan3A_75 : i32 to index
        %get3A_77 = arith.constant 0 : index
        %get3A_78 = tpu.vector_load %arg12[%get3A_76, %get3A_77] {strides = array<i32>} : memref<80x64xf32, #tpu.memory_space<vmem>>, vector<16xf32>,
        %get3A_79 = arith.index_cast %scan3A_75 : i32 to index
        %get3A_80 = arith.constant 0 : index
        %get3A_81 = tpu.vector_load %arg13[%get3A_79, %get3A_80] {strides = array<i32>} : memref<80x64xf32, #tpu.memory_space<vmem>>, vector<16xf32>,
        %mul3A_82 = arith.mulf %get3A_78, %get3A_81 : vector<16xf32>
        %swap3A_83 = arith.index_cast %scan3A_75 : i32 to index
        %swap3A_84 = arith.constant 0 : index
        %swap3A_85 = tpu.vector_load %arg12[%swap3A_83, %swap3A_84] {strides = array<i32>} : memref<80x64xf32, #tpu.memory_space<vmem>>, vector<16xf32>,
        tpu.vector_store %arg12[%swap3A_83, %swap3A_84], %mul3A_82 {strides = array<i32>} : memref<80x64xf32, #tpu.memory_space<vmem>>, vector<16xf32>,
        %get3A_86 = arith.index_cast %scan3A_75 : i32 to index
        %get3A_87 = arith.constant 16 : index
        %get3A_88 = tpu.vector_load %arg12[%get3A_86, %get3A_87] {strides = array<i32>} : memref<80x64xf32, #tpu.memory_space<vmem>>, vector<16xf32>,
        %get3A_89 = arith.index_cast %scan3A_75 : i32 to index
        %get3A_90 = arith.constant 16 : index
        %get3A_91 = tpu.vector_load %arg13[%get3A_89, %get3A_90] {strides = array<i32>} : memref<80x64xf32, #tpu.memory_space<vmem>>, vector<16xf32>,
        %mul3A_92 = arith.mulf %get3A_88, %get3A_91 : vector<16xf32>
        %swap3A_93 = arith.index_cast %scan3A_75 : i32 to index
        %swap3A_94 = arith.constant 16 : index
        %swap3A_95 = tpu.vector_load %arg12[%swap3A_93, %swap3A_94] {strides = array<i32>} : memref<80x64xf32, #tpu.memory_space<vmem>>, vector<16xf32>,
        tpu.vector_store %arg12[%swap3A_93, %swap3A_94], %mul3A_92 {strides = array<i32>} : memref<80x64xf32, #tpu.memory_space<vmem>>, vector<16xf32>,
        %get3A_96 = arith.index_cast %scan3A_75 : i32 to index
        %get3A_97 = arith.constant 32 : index
        %get3A_98 = tpu.vector_load %arg12[%get3A_96, %get3A_97] {strides = array<i32>} : memref<80x64xf32, #tpu.memory_space<vmem>>, vector<16xf32>,
        %get3A_99 = arith.index_cast %scan3A_75 : i32 to index
        %get3A_100 = arith.constant 32 : index
        %get3A_101 = tpu.vector_load %arg13[%get3A_99, %get3A_100] {strides = array<i32>} : memref<80x64xf32, #tpu.memory_space<vmem>>, vector<16xf32>,
        %mul3A_102 = arith.mulf %get3A_98, %get3A_101 : vector<16xf32>
        %swap3A_103 = arith.index_cast %scan3A_75 : i32 to index
        %swap3A_104 = arith.constant 32 : index
        %swap3A_105 = tpu.vector_load %arg12[%swap3A_103, %swap3A_104] {strides = array<i32>} : memref<80x64xf32, #tpu.memory_space<vmem>>, vector<16xf32>,
        tpu.vector_store %arg12[%swap3A_103, %swap3A_104], %mul3A_102 {strides = array<i32>} : memref<80x64xf32, #tpu.memory_space<vmem>>, vector<16xf32>,
        %get3A_106 = arith.index_cast %scan3A_75 : i32 to index
        %get3A_107 = arith.constant 48 : index
        %get3A_108 = tpu.vector_load %arg12[%get3A_106, %get3A_107] {strides = array<i32>} : memref<80x64xf32, #tpu.memory_space<vmem>>, vector<16xf32>,
        %get3A_109 = arith.index_cast %scan3A_75 : i32 to index
        %get3A_110 = arith.constant 48 : index
        %get3A_111 = tpu.vector_load %arg13[%get3A_109, %get3A_110] {strides = array<i32>} : memref<80x64xf32, #tpu.memory_space<vmem>>, vector<16xf32>,
        %mul3A_112 = arith.mulf %get3A_108, %get3A_111 : vector<16xf32>
        %swap3A_113 = arith.index_cast %scan3A_75 : i32 to index
        %swap3A_114 = arith.constant 48 : index
        %swap3A_115 = tpu.vector_load %arg12[%swap3A_113, %swap3A_114] {strides = array<i32>} : memref<80x64xf32, #tpu.memory_space<vmem>>, vector<16xf32>,
        tpu.vector_store %arg12[%swap3A_113, %swap3A_114], %mul3A_112 {strides = array<i32>} : memref<80x64xf32, #tpu.memory_space<vmem>>, vector<16xf32>,
      }
      %scan3A_74 = arith.constant 80 : i32
      "tpu.region"() ({
        %run_scoped3A = tpu.sem_alloc : memref<!tpu.dma_semaphore, #tpu.memory_space<semaphore_mem>>
        %dma_start3A_75 = arith.constant 0 : i32
        %dma_start3A_76 = arith.constant 0 : i32
        %dma_start3A_77 = tpu.memref_slice %arg15[%dma_start3A_75, %dma_start3A_76] : memref<10000x64xf32, #tpu.memory_space<vmem_shared>> -> memref<10000x64xf32, #tpu.memory_space<vmem_shared>>
        tpu.enqueue_indirect_dma source(%arg12 : memref<80x64xf32, #tpu.memory_space<vmem>>) target(%dma_start3A_77 : memref<10000x64xf32, #tpu.memory_space<vmem_shared>>) offsets(%arg11 : memref<80xi32, #tpu.memory_space<vmem>>) semaphore(%run_scoped3A : memref<!tpu.dma_semaphore, #tpu.memory_space<semaphore_mem>>) {add = true}
        %dma_wait3A_78 = arith.constant 0 : i32
        %dma_wait3A_79 = arith.constant 0 : i32
        %dma_wait3A_80 = tpu.memref_slice %arg15[%dma_wait3A_78, %dma_wait3A_79] : memref<10000x64xf32, #tpu.memory_space<vmem_shared>> -> memref<10000x64xf32, #tpu.memory_space<vmem_shared>>
        tpu.wait_indirect_dma semaphore(%run_scoped3A : memref<!tpu.dma_semaphore, #tpu.memory_space<semaphore_mem>>) src(%arg12 : memref<80x64xf32, #tpu.memory_space<vmem>>) dst(%dma_wait3A_80 : memref<10000x64xf32, #tpu.memory_space<vmem_shared>>)
        tpu.yield
      }) : () -> ()
      "tpu.region"() ({
        %run_scoped3A = tpu.sem_alloc : memref<!tpu.dma_semaphore, #tpu.memory_space<semaphore_mem>>
        %dma_start3A_75 = arith.constant 0 : i32
        %dma_start3A_76 = arith.constant 0 : i32
        %dma_start3A_77 = tpu.memref_slice %arg16[%dma_start3A_75, %dma_start3A_76] : memref<10000x16xf32, #tpu.memory_space<vmem_shared>> -> memref<10000x16xf32, #tpu.memory_space<vmem_shared>>
        tpu.enqueue_indirect_dma source(%arg14 : memref<80x16xf32, #tpu.memory_space<vmem>>) target(%dma_start3A_77 : memref<10000x16xf32, #tpu.memory_space<vmem_shared>>) offsets(%arg11 : memref<80xi32, #tpu.memory_space<vmem>>) semaphore(%run_scoped3A : memref<!tpu.dma_semaphore, #tpu.memory_space<semaphore_mem>>) {add = true}
        %dma_wait3A_78 = arith.constant 0 : i32
        %dma_wait3A_79 = arith.constant 0 : i32
        %dma_wait3A_80 = tpu.memref_slice %arg16[%dma_wait3A_78, %dma_wait3A_79] : memref<10000x16xf32, #tpu.memory_space<vmem_shared>> -> memref<10000x16xf32, #tpu.memory_space<vmem_shared>>
        tpu.wait_indirect_dma semaphore(%run_scoped3A : memref<!tpu.dma_semaphore, #tpu.memory_space<semaphore_mem>>) src(%arg14 : memref<80x16xf32, #tpu.memory_space<vmem>>) dst(%dma_wait3A_80 : memref<10000x16xf32, #tpu.memory_space<vmem_shared>>)
        tpu.yield
      }) : () -> ()
    }
    %scan3A_24 = arith.constant 250 : i32
    %barrier3A_25 = arith.constant 0 : index
    tpu.barrier barrier_id(%barrier3A_25)
    %mul3A_26 = arith.constant 624 : i32
    %mul3A_27 = arith.muli %arg1, %mul3A_26 : i32
    "tpu.region"() ({
      %run_scoped3A = tpu.sem_alloc : memref<!tpu.dma_semaphore, #tpu.memory_space<semaphore_mem>>
      %dma_start3A = arith.constant 0 : i32
      %dma_start3A_33 = tpu.memref_slice %arg8[%arg0, %mul3A_27, %dma_start3A] : memref<2x10000x64xf32, #tpu.memory_space<hbm>> -> memref<1x624x64xf32, #tpu.memory_space<hbm>>
      %dma_start3A_34 = tpu.memref_squeeze %dma_start3A_33 : memref<1x624x64xf32, #tpu.memory_space<hbm>> -> memref<624x64xf32, #tpu.memory_space<hbm>>
      %dma_start3A_35 = arith.constant 0 : i32
      %dma_start3A_36 = tpu.memref_slice %arg15[%mul3A_27, %dma_start3A_35] : memref<10000x64xf32, #tpu.memory_space<vmem_shared>> -> memref<624x64xf32, #tpu.memory_space<vmem_shared>>
      tpu.enqueue_dma source(%dma_start3A_36 : memref<624x64xf32, #tpu.memory_space<vmem_shared>>) target(%dma_start3A_34 : memref<624x64xf32, #tpu.memory_space<hbm>>) target_semaphore(%run_scoped3A : memref<!tpu.dma_semaphore, #tpu.memory_space<semaphore_mem>>)
      %dma_wait3A = arith.constant 0 : i32
      %dma_wait3A_37 = tpu.memref_slice %arg8[%arg0, %mul3A_27, %dma_wait3A] : memref<2x10000x64xf32, #tpu.memory_space<hbm>> -> memref<1x624x64xf32, #tpu.memory_space<hbm>>
      %dma_wait3A_38 = tpu.memref_squeeze %dma_wait3A_37 : memref<1x624x64xf32, #tpu.memory_space<hbm>> -> memref<624x64xf32, #tpu.memory_space<hbm>>
      %dma_wait3A_39 = arith.constant 0 : i32
      %dma_wait3A_40 = tpu.memref_slice %arg15[%mul3A_27, %dma_wait3A_39] : memref<10000x64xf32, #tpu.memory_space<vmem_shared>> -> memref<624x64xf32, #tpu.memory_space<vmem_shared>>
      tpu.wait_dma2 semaphore(%run_scoped3A : memref<!tpu.dma_semaphore, #tpu.memory_space<semaphore_mem>>) src(%dma_wait3A_40 : memref<624x64xf32, #tpu.memory_space<vmem_shared>>) dst(%dma_wait3A_38 : memref<624x64xf32, #tpu.memory_space<hbm>>)
      tpu.yield
    }) : () -> ()
    "tpu.region"() ({
      %run_scoped3A = tpu.sem_alloc : memref<!tpu.dma_semaphore, #tpu.memory_space<semaphore_mem>>
      %dma_start3A = arith.constant 0 : i32
      %dma_start3A_33 = tpu.memref_slice %arg9[%arg0, %mul3A_27, %dma_start3A] : memref<2x10000x16xf32, #tpu.memory_space<hbm>> -> memref<1x624x16xf32, #tpu.memory_space<hbm>>
      %dma_start3A_34 = tpu.memref_squeeze %dma_start3A_33 : memref<1x624x16xf32, #tpu.memory_space<hbm>> -> memref<624x16xf32, #tpu.memory_space<hbm>>
      %dma_start3A_35 = arith.constant 0 : i32
      %dma_start3A_36 = tpu.memref_slice %arg16[%mul3A_27, %dma_start3A_35] : memref<10000x16xf32, #tpu.memory_space<vmem_shared>> -> memref<624x16xf32, #tpu.memory_space<vmem_shared>>
      tpu.enqueue_dma source(%dma_start3A_36 : memref<624x16xf32, #tpu.memory_space<vmem_shared>>) target(%dma_start3A_34 : memref<624x16xf32, #tpu.memory_space<hbm>>) target_semaphore(%run_scoped3A : memref<!tpu.dma_semaphore, #tpu.memory_space<semaphore_mem>>)
      %dma_wait3A = arith.constant 0 : i32
      %dma_wait3A_37 = tpu.memref_slice %arg9[%arg0, %mul3A_27, %dma_wait3A] : memref<2x10000x16xf32, #tpu.memory_space<hbm>> -> memref<1x624x16xf32, #tpu.memory_space<hbm>>
      %dma_wait3A_38 = tpu.memref_squeeze %dma_wait3A_37 : memref<1x624x16xf32, #tpu.memory_space<hbm>> -> memref<624x16xf32, #tpu.memory_space<hbm>>
      %dma_wait3A_39 = arith.constant 0 : i32
      %dma_wait3A_40 = tpu.memref_slice %arg16[%mul3A_27, %dma_wait3A_39] : memref<10000x16xf32, #tpu.memory_space<vmem_shared>> -> memref<624x16xf32, #tpu.memory_space<vmem_shared>>
      tpu.wait_dma2 semaphore(%run_scoped3A : memref<!tpu.dma_semaphore, #tpu.memory_space<semaphore_mem>>) src(%dma_wait3A_40 : memref<624x16xf32, #tpu.memory_space<vmem_shared>>) dst(%dma_wait3A_38 : memref<624x16xf32, #tpu.memory_space<hbm>>)
      tpu.yield
    }) : () -> ()
    %eq3A_28 = arith.constant 0 : i32
    %eq3A_29 = arith.cmpi eq, %arg1, %eq3A_28 : i32
    %convert_element_type3A_30 = arith.extui %eq3A_29 : i1 to i32
    %cond3A_31 = arith.constant 0 : i32
    %cond3A_32 = arith.cmpi ne, %convert_element_type3A_30, %cond3A_31 : i32
    scf.if %cond3A_32 {
      "tpu.region"() ({
        %run_scoped3A = tpu.sem_alloc : memref<!tpu.dma_semaphore, #tpu.memory_space<semaphore_mem>>
        %dma_start3A = arith.constant 9984 : i32
        %dma_start3A_33 = arith.constant 0 : i32
        %dma_start3A_34 = tpu.memref_slice %arg8[%arg0, %dma_start3A, %dma_start3A_33] : memref<2x10000x64xf32, #tpu.memory_space<hbm>> -> memref<1x16x64xf32, #tpu.memory_space<hbm>>
        %dma_start3A_35 = tpu.memref_squeeze %dma_start3A_34 : memref<1x16x64xf32, #tpu.memory_space<hbm>> -> memref<16x64xf32, #tpu.memory_space<hbm>>
        %dma_start3A_36 = arith.constant 9984 : i32
        %dma_start3A_37 = arith.constant 0 : i32
        %dma_start3A_38 = tpu.memref_slice %arg15[%dma_start3A_36, %dma_start3A_37] : memref<10000x64xf32, #tpu.memory_space<vmem_shared>> -> memref<16x64xf32, #tpu.memory_space<vmem_shared>>
        tpu.enqueue_dma source(%dma_start3A_38 : memref<16x64xf32, #tpu.memory_space<vmem_shared>>) target(%dma_start3A_35 : memref<16x64xf32, #tpu.memory_space<hbm>>) target_semaphore(%run_scoped3A : memref<!tpu.dma_semaphore, #tpu.memory_space<semaphore_mem>>)
        %dma_wait3A = arith.constant 9984 : i32
        %dma_wait3A_39 = arith.constant 0 : i32
        %dma_wait3A_40 = tpu.memref_slice %arg8[%arg0, %dma_wait3A, %dma_wait3A_39] : memref<2x10000x64xf32, #tpu.memory_space<hbm>> -> memref<1x16x64xf32, #tpu.memory_space<hbm>>
        %dma_wait3A_41 = tpu.memref_squeeze %dma_wait3A_40 : memref<1x16x64xf32, #tpu.memory_space<hbm>> -> memref<16x64xf32, #tpu.memory_space<hbm>>
        %dma_wait3A_42 = arith.constant 9984 : i32
        %dma_wait3A_43 = arith.constant 0 : i32
        %dma_wait3A_44 = tpu.memref_slice %arg15[%dma_wait3A_42, %dma_wait3A_43] : memref<10000x64xf32, #tpu.memory_space<vmem_shared>> -> memref<16x64xf32, #tpu.memory_space<vmem_shared>>
        tpu.wait_dma2 semaphore(%run_scoped3A : memref<!tpu.dma_semaphore, #tpu.memory_space<semaphore_mem>>) src(%dma_wait3A_44 : memref<16x64xf32, #tpu.memory_space<vmem_shared>>) dst(%dma_wait3A_41 : memref<16x64xf32, #tpu.memory_space<hbm>>)
        tpu.yield
      }) : () -> ()
      "tpu.region"() ({
        %run_scoped3A = tpu.sem_alloc : memref<!tpu.dma_semaphore, #tpu.memory_space<semaphore_mem>>
        %dma_start3A = arith.constant 9984 : i32
        %dma_start3A_33 = arith.constant 0 : i32
        %dma_start3A_34 = tpu.memref_slice %arg9[%arg0, %dma_start3A, %dma_start3A_33] : memref<2x10000x16xf32, #tpu.memory_space<hbm>> -> memref<1x16x16xf32, #tpu.memory_space<hbm>>
        %dma_start3A_35 = tpu.memref_squeeze %dma_start3A_34 : memref<1x16x16xf32, #tpu.memory_space<hbm>> -> memref<16x16xf32, #tpu.memory_space<hbm>>
        %dma_start3A_36 = arith.constant 9984 : i32
        %dma_start3A_37 = arith.constant 0 : i32
        %dma_start3A_38 = tpu.memref_slice %arg16[%dma_start3A_36, %dma_start3A_37] : memref<10000x16xf32, #tpu.memory_space<vmem_shared>> -> memref<16x16xf32, #tpu.memory_space<vmem_shared>>
        tpu.enqueue_dma source(%dma_start3A_38 : memref<16x16xf32, #tpu.memory_space<vmem_shared>>) target(%dma_start3A_35 : memref<16x16xf32, #tpu.memory_space<hbm>>) target_semaphore(%run_scoped3A : memref<!tpu.dma_semaphore, #tpu.memory_space<semaphore_mem>>)
        %dma_wait3A = arith.constant 9984 : i32
        %dma_wait3A_39 = arith.constant 0 : i32
        %dma_wait3A_40 = tpu.memref_slice %arg9[%arg0, %dma_wait3A, %dma_wait3A_39] : memref<2x10000x16xf32, #tpu.memory_space<hbm>> -> memref<1x16x16xf32, #tpu.memory_space<hbm>>
        %dma_wait3A_41 = tpu.memref_squeeze %dma_wait3A_40 : memref<1x16x16xf32, #tpu.memory_space<hbm>> -> memref<16x16xf32, #tpu.memory_space<hbm>>
        %dma_wait3A_42 = arith.constant 9984 : i32
        %dma_wait3A_43 = arith.constant 0 : i32
        %dma_wait3A_44 = tpu.memref_slice %arg16[%dma_wait3A_42, %dma_wait3A_43] : memref<10000x16xf32, #tpu.memory_space<vmem_shared>> -> memref<16x16xf32, #tpu.memory_space<vmem_shared>>
        tpu.wait_dma2 semaphore(%run_scoped3A : memref<!tpu.dma_semaphore, #tpu.memory_space<semaphore_mem>>) src(%dma_wait3A_44 : memref<16x16xf32, #tpu.memory_space<vmem_shared>>) dst(%dma_wait3A_41 : memref<16x16xf32, #tpu.memory_space<hbm>>)
        tpu.yield
      }) : () -> ()
    } else {
    }
    return
  }
}

#map = affine_map<(d0, d1) -> (0, 0)>
#map1 = affine_map<(d0, d1) -> (0)>
#map2 = affine_map<(d0, d1) -> (0, 0, 0)>
module attributes {stable_mosaic.version = 14 : i64} {
  func.func @_sc_att_body(%arg0: i32, %arg1: i32, %arg2: memref<20000x64xf32, #tpu.memory_space<hbm>>, %arg3: memref<20000x64xf32, #tpu.memory_space<hbm>>, %arg4: memref<20000x64xf32, #tpu.memory_space<hbm>>, %arg5: memref<640000x128xf32, #tpu.memory_space<hbm>>, %arg6: memref<320000xi32, #tpu.memory_space<hbm>>, %arg7: memref<320000xi32, #tpu.memory_space<hbm>>, %arg8: memref<624x64xf32, #tpu.memory_space<hbm>>, %arg9: memref<624x16xf32, #tpu.memory_space<hbm>>, %arg10: memref<2x10000x64xf32, #tpu.memory_space<hbm>>, %arg11: memref<2x10000x16xf32, #tpu.memory_space<hbm>>, %arg12: memref<80xi32, #tpu.memory_space<vmem>>, %arg13: memref<80xi32, #tpu.memory_space<vmem>>, %arg14: memref<80xi32, #tpu.memory_space<vmem>>, %arg15: memref<80x64xf32, #tpu.memory_space<vmem>>, %arg16: memref<80x64xf32, #tpu.memory_space<vmem>>, %arg17: memref<80x64xf32, #tpu.memory_space<vmem>>, %arg18: memref<80x128xf32, #tpu.memory_space<vmem>>, %arg19: memref<80x16xf32, #tpu.memory_space<vmem>>, %arg20: memref<10000x64xf32, #tpu.memory_space<vmem_shared>>, %arg21: memref<10000x16xf32, #tpu.memory_space<vmem_shared>>, %arg22: memref<!tpu.dma_semaphore, #tpu.memory_space<semaphore_mem>>, %arg23: memref<!tpu.dma_semaphore, #tpu.memory_space<semaphore_mem>>, %arg24: memref<!tpu.dma_semaphore, #tpu.memory_space<semaphore_mem>>) attributes {dimension_semantics = [#tpu.dimension_semantics<core_parallel>, #tpu.dimension_semantics<subcore_parallel>], iteration_bounds = array<i64: 2, 16>, scalar_prefetch = 0 : i64, scratch_operands = 13 : i64, tpu.core_type = #tpu.core_type<sc_vector_subcore>, window_params = [{transform_indices = #map}, {transform_indices = #map}, {transform_indices = #map}, {transform_indices = #map}, {transform_indices = #map1}, {transform_indices = #map1}, {transform_indices = #map}, {transform_indices = #map}, {transform_indices = #map2}, {transform_indices = #map2}]} {
    %mul3A = arith.constant 624 : i32
    %mul3A_0 = arith.muli %arg1, %mul3A : i32
    "tpu.region"() ({
      %run_scoped3A = tpu.sem_alloc : memref<!tpu.dma_semaphore, #tpu.memory_space<semaphore_mem>>
      %dma_start3A = arith.constant 0 : i32
      %dma_start3A_22 = tpu.memref_slice %arg20[%mul3A_0, %dma_start3A] : memref<10000x64xf32, #tpu.memory_space<vmem_shared>> -> memref<624x64xf32, #tpu.memory_space<vmem_shared>>
      tpu.enqueue_dma source(%arg8 : memref<624x64xf32, #tpu.memory_space<hbm>>) target(%dma_start3A_22 : memref<624x64xf32, #tpu.memory_space<vmem_shared>>) target_semaphore(%run_scoped3A : memref<!tpu.dma_semaphore, #tpu.memory_space<semaphore_mem>>)
      %dma_wait3A = arith.constant 0 : i32
      %dma_wait3A_23 = tpu.memref_slice %arg20[%mul3A_0, %dma_wait3A] : memref<10000x64xf32, #tpu.memory_space<vmem_shared>> -> memref<624x64xf32, #tpu.memory_space<vmem_shared>>
      tpu.wait_dma2 semaphore(%run_scoped3A : memref<!tpu.dma_semaphore, #tpu.memory_space<semaphore_mem>>) src(%arg8 : memref<624x64xf32, #tpu.memory_space<hbm>>) dst(%dma_wait3A_23 : memref<624x64xf32, #tpu.memory_space<vmem_shared>>)
      tpu.yield
    }) : () -> ()
    "tpu.region"() ({
      %run_scoped3A = tpu.sem_alloc : memref<!tpu.dma_semaphore, #tpu.memory_space<semaphore_mem>>
      %dma_start3A = arith.constant 0 : i32
      %dma_start3A_22 = tpu.memref_slice %arg21[%mul3A_0, %dma_start3A] : memref<10000x16xf32, #tpu.memory_space<vmem_shared>> -> memref<624x16xf32, #tpu.memory_space<vmem_shared>>
      tpu.enqueue_dma source(%arg9 : memref<624x16xf32, #tpu.memory_space<hbm>>) target(%dma_start3A_22 : memref<624x16xf32, #tpu.memory_space<vmem_shared>>) target_semaphore(%run_scoped3A : memref<!tpu.dma_semaphore, #tpu.memory_space<semaphore_mem>>)
      %dma_wait3A = arith.constant 0 : i32
      %dma_wait3A_23 = tpu.memref_slice %arg21[%mul3A_0, %dma_wait3A] : memref<10000x16xf32, #tpu.memory_space<vmem_shared>> -> memref<624x16xf32, #tpu.memory_space<vmem_shared>>
      tpu.wait_dma2 semaphore(%run_scoped3A : memref<!tpu.dma_semaphore, #tpu.memory_space<semaphore_mem>>) src(%arg9 : memref<624x16xf32, #tpu.memory_space<hbm>>) dst(%dma_wait3A_23 : memref<624x16xf32, #tpu.memory_space<vmem_shared>>)
      tpu.yield
    }) : () -> ()
    %eq3A = arith.constant 0 : i32
    %eq3A_1 = arith.cmpi eq, %arg1, %eq3A : i32
    %convert_element_type3A = arith.extui %eq3A_1 : i1 to i32
    %cond3A = arith.constant 0 : i32
    %cond3A_2 = arith.cmpi ne, %convert_element_type3A, %cond3A : i32
    scf.if %cond3A_2 {
      "tpu.region"() ({
        %run_scoped3A = tpu.sem_alloc : memref<!tpu.dma_semaphore, #tpu.memory_space<semaphore_mem>>
        %dma_start3A = arith.constant 9984 : i32
        %dma_start3A_22 = arith.constant 0 : i32
        %dma_start3A_23 = tpu.memref_slice %arg20[%dma_start3A, %dma_start3A_22] : memref<10000x64xf32, #tpu.memory_space<vmem_shared>> -> memref<16x64xf32, #tpu.memory_space<vmem_shared>>
        %dma_start3A_24 = arith.constant 0 : i32
        %dma_start3A_25 = arith.constant 0 : i32
        %dma_start3A_26 = tpu.memref_slice %arg8[%dma_start3A_24, %dma_start3A_25] : memref<624x64xf32, #tpu.memory_space<hbm>> -> memref<16x64xf32, #tpu.memory_space<hbm>>
        tpu.enqueue_dma source(%dma_start3A_26 : memref<16x64xf32, #tpu.memory_space<hbm>>) target(%dma_start3A_23 : memref<16x64xf32, #tpu.memory_space<vmem_shared>>) target_semaphore(%run_scoped3A : memref<!tpu.dma_semaphore, #tpu.memory_space<semaphore_mem>>)
        %dma_wait3A = arith.constant 9984 : i32
        %dma_wait3A_27 = arith.constant 0 : i32
        %dma_wait3A_28 = tpu.memref_slice %arg20[%dma_wait3A, %dma_wait3A_27] : memref<10000x64xf32, #tpu.memory_space<vmem_shared>> -> memref<16x64xf32, #tpu.memory_space<vmem_shared>>
        %dma_wait3A_29 = arith.constant 0 : i32
        %dma_wait3A_30 = arith.constant 0 : i32
        %dma_wait3A_31 = tpu.memref_slice %arg8[%dma_wait3A_29, %dma_wait3A_30] : memref<624x64xf32, #tpu.memory_space<hbm>> -> memref<16x64xf32, #tpu.memory_space<hbm>>
        tpu.wait_dma2 semaphore(%run_scoped3A : memref<!tpu.dma_semaphore, #tpu.memory_space<semaphore_mem>>) src(%dma_wait3A_31 : memref<16x64xf32, #tpu.memory_space<hbm>>) dst(%dma_wait3A_28 : memref<16x64xf32, #tpu.memory_space<vmem_shared>>)
        tpu.yield
      }) : () -> ()
      "tpu.region"() ({
        %run_scoped3A = tpu.sem_alloc : memref<!tpu.dma_semaphore, #tpu.memory_space<semaphore_mem>>
        %dma_start3A = arith.constant 9984 : i32
        %dma_start3A_22 = arith.constant 0 : i32
        %dma_start3A_23 = tpu.memref_slice %arg21[%dma_start3A, %dma_start3A_22] : memref<10000x16xf32, #tpu.memory_space<vmem_shared>> -> memref<16x16xf32, #tpu.memory_space<vmem_shared>>
        %dma_start3A_24 = arith.constant 0 : i32
        %dma_start3A_25 = arith.constant 0 : i32
        %dma_start3A_26 = tpu.memref_slice %arg9[%dma_start3A_24, %dma_start3A_25] : memref<624x16xf32, #tpu.memory_space<hbm>> -> memref<16x16xf32, #tpu.memory_space<hbm>>
        tpu.enqueue_dma source(%dma_start3A_26 : memref<16x16xf32, #tpu.memory_space<hbm>>) target(%dma_start3A_23 : memref<16x16xf32, #tpu.memory_space<vmem_shared>>) target_semaphore(%run_scoped3A : memref<!tpu.dma_semaphore, #tpu.memory_space<semaphore_mem>>)
        %dma_wait3A = arith.constant 9984 : i32
        %dma_wait3A_27 = arith.constant 0 : i32
        %dma_wait3A_28 = tpu.memref_slice %arg21[%dma_wait3A, %dma_wait3A_27] : memref<10000x16xf32, #tpu.memory_space<vmem_shared>> -> memref<16x16xf32, #tpu.memory_space<vmem_shared>>
        %dma_wait3A_29 = arith.constant 0 : i32
        %dma_wait3A_30 = arith.constant 0 : i32
        %dma_wait3A_31 = tpu.memref_slice %arg9[%dma_wait3A_29, %dma_wait3A_30] : memref<624x16xf32, #tpu.memory_space<hbm>> -> memref<16x16xf32, #tpu.memory_space<hbm>>
        tpu.wait_dma2 semaphore(%run_scoped3A : memref<!tpu.dma_semaphore, #tpu.memory_space<semaphore_mem>>) src(%dma_wait3A_31 : memref<16x16xf32, #tpu.memory_space<hbm>>) dst(%dma_wait3A_28 : memref<16x16xf32, #tpu.memory_space<vmem_shared>>)
        tpu.yield
      }) : () -> ()
    } else {
    }
    %barrier3A = arith.constant 0 : index
    tpu.barrier barrier_id(%barrier3A)
    %mul3A_3 = arith.constant 20000 : i32
    %mul3A_4 = arith.muli %arg1, %mul3A_3 : i32
    %mul3A_5 = arith.constant 10000 : i32
    %mul3A_6 = arith.muli %arg0, %mul3A_5 : i32
    %mul3A_7 = arith.constant 320000 : i32
    %mul3A_8 = arith.muli %arg0, %mul3A_7 : i32
    %iota3A = tpu.iota {dimensions = array<i32: 0>} : vector<16xi32>
    %scan3A = arith.constant 0 : i32
    %scan3A_9 = arith.constant 0 : i32
    %scan3A_10 = arith.constant 250 : i32
    %scan3A_11 = arith.addi %scan3A_9, %scan3A_10 : i32
    %scan3A_12 = arith.constant 1 : i32
    scf.for %scan3A_22 = %scan3A_9 to %scan3A_11 step %scan3A_12  : i32 {
      %mul3A_23 = arith.constant 80 : i32
      %mul3A_24 = arith.muli %scan3A_22, %mul3A_23 : i32
      %add3A = arith.addi %mul3A_4, %mul3A_24 : i32
      "tpu.region"() ({
        %run_scoped3A = tpu.sem_alloc : memref<!tpu.dma_semaphore, #tpu.memory_space<semaphore_mem>>
        %dma_start3A_106 = tpu.memref_slice %arg6[%add3A] : memref<320000xi32, #tpu.memory_space<hbm>> -> memref<80xi32, #tpu.memory_space<hbm>>
        %dma_start3A_107 = tpu.memref_slice %arg6[%add3A] : memref<320000xi32, #tpu.memory_space<hbm>> -> memref<80xi32, #tpu.memory_space<hbm>>
        tpu.enqueue_dma source(%dma_start3A_107 : memref<80xi32, #tpu.memory_space<hbm>>) target(%arg12 : memref<80xi32, #tpu.memory_space<vmem>>) target_semaphore(%run_scoped3A : memref<!tpu.dma_semaphore, #tpu.memory_space<semaphore_mem>>)
        %dma_wait3A_108 = tpu.memref_slice %arg6[%add3A] : memref<320000xi32, #tpu.memory_space<hbm>> -> memref<80xi32, #tpu.memory_space<hbm>>
        %dma_wait3A_109 = tpu.memref_slice %arg6[%add3A] : memref<320000xi32, #tpu.memory_space<hbm>> -> memref<80xi32, #tpu.memory_space<hbm>>
        tpu.wait_dma2 semaphore(%run_scoped3A : memref<!tpu.dma_semaphore, #tpu.memory_space<semaphore_mem>>) src(%dma_wait3A_109 : memref<80xi32, #tpu.memory_space<hbm>>) dst(%arg12 : memref<80xi32, #tpu.memory_space<vmem>>)
        tpu.yield
      }) : () -> ()
      "tpu.region"() ({
        %run_scoped3A = tpu.sem_alloc : memref<!tpu.dma_semaphore, #tpu.memory_space<semaphore_mem>>
        %dma_start3A_106 = tpu.memref_slice %arg7[%add3A] : memref<320000xi32, #tpu.memory_space<hbm>> -> memref<80xi32, #tpu.memory_space<hbm>>
        %dma_start3A_107 = tpu.memref_slice %arg7[%add3A] : memref<320000xi32, #tpu.memory_space<hbm>> -> memref<80xi32, #tpu.memory_space<hbm>>
        tpu.enqueue_dma source(%dma_start3A_107 : memref<80xi32, #tpu.memory_space<hbm>>) target(%arg13 : memref<80xi32, #tpu.memory_space<vmem>>) target_semaphore(%run_scoped3A : memref<!tpu.dma_semaphore, #tpu.memory_space<semaphore_mem>>)
        %dma_wait3A_108 = tpu.memref_slice %arg7[%add3A] : memref<320000xi32, #tpu.memory_space<hbm>> -> memref<80xi32, #tpu.memory_space<hbm>>
        %dma_wait3A_109 = tpu.memref_slice %arg7[%add3A] : memref<320000xi32, #tpu.memory_space<hbm>> -> memref<80xi32, #tpu.memory_space<hbm>>
        tpu.wait_dma2 semaphore(%run_scoped3A : memref<!tpu.dma_semaphore, #tpu.memory_space<semaphore_mem>>) src(%dma_wait3A_109 : memref<80xi32, #tpu.memory_space<hbm>>) dst(%arg13 : memref<80xi32, #tpu.memory_space<vmem>>)
        tpu.yield
      }) : () -> ()
      %get3A = arith.constant 0 : index
      %get3A_25 = tpu.vector_load %arg12[%get3A] {strides = array<i32>} : memref<80xi32, #tpu.memory_space<vmem>>, vector<16xi32>,
      %add3A_26 = vector.broadcast %mul3A_6 : i32 to vector<16xi32>
      %add3A_27 = arith.addi %get3A_25, %add3A_26 : vector<16xi32>
      %swap3A = arith.constant 0 : index
      %swap3A_28 = tpu.vector_load %arg12[%swap3A] {strides = array<i32>} : memref<80xi32, #tpu.memory_space<vmem>>, vector<16xi32>,
      tpu.vector_store %arg12[%swap3A], %add3A_27 {strides = array<i32>} : memref<80xi32, #tpu.memory_space<vmem>>, vector<16xi32>,
      %get3A_29 = arith.constant 16 : index
      %get3A_30 = tpu.vector_load %arg12[%get3A_29] {strides = array<i32>} : memref<80xi32, #tpu.memory_space<vmem>>, vector<16xi32>,
      %add3A_31 = vector.broadcast %mul3A_6 : i32 to vector<16xi32>
      %add3A_32 = arith.addi %get3A_30, %add3A_31 : vector<16xi32>
      %swap3A_33 = arith.constant 16 : index
      %swap3A_34 = tpu.vector_load %arg12[%swap3A_33] {strides = array<i32>} : memref<80xi32, #tpu.memory_space<vmem>>, vector<16xi32>,
      tpu.vector_store %arg12[%swap3A_33], %add3A_32 {strides = array<i32>} : memref<80xi32, #tpu.memory_space<vmem>>, vector<16xi32>,
      %get3A_35 = arith.constant 32 : index
      %get3A_36 = tpu.vector_load %arg12[%get3A_35] {strides = array<i32>} : memref<80xi32, #tpu.memory_space<vmem>>, vector<16xi32>,
      %add3A_37 = vector.broadcast %mul3A_6 : i32 to vector<16xi32>
      %add3A_38 = arith.addi %get3A_36, %add3A_37 : vector<16xi32>
      %swap3A_39 = arith.constant 32 : index
      %swap3A_40 = tpu.vector_load %arg12[%swap3A_39] {strides = array<i32>} : memref<80xi32, #tpu.memory_space<vmem>>, vector<16xi32>,
      tpu.vector_store %arg12[%swap3A_39], %add3A_38 {strides = array<i32>} : memref<80xi32, #tpu.memory_space<vmem>>, vector<16xi32>,
      %get3A_41 = arith.constant 48 : index
      %get3A_42 = tpu.vector_load %arg12[%get3A_41] {strides = array<i32>} : memref<80xi32, #tpu.memory_space<vmem>>, vector<16xi32>,
      %add3A_43 = vector.broadcast %mul3A_6 : i32 to vector<16xi32>
      %add3A_44 = arith.addi %get3A_42, %add3A_43 : vector<16xi32>
      %swap3A_45 = arith.constant 48 : index
      %swap3A_46 = tpu.vector_load %arg12[%swap3A_45] {strides = array<i32>} : memref<80xi32, #tpu.memory_space<vmem>>, vector<16xi32>,
      tpu.vector_store %arg12[%swap3A_45], %add3A_44 {strides = array<i32>} : memref<80xi32, #tpu.memory_space<vmem>>, vector<16xi32>,
      %get3A_47 = arith.constant 64 : index
      %get3A_48 = tpu.vector_load %arg12[%get3A_47] {strides = array<i32>} : memref<80xi32, #tpu.memory_space<vmem>>, vector<16xi32>,
      %add3A_49 = vector.broadcast %mul3A_6 : i32 to vector<16xi32>
      %add3A_50 = arith.addi %get3A_48, %add3A_49 : vector<16xi32>
      %swap3A_51 = arith.constant 64 : index
      %swap3A_52 = tpu.vector_load %arg12[%swap3A_51] {strides = array<i32>} : memref<80xi32, #tpu.memory_space<vmem>>, vector<16xi32>,
      tpu.vector_store %arg12[%swap3A_51], %add3A_50 {strides = array<i32>} : memref<80xi32, #tpu.memory_space<vmem>>, vector<16xi32>,
      %get3A_53 = arith.constant 0 : index
      %get3A_54 = tpu.vector_load %arg13[%get3A_53] {strides = array<i32>} : memref<80xi32, #tpu.memory_space<vmem>>, vector<16xi32>,
      %add3A_55 = vector.broadcast %mul3A_6 : i32 to vector<16xi32>
      %add3A_56 = arith.addi %get3A_54, %add3A_55 : vector<16xi32>
      %swap3A_57 = arith.constant 0 : index
      %swap3A_58 = tpu.vector_load %arg14[%swap3A_57] {strides = array<i32>} : memref<80xi32, #tpu.memory_space<vmem>>, vector<16xi32>,
      tpu.vector_store %arg14[%swap3A_57], %add3A_56 {strides = array<i32>} : memref<80xi32, #tpu.memory_space<vmem>>, vector<16xi32>,
      %get3A_59 = arith.constant 16 : index
      %get3A_60 = tpu.vector_load %arg13[%get3A_59] {strides = array<i32>} : memref<80xi32, #tpu.memory_space<vmem>>, vector<16xi32>,
      %add3A_61 = vector.broadcast %mul3A_6 : i32 to vector<16xi32>
      %add3A_62 = arith.addi %get3A_60, %add3A_61 : vector<16xi32>
      %swap3A_63 = arith.constant 16 : index
      %swap3A_64 = tpu.vector_load %arg14[%swap3A_63] {strides = array<i32>} : memref<80xi32, #tpu.memory_space<vmem>>, vector<16xi32>,
      tpu.vector_store %arg14[%swap3A_63], %add3A_62 {strides = array<i32>} : memref<80xi32, #tpu.memory_space<vmem>>, vector<16xi32>,
      %get3A_65 = arith.constant 32 : index
      %get3A_66 = tpu.vector_load %arg13[%get3A_65] {strides = array<i32>} : memref<80xi32, #tpu.memory_space<vmem>>, vector<16xi32>,
      %add3A_67 = vector.broadcast %mul3A_6 : i32 to vector<16xi32>
      %add3A_68 = arith.addi %get3A_66, %add3A_67 : vector<16xi32>
      %swap3A_69 = arith.constant 32 : index
      %swap3A_70 = tpu.vector_load %arg14[%swap3A_69] {strides = array<i32>} : memref<80xi32, #tpu.memory_space<vmem>>, vector<16xi32>,
      tpu.vector_store %arg14[%swap3A_69], %add3A_68 {strides = array<i32>} : memref<80xi32, #tpu.memory_space<vmem>>, vector<16xi32>,
      %get3A_71 = arith.constant 48 : index
      %get3A_72 = tpu.vector_load %arg13[%get3A_71] {strides = array<i32>} : memref<80xi32, #tpu.memory_space<vmem>>, vector<16xi32>,
      %add3A_73 = vector.broadcast %mul3A_6 : i32 to vector<16xi32>
      %add3A_74 = arith.addi %get3A_72, %add3A_73 : vector<16xi32>
      %swap3A_75 = arith.constant 48 : index
      %swap3A_76 = tpu.vector_load %arg14[%swap3A_75] {strides = array<i32>} : memref<80xi32, #tpu.memory_space<vmem>>, vector<16xi32>,
      tpu.vector_store %arg14[%swap3A_75], %add3A_74 {strides = array<i32>} : memref<80xi32, #tpu.memory_space<vmem>>, vector<16xi32>,
      %get3A_77 = arith.constant 64 : index
      %get3A_78 = tpu.vector_load %arg13[%get3A_77] {strides = array<i32>} : memref<80xi32, #tpu.memory_space<vmem>>, vector<16xi32>,
      %add3A_79 = vector.broadcast %mul3A_6 : i32 to vector<16xi32>
      %add3A_80 = arith.addi %get3A_78, %add3A_79 : vector<16xi32>
      %swap3A_81 = arith.constant 64 : index
      %swap3A_82 = tpu.vector_load %arg14[%swap3A_81] {strides = array<i32>} : memref<80xi32, #tpu.memory_space<vmem>>, vector<16xi32>,
      tpu.vector_store %arg14[%swap3A_81], %add3A_80 {strides = array<i32>} : memref<80xi32, #tpu.memory_space<vmem>>, vector<16xi32>,
      %dma_start3A = arith.constant 0 : i32
      %dma_start3A_83 = arith.constant 0 : i32
      %dma_start3A_84 = tpu.memref_slice %arg3[%dma_start3A, %dma_start3A_83] : memref<20000x64xf32, #tpu.memory_space<hbm>> -> memref<20000x64xf32, #tpu.memory_space<hbm>>
      tpu.enqueue_indirect_dma source(%dma_start3A_84 : memref<20000x64xf32, #tpu.memory_space<hbm>>) target(%arg15 : memref<80x64xf32, #tpu.memory_space<vmem>>) offsets(%arg12 : memref<80xi32, #tpu.memory_space<vmem>>) semaphore(%arg22 : memref<!tpu.dma_semaphore, #tpu.memory_space<semaphore_mem>>)
      %dma_start3A_85 = arith.constant 0 : i32
      %dma_start3A_86 = arith.constant 0 : i32
      %dma_start3A_87 = tpu.memref_slice %arg4[%dma_start3A_85, %dma_start3A_86] : memref<20000x64xf32, #tpu.memory_space<hbm>> -> memref<20000x64xf32, #tpu.memory_space<hbm>>
      tpu.enqueue_indirect_dma source(%dma_start3A_87 : memref<20000x64xf32, #tpu.memory_space<hbm>>) target(%arg16 : memref<80x64xf32, #tpu.memory_space<vmem>>) offsets(%arg12 : memref<80xi32, #tpu.memory_space<vmem>>) semaphore(%arg23 : memref<!tpu.dma_semaphore, #tpu.memory_space<semaphore_mem>>)
      %dma_start3A_88 = arith.constant 0 : i32
      %dma_start3A_89 = arith.constant 0 : i32
      %dma_start3A_90 = tpu.memref_slice %arg2[%dma_start3A_88, %dma_start3A_89] : memref<20000x64xf32, #tpu.memory_space<hbm>> -> memref<20000x64xf32, #tpu.memory_space<hbm>>
      tpu.enqueue_indirect_dma source(%dma_start3A_90 : memref<20000x64xf32, #tpu.memory_space<hbm>>) target(%arg17 : memref<80x64xf32, #tpu.memory_space<vmem>>) offsets(%arg14 : memref<80xi32, #tpu.memory_space<vmem>>) semaphore(%arg24 : memref<!tpu.dma_semaphore, #tpu.memory_space<semaphore_mem>>)
      %add3A_91 = arith.addi %mul3A_8, %add3A : i32
      "tpu.region"() ({
        %run_scoped3A = tpu.sem_alloc : memref<!tpu.dma_semaphore, #tpu.memory_space<semaphore_mem>>
        %dma_start3A_106 = arith.constant 0 : i32
        %dma_start3A_107 = tpu.memref_slice %arg5[%add3A_91, %dma_start3A_106] : memref<640000x128xf32, #tpu.memory_space<hbm>> -> memref<80x128xf32, #tpu.memory_space<hbm>>
        %dma_start3A_108 = arith.constant 0 : i32
        %dma_start3A_109 = tpu.memref_slice %arg5[%add3A_91, %dma_start3A_108] : memref<640000x128xf32, #tpu.memory_space<hbm>> -> memref<80x128xf32, #tpu.memory_space<hbm>>
        tpu.enqueue_dma source(%dma_start3A_109 : memref<80x128xf32, #tpu.memory_space<hbm>>) target(%arg18 : memref<80x128xf32, #tpu.memory_space<vmem>>) target_semaphore(%run_scoped3A : memref<!tpu.dma_semaphore, #tpu.memory_space<semaphore_mem>>)
        %dma_wait3A_110 = arith.constant 0 : i32
        %dma_wait3A_111 = tpu.memref_slice %arg5[%add3A_91, %dma_wait3A_110] : memref<640000x128xf32, #tpu.memory_space<hbm>> -> memref<80x128xf32, #tpu.memory_space<hbm>>
        %dma_wait3A_112 = arith.constant 0 : i32
        %dma_wait3A_113 = tpu.memref_slice %arg5[%add3A_91, %dma_wait3A_112] : memref<640000x128xf32, #tpu.memory_space<hbm>> -> memref<80x128xf32, #tpu.memory_space<hbm>>
        tpu.wait_dma2 semaphore(%run_scoped3A : memref<!tpu.dma_semaphore, #tpu.memory_space<semaphore_mem>>) src(%dma_wait3A_113 : memref<80x128xf32, #tpu.memory_space<hbm>>) dst(%arg18 : memref<80x128xf32, #tpu.memory_space<vmem>>)
        tpu.yield
      }) : () -> ()
      %dma_wait3A = arith.constant 0 : i32
      %dma_wait3A_92 = arith.constant 0 : i32
      %dma_wait3A_93 = tpu.memref_slice %arg3[%dma_wait3A, %dma_wait3A_92] : memref<20000x64xf32, #tpu.memory_space<hbm>> -> memref<20000x64xf32, #tpu.memory_space<hbm>>
      tpu.wait_indirect_dma semaphore(%arg22 : memref<!tpu.dma_semaphore, #tpu.memory_space<semaphore_mem>>) src(%dma_wait3A_93 : memref<20000x64xf32, #tpu.memory_space<hbm>>) dst(%arg15 : memref<80x64xf32, #tpu.memory_space<vmem>>)
      %dma_wait3A_94 = arith.constant 0 : i32
      %dma_wait3A_95 = arith.constant 0 : i32
      %dma_wait3A_96 = tpu.memref_slice %arg4[%dma_wait3A_94, %dma_wait3A_95] : memref<20000x64xf32, #tpu.memory_space<hbm>> -> memref<20000x64xf32, #tpu.memory_space<hbm>>
      tpu.wait_indirect_dma semaphore(%arg23 : memref<!tpu.dma_semaphore, #tpu.memory_space<semaphore_mem>>) src(%dma_wait3A_96 : memref<20000x64xf32, #tpu.memory_space<hbm>>) dst(%arg16 : memref<80x64xf32, #tpu.memory_space<vmem>>)
      %dma_wait3A_97 = arith.constant 0 : i32
      %dma_wait3A_98 = arith.constant 0 : i32
      %dma_wait3A_99 = tpu.memref_slice %arg2[%dma_wait3A_97, %dma_wait3A_98] : memref<20000x64xf32, #tpu.memory_space<hbm>> -> memref<20000x64xf32, #tpu.memory_space<hbm>>
      tpu.wait_indirect_dma semaphore(%arg24 : memref<!tpu.dma_semaphore, #tpu.memory_space<semaphore_mem>>) src(%dma_wait3A_99 : memref<20000x64xf32, #tpu.memory_space<hbm>>) dst(%arg17 : memref<80x64xf32, #tpu.memory_space<vmem>>)
      %scan3A_100 = arith.constant 0 : i32
      %scan3A_101 = arith.constant 0 : i32
      %scan3A_102 = arith.constant 80 : i32
      %scan3A_103 = arith.addi %scan3A_101, %scan3A_102 : i32
      %scan3A_104 = arith.constant 1 : i32
      scf.for %scan3A_106 = %scan3A_101 to %scan3A_103 step %scan3A_104  : i32 {
        %broadcast_in_dim3A = arith.constant 0.000000e+00 : f32
        %broadcast_in_dim3A_107 = vector.broadcast %broadcast_in_dim3A : f32 to vector<16xf32>
        %get3A_108 = arith.index_cast %scan3A_106 : i32 to index
        %get3A_109 = arith.constant 0 : index
        %get3A_110 = tpu.vector_load %arg17[%get3A_108, %get3A_109] {strides = array<i32>} : memref<80x64xf32, #tpu.memory_space<vmem>>, vector<16xf32>,
        %get3A_111 = arith.index_cast %scan3A_106 : i32 to index
        %get3A_112 = arith.constant 0 : index
        %get3A_113 = tpu.vector_load %arg15[%get3A_111, %get3A_112] {strides = array<i32>} : memref<80x64xf32, #tpu.memory_space<vmem>>, vector<16xf32>,
        %mul3A_114 = arith.mulf %get3A_110, %get3A_113 : vector<16xf32>
        %get3A_115 = arith.index_cast %scan3A_106 : i32 to index
        %get3A_116 = arith.constant 0 : index
        %get3A_117 = tpu.vector_load %arg18[%get3A_115, %get3A_116] {strides = array<i32>} : memref<80x128xf32, #tpu.memory_space<vmem>>, vector<16xf32>,
        %mul3A_118 = arith.mulf %mul3A_114, %get3A_117 : vector<16xf32>
        %get3A_119 = arith.index_cast %scan3A_106 : i32 to index
        %get3A_120 = arith.constant 16 : index
        %get3A_121 = tpu.vector_load %arg17[%get3A_119, %get3A_120] {strides = array<i32>} : memref<80x64xf32, #tpu.memory_space<vmem>>, vector<16xf32>,
        %get3A_122 = arith.index_cast %scan3A_106 : i32 to index
        %get3A_123 = arith.constant 16 : index
        %get3A_124 = tpu.vector_load %arg15[%get3A_122, %get3A_123] {strides = array<i32>} : memref<80x64xf32, #tpu.memory_space<vmem>>, vector<16xf32>,
        %mul3A_125 = arith.mulf %get3A_121, %get3A_124 : vector<16xf32>
        %get3A_126 = arith.index_cast %scan3A_106 : i32 to index
        %get3A_127 = arith.constant 16 : index
        %get3A_128 = tpu.vector_load %arg18[%get3A_126, %get3A_127] {strides = array<i32>} : memref<80x128xf32, #tpu.memory_space<vmem>>, vector<16xf32>,
        %mul3A_129 = arith.mulf %mul3A_125, %get3A_128 : vector<16xf32>
        %add3A_130 = arith.addf %mul3A_118, %mul3A_129 : vector<16xf32>
        %reduce_sum3A = arith.constant true
        %reduce_sum3A_131 = vector.broadcast %reduce_sum3A : i1 to vector<16xi1>
        %reduce_sum3A_132 = tpu.scan <sum>, %add3A_130 masked %reduce_sum3A_131 : vector<16xf32>, vector<16xi1> -> vector<16xf32>
        %reduce_sum3A_133 = vector.extract %reduce_sum3A_132[15] : f32 from vector<16xf32>
        %mul3A_134 = arith.constant 0.176776692 : f32
        %mul3A_135 = arith.mulf %reduce_sum3A_133, %mul3A_134 : f32
        %broadcast_in_dim3A_136 = vector.broadcast %mul3A_135 : f32 to vector<16xf32>
        %exp3A = math.exp %broadcast_in_dim3A_136 : vector<16xf32>
        %get3A_137 = arith.index_cast %scan3A_106 : i32 to index
        %get3A_138 = arith.constant 0 : index
        %get3A_139 = tpu.vector_load %arg16[%get3A_137, %get3A_138] {strides = array<i32>} : memref<80x64xf32, #tpu.memory_space<vmem>>, vector<16xf32>,
        %get3A_140 = arith.index_cast %scan3A_106 : i32 to index
        %get3A_141 = arith.constant 64 : index
        %get3A_142 = tpu.vector_load %arg18[%get3A_140, %get3A_141] {strides = array<i32>} : memref<80x128xf32, #tpu.memory_space<vmem>>, vector<16xf32>,
        %mul3A_143 = arith.mulf %get3A_139, %get3A_142 : vector<16xf32>
        %mul3A_144 = arith.mulf %mul3A_143, %exp3A : vector<16xf32>
        %swap3A_145 = arith.index_cast %scan3A_106 : i32 to index
        %swap3A_146 = arith.constant 0 : index
        %swap3A_147 = tpu.vector_load %arg16[%swap3A_145, %swap3A_146] {strides = array<i32>} : memref<80x64xf32, #tpu.memory_space<vmem>>, vector<16xf32>,
        tpu.vector_store %arg16[%swap3A_145, %swap3A_146], %mul3A_144 {strides = array<i32>} : memref<80x64xf32, #tpu.memory_space<vmem>>, vector<16xf32>,
        %get3A_148 = arith.index_cast %scan3A_106 : i32 to index
        %get3A_149 = arith.constant 16 : index
        %get3A_150 = tpu.vector_load %arg16[%get3A_148, %get3A_149] {strides = array<i32>} : memref<80x64xf32, #tpu.memory_space<vmem>>, vector<16xf32>,
        %get3A_151 = arith.index_cast %scan3A_106 : i32 to index
        %get3A_152 = arith.constant 80 : index
        %get3A_153 = tpu.vector_load %arg18[%get3A_151, %get3A_152] {strides = array<i32>} : memref<80x128xf32, #tpu.memory_space<vmem>>, vector<16xf32>,
        %mul3A_154 = arith.mulf %get3A_150, %get3A_153 : vector<16xf32>
        %mul3A_155 = arith.mulf %mul3A_154, %exp3A : vector<16xf32>
        %swap3A_156 = arith.index_cast %scan3A_106 : i32 to index
        %swap3A_157 = arith.constant 16 : index
        %swap3A_158 = tpu.vector_load %arg16[%swap3A_156, %swap3A_157] {strides = array<i32>} : memref<80x64xf32, #tpu.memory_space<vmem>>, vector<16xf32>,
        tpu.vector_store %arg16[%swap3A_156, %swap3A_157], %mul3A_155 {strides = array<i32>} : memref<80x64xf32, #tpu.memory_space<vmem>>, vector<16xf32>,
        %eq3A_159 = arith.constant 0 : i32
        %eq3A_160 = vector.broadcast %eq3A_159 : i32 to vector<16xi32>
        %eq3A_161 = arith.cmpi eq, %iota3A, %eq3A_160 : vector<16xi32>
        %select_n3A = arith.select %eq3A_161, %exp3A, %broadcast_in_dim3A_107 : vector<16xi1>, vector<16xf32>
        %get3A_162 = arith.index_cast %scan3A_106 : i32 to index
        %get3A_163 = arith.constant 32 : index
        %get3A_164 = tpu.vector_load %arg17[%get3A_162, %get3A_163] {strides = array<i32>} : memref<80x64xf32, #tpu.memory_space<vmem>>, vector<16xf32>,
        %get3A_165 = arith.index_cast %scan3A_106 : i32 to index
        %get3A_166 = arith.constant 32 : index
        %get3A_167 = tpu.vector_load %arg15[%get3A_165, %get3A_166] {strides = array<i32>} : memref<80x64xf32, #tpu.memory_space<vmem>>, vector<16xf32>,
        %mul3A_168 = arith.mulf %get3A_164, %get3A_167 : vector<16xf32>
        %get3A_169 = arith.index_cast %scan3A_106 : i32 to index
        %get3A_170 = arith.constant 32 : index
        %get3A_171 = tpu.vector_load %arg18[%get3A_169, %get3A_170] {strides = array<i32>} : memref<80x128xf32, #tpu.memory_space<vmem>>, vector<16xf32>,
        %mul3A_172 = arith.mulf %mul3A_168, %get3A_171 : vector<16xf32>
        %get3A_173 = arith.index_cast %scan3A_106 : i32 to index
        %get3A_174 = arith.constant 48 : index
        %get3A_175 = tpu.vector_load %arg17[%get3A_173, %get3A_174] {strides = array<i32>} : memref<80x64xf32, #tpu.memory_space<vmem>>, vector<16xf32>,
        %get3A_176 = arith.index_cast %scan3A_106 : i32 to index
        %get3A_177 = arith.constant 48 : index
        %get3A_178 = tpu.vector_load %arg15[%get3A_176, %get3A_177] {strides = array<i32>} : memref<80x64xf32, #tpu.memory_space<vmem>>, vector<16xf32>,
        %mul3A_179 = arith.mulf %get3A_175, %get3A_178 : vector<16xf32>
        %get3A_180 = arith.index_cast %scan3A_106 : i32 to index
        %get3A_181 = arith.constant 48 : index
        %get3A_182 = tpu.vector_load %arg18[%get3A_180, %get3A_181] {strides = array<i32>} : memref<80x128xf32, #tpu.memory_space<vmem>>, vector<16xf32>,
        %mul3A_183 = arith.mulf %mul3A_179, %get3A_182 : vector<16xf32>
        %add3A_184 = arith.addf %mul3A_172, %mul3A_183 : vector<16xf32>
        %reduce_sum3A_185 = arith.constant true
        %reduce_sum3A_186 = vector.broadcast %reduce_sum3A_185 : i1 to vector<16xi1>
        %reduce_sum3A_187 = tpu.scan <sum>, %add3A_184 masked %reduce_sum3A_186 : vector<16xf32>, vector<16xi1> -> vector<16xf32>
        %reduce_sum3A_188 = vector.extract %reduce_sum3A_187[15] : f32 from vector<16xf32>
        %mul3A_189 = arith.constant 0.176776692 : f32
        %mul3A_190 = arith.mulf %reduce_sum3A_188, %mul3A_189 : f32
        %broadcast_in_dim3A_191 = vector.broadcast %mul3A_190 : f32 to vector<16xf32>
        %exp3A_192 = math.exp %broadcast_in_dim3A_191 : vector<16xf32>
        %get3A_193 = arith.index_cast %scan3A_106 : i32 to index
        %get3A_194 = arith.constant 32 : index
        %get3A_195 = tpu.vector_load %arg16[%get3A_193, %get3A_194] {strides = array<i32>} : memref<80x64xf32, #tpu.memory_space<vmem>>, vector<16xf32>,
        %get3A_196 = arith.index_cast %scan3A_106 : i32 to index
        %get3A_197 = arith.constant 96 : index
        %get3A_198 = tpu.vector_load %arg18[%get3A_196, %get3A_197] {strides = array<i32>} : memref<80x128xf32, #tpu.memory_space<vmem>>, vector<16xf32>,
        %mul3A_199 = arith.mulf %get3A_195, %get3A_198 : vector<16xf32>
        %mul3A_200 = arith.mulf %mul3A_199, %exp3A_192 : vector<16xf32>
        %swap3A_201 = arith.index_cast %scan3A_106 : i32 to index
        %swap3A_202 = arith.constant 32 : index
        %swap3A_203 = tpu.vector_load %arg16[%swap3A_201, %swap3A_202] {strides = array<i32>} : memref<80x64xf32, #tpu.memory_space<vmem>>, vector<16xf32>,
        tpu.vector_store %arg16[%swap3A_201, %swap3A_202], %mul3A_200 {strides = array<i32>} : memref<80x64xf32, #tpu.memory_space<vmem>>, vector<16xf32>,
        %get3A_204 = arith.index_cast %scan3A_106 : i32 to index
        %get3A_205 = arith.constant 48 : index
        %get3A_206 = tpu.vector_load %arg16[%get3A_204, %get3A_205] {strides = array<i32>} : memref<80x64xf32, #tpu.memory_space<vmem>>, vector<16xf32>,
        %get3A_207 = arith.index_cast %scan3A_106 : i32 to index
        %get3A_208 = arith.constant 112 : index
        %get3A_209 = tpu.vector_load %arg18[%get3A_207, %get3A_208] {strides = array<i32>} : memref<80x128xf32, #tpu.memory_space<vmem>>, vector<16xf32>,
        %mul3A_210 = arith.mulf %get3A_206, %get3A_209 : vector<16xf32>
        %mul3A_211 = arith.mulf %mul3A_210, %exp3A_192 : vector<16xf32>
        %swap3A_212 = arith.index_cast %scan3A_106 : i32 to index
        %swap3A_213 = arith.constant 48 : index
        %swap3A_214 = tpu.vector_load %arg16[%swap3A_212, %swap3A_213] {strides = array<i32>} : memref<80x64xf32, #tpu.memory_space<vmem>>, vector<16xf32>,
        tpu.vector_store %arg16[%swap3A_212, %swap3A_213], %mul3A_211 {strides = array<i32>} : memref<80x64xf32, #tpu.memory_space<vmem>>, vector<16xf32>,
        %eq3A_215 = arith.constant 1 : i32
        %eq3A_216 = vector.broadcast %eq3A_215 : i32 to vector<16xi32>
        %eq3A_217 = arith.cmpi eq, %iota3A, %eq3A_216 : vector<16xi32>
        %select_n3A_218 = arith.select %eq3A_217, %exp3A_192, %select_n3A : vector<16xi1>, vector<16xf32>
        %swap3A_219 = arith.index_cast %scan3A_106 : i32 to index
        %swap3A_220 = arith.constant 0 : index
        %swap3A_221 = tpu.vector_load %arg19[%swap3A_219, %swap3A_220] {strides = array<i32>} : memref<80x16xf32, #tpu.memory_space<vmem>>, vector<16xf32>,
        tpu.vector_store %arg19[%swap3A_219, %swap3A_220], %select_n3A_218 {strides = array<i32>} : memref<80x16xf32, #tpu.memory_space<vmem>>, vector<16xf32>,
      }
      %scan3A_105 = arith.constant 80 : i32
      "tpu.region"() ({
        %run_scoped3A = tpu.sem_alloc : memref<!tpu.dma_semaphore, #tpu.memory_space<semaphore_mem>>
        %dma_start3A_106 = arith.constant 0 : i32
        %dma_start3A_107 = arith.constant 0 : i32
        %dma_start3A_108 = tpu.memref_slice %arg20[%dma_start3A_106, %dma_start3A_107] : memref<10000x64xf32, #tpu.memory_space<vmem_shared>> -> memref<10000x64xf32, #tpu.memory_space<vmem_shared>>
        tpu.enqueue_indirect_dma source(%arg16 : memref<80x64xf32, #tpu.memory_space<vmem>>) target(%dma_start3A_108 : memref<10000x64xf32, #tpu.memory_space<vmem_shared>>) offsets(%arg13 : memref<80xi32, #tpu.memory_space<vmem>>) semaphore(%run_scoped3A : memref<!tpu.dma_semaphore, #tpu.memory_space<semaphore_mem>>) {add = true}
        %dma_wait3A_109 = arith.constant 0 : i32
        %dma_wait3A_110 = arith.constant 0 : i32
        %dma_wait3A_111 = tpu.memref_slice %arg20[%dma_wait3A_109, %dma_wait3A_110] : memref<10000x64xf32, #tpu.memory_space<vmem_shared>> -> memref<10000x64xf32, #tpu.memory_space<vmem_shared>>
        tpu.wait_indirect_dma semaphore(%run_scoped3A : memref<!tpu.dma_semaphore, #tpu.memory_space<semaphore_mem>>) src(%arg16 : memref<80x64xf32, #tpu.memory_space<vmem>>) dst(%dma_wait3A_111 : memref<10000x64xf32, #tpu.memory_space<vmem_shared>>)
        tpu.yield
      }) : () -> ()
      "tpu.region"() ({
        %run_scoped3A = tpu.sem_alloc : memref<!tpu.dma_semaphore, #tpu.memory_space<semaphore_mem>>
        %dma_start3A_106 = arith.constant 0 : i32
        %dma_start3A_107 = arith.constant 0 : i32
        %dma_start3A_108 = tpu.memref_slice %arg21[%dma_start3A_106, %dma_start3A_107] : memref<10000x16xf32, #tpu.memory_space<vmem_shared>> -> memref<10000x16xf32, #tpu.memory_space<vmem_shared>>
        tpu.enqueue_indirect_dma source(%arg19 : memref<80x16xf32, #tpu.memory_space<vmem>>) target(%dma_start3A_108 : memref<10000x16xf32, #tpu.memory_space<vmem_shared>>) offsets(%arg13 : memref<80xi32, #tpu.memory_space<vmem>>) semaphore(%run_scoped3A : memref<!tpu.dma_semaphore, #tpu.memory_space<semaphore_mem>>) {add = true}
        %dma_wait3A_109 = arith.constant 0 : i32
        %dma_wait3A_110 = arith.constant 0 : i32
        %dma_wait3A_111 = tpu.memref_slice %arg21[%dma_wait3A_109, %dma_wait3A_110] : memref<10000x16xf32, #tpu.memory_space<vmem_shared>> -> memref<10000x16xf32, #tpu.memory_space<vmem_shared>>
        tpu.wait_indirect_dma semaphore(%run_scoped3A : memref<!tpu.dma_semaphore, #tpu.memory_space<semaphore_mem>>) src(%arg19 : memref<80x16xf32, #tpu.memory_space<vmem>>) dst(%dma_wait3A_111 : memref<10000x16xf32, #tpu.memory_space<vmem_shared>>)
        tpu.yield
      }) : () -> ()
    }
    %scan3A_13 = arith.constant 250 : i32
    %barrier3A_14 = arith.constant 0 : index
    tpu.barrier barrier_id(%barrier3A_14)
    %mul3A_15 = arith.constant 624 : i32
    %mul3A_16 = arith.muli %arg1, %mul3A_15 : i32
    "tpu.region"() ({
      %run_scoped3A = tpu.sem_alloc : memref<!tpu.dma_semaphore, #tpu.memory_space<semaphore_mem>>
      %dma_start3A = arith.constant 0 : i32
      %dma_start3A_22 = tpu.memref_slice %arg10[%arg0, %mul3A_16, %dma_start3A] : memref<2x10000x64xf32, #tpu.memory_space<hbm>> -> memref<1x624x64xf32, #tpu.memory_space<hbm>>
      %dma_start3A_23 = tpu.memref_squeeze %dma_start3A_22 : memref<1x624x64xf32, #tpu.memory_space<hbm>> -> memref<624x64xf32, #tpu.memory_space<hbm>>
      %dma_start3A_24 = arith.constant 0 : i32
      %dma_start3A_25 = tpu.memref_slice %arg20[%mul3A_16, %dma_start3A_24] : memref<10000x64xf32, #tpu.memory_space<vmem_shared>> -> memref<624x64xf32, #tpu.memory_space<vmem_shared>>
      tpu.enqueue_dma source(%dma_start3A_25 : memref<624x64xf32, #tpu.memory_space<vmem_shared>>) target(%dma_start3A_23 : memref<624x64xf32, #tpu.memory_space<hbm>>) target_semaphore(%run_scoped3A : memref<!tpu.dma_semaphore, #tpu.memory_space<semaphore_mem>>)
      %dma_wait3A = arith.constant 0 : i32
      %dma_wait3A_26 = tpu.memref_slice %arg10[%arg0, %mul3A_16, %dma_wait3A] : memref<2x10000x64xf32, #tpu.memory_space<hbm>> -> memref<1x624x64xf32, #tpu.memory_space<hbm>>
      %dma_wait3A_27 = tpu.memref_squeeze %dma_wait3A_26 : memref<1x624x64xf32, #tpu.memory_space<hbm>> -> memref<624x64xf32, #tpu.memory_space<hbm>>
      %dma_wait3A_28 = arith.constant 0 : i32
      %dma_wait3A_29 = tpu.memref_slice %arg20[%mul3A_16, %dma_wait3A_28] : memref<10000x64xf32, #tpu.memory_space<vmem_shared>> -> memref<624x64xf32, #tpu.memory_space<vmem_shared>>
      tpu.wait_dma2 semaphore(%run_scoped3A : memref<!tpu.dma_semaphore, #tpu.memory_space<semaphore_mem>>) src(%dma_wait3A_29 : memref<624x64xf32, #tpu.memory_space<vmem_shared>>) dst(%dma_wait3A_27 : memref<624x64xf32, #tpu.memory_space<hbm>>)
      tpu.yield
    }) : () -> ()
    "tpu.region"() ({
      %run_scoped3A = tpu.sem_alloc : memref<!tpu.dma_semaphore, #tpu.memory_space<semaphore_mem>>
      %dma_start3A = arith.constant 0 : i32
      %dma_start3A_22 = tpu.memref_slice %arg11[%arg0, %mul3A_16, %dma_start3A] : memref<2x10000x16xf32, #tpu.memory_space<hbm>> -> memref<1x624x16xf32, #tpu.memory_space<hbm>>
      %dma_start3A_23 = tpu.memref_squeeze %dma_start3A_22 : memref<1x624x16xf32, #tpu.memory_space<hbm>> -> memref<624x16xf32, #tpu.memory_space<hbm>>
      %dma_start3A_24 = arith.constant 0 : i32
      %dma_start3A_25 = tpu.memref_slice %arg21[%mul3A_16, %dma_start3A_24] : memref<10000x16xf32, #tpu.memory_space<vmem_shared>> -> memref<624x16xf32, #tpu.memory_space<vmem_shared>>
      tpu.enqueue_dma source(%dma_start3A_25 : memref<624x16xf32, #tpu.memory_space<vmem_shared>>) target(%dma_start3A_23 : memref<624x16xf32, #tpu.memory_space<hbm>>) target_semaphore(%run_scoped3A : memref<!tpu.dma_semaphore, #tpu.memory_space<semaphore_mem>>)
      %dma_wait3A = arith.constant 0 : i32
      %dma_wait3A_26 = tpu.memref_slice %arg11[%arg0, %mul3A_16, %dma_wait3A] : memref<2x10000x16xf32, #tpu.memory_space<hbm>> -> memref<1x624x16xf32, #tpu.memory_space<hbm>>
      %dma_wait3A_27 = tpu.memref_squeeze %dma_wait3A_26 : memref<1x624x16xf32, #tpu.memory_space<hbm>> -> memref<624x16xf32, #tpu.memory_space<hbm>>
      %dma_wait3A_28 = arith.constant 0 : i32
      %dma_wait3A_29 = tpu.memref_slice %arg21[%mul3A_16, %dma_wait3A_28] : memref<10000x16xf32, #tpu.memory_space<vmem_shared>> -> memref<624x16xf32, #tpu.memory_space<vmem_shared>>
      tpu.wait_dma2 semaphore(%run_scoped3A : memref<!tpu.dma_semaphore, #tpu.memory_space<semaphore_mem>>) src(%dma_wait3A_29 : memref<624x16xf32, #tpu.memory_space<vmem_shared>>) dst(%dma_wait3A_27 : memref<624x16xf32, #tpu.memory_space<hbm>>)
      tpu.yield
    }) : () -> ()
    %eq3A_17 = arith.constant 0 : i32
    %eq3A_18 = arith.cmpi eq, %arg1, %eq3A_17 : i32
    %convert_element_type3A_19 = arith.extui %eq3A_18 : i1 to i32
    %cond3A_20 = arith.constant 0 : i32
    %cond3A_21 = arith.cmpi ne, %convert_element_type3A_19, %cond3A_20 : i32
    scf.if %cond3A_21 {
      "tpu.region"() ({
        %run_scoped3A = tpu.sem_alloc : memref<!tpu.dma_semaphore, #tpu.memory_space<semaphore_mem>>
        %dma_start3A = arith.constant 9984 : i32
        %dma_start3A_22 = arith.constant 0 : i32
        %dma_start3A_23 = tpu.memref_slice %arg10[%arg0, %dma_start3A, %dma_start3A_22] : memref<2x10000x64xf32, #tpu.memory_space<hbm>> -> memref<1x16x64xf32, #tpu.memory_space<hbm>>
        %dma_start3A_24 = tpu.memref_squeeze %dma_start3A_23 : memref<1x16x64xf32, #tpu.memory_space<hbm>> -> memref<16x64xf32, #tpu.memory_space<hbm>>
        %dma_start3A_25 = arith.constant 9984 : i32
        %dma_start3A_26 = arith.constant 0 : i32
        %dma_start3A_27 = tpu.memref_slice %arg20[%dma_start3A_25, %dma_start3A_26] : memref<10000x64xf32, #tpu.memory_space<vmem_shared>> -> memref<16x64xf32, #tpu.memory_space<vmem_shared>>
        tpu.enqueue_dma source(%dma_start3A_27 : memref<16x64xf32, #tpu.memory_space<vmem_shared>>) target(%dma_start3A_24 : memref<16x64xf32, #tpu.memory_space<hbm>>) target_semaphore(%run_scoped3A : memref<!tpu.dma_semaphore, #tpu.memory_space<semaphore_mem>>)
        %dma_wait3A = arith.constant 9984 : i32
        %dma_wait3A_28 = arith.constant 0 : i32
        %dma_wait3A_29 = tpu.memref_slice %arg10[%arg0, %dma_wait3A, %dma_wait3A_28] : memref<2x10000x64xf32, #tpu.memory_space<hbm>> -> memref<1x16x64xf32, #tpu.memory_space<hbm>>
        %dma_wait3A_30 = tpu.memref_squeeze %dma_wait3A_29 : memref<1x16x64xf32, #tpu.memory_space<hbm>> -> memref<16x64xf32, #tpu.memory_space<hbm>>
        %dma_wait3A_31 = arith.constant 9984 : i32
        %dma_wait3A_32 = arith.constant 0 : i32
        %dma_wait3A_33 = tpu.memref_slice %arg20[%dma_wait3A_31, %dma_wait3A_32] : memref<10000x64xf32, #tpu.memory_space<vmem_shared>> -> memref<16x64xf32, #tpu.memory_space<vmem_shared>>
        tpu.wait_dma2 semaphore(%run_scoped3A : memref<!tpu.dma_semaphore, #tpu.memory_space<semaphore_mem>>) src(%dma_wait3A_33 : memref<16x64xf32, #tpu.memory_space<vmem_shared>>) dst(%dma_wait3A_30 : memref<16x64xf32, #tpu.memory_space<hbm>>)
        tpu.yield
      }) : () -> ()
      "tpu.region"() ({
        %run_scoped3A = tpu.sem_alloc : memref<!tpu.dma_semaphore, #tpu.memory_space<semaphore_mem>>
        %dma_start3A = arith.constant 9984 : i32
        %dma_start3A_22 = arith.constant 0 : i32
        %dma_start3A_23 = tpu.memref_slice %arg11[%arg0, %dma_start3A, %dma_start3A_22] : memref<2x10000x16xf32, #tpu.memory_space<hbm>> -> memref<1x16x16xf32, #tpu.memory_space<hbm>>
        %dma_start3A_24 = tpu.memref_squeeze %dma_start3A_23 : memref<1x16x16xf32, #tpu.memory_space<hbm>> -> memref<16x16xf32, #tpu.memory_space<hbm>>
        %dma_start3A_25 = arith.constant 9984 : i32
        %dma_start3A_26 = arith.constant 0 : i32
        %dma_start3A_27 = tpu.memref_slice %arg21[%dma_start3A_25, %dma_start3A_26] : memref<10000x16xf32, #tpu.memory_space<vmem_shared>> -> memref<16x16xf32, #tpu.memory_space<vmem_shared>>
        tpu.enqueue_dma source(%dma_start3A_27 : memref<16x16xf32, #tpu.memory_space<vmem_shared>>) target(%dma_start3A_24 : memref<16x16xf32, #tpu.memory_space<hbm>>) target_semaphore(%run_scoped3A : memref<!tpu.dma_semaphore, #tpu.memory_space<semaphore_mem>>)
        %dma_wait3A = arith.constant 9984 : i32
        %dma_wait3A_28 = arith.constant 0 : i32
        %dma_wait3A_29 = tpu.memref_slice %arg11[%arg0, %dma_wait3A, %dma_wait3A_28] : memref<2x10000x16xf32, #tpu.memory_space<hbm>> -> memref<1x16x16xf32, #tpu.memory_space<hbm>>
        %dma_wait3A_30 = tpu.memref_squeeze %dma_wait3A_29 : memref<1x16x16xf32, #tpu.memory_space<hbm>> -> memref<16x16xf32, #tpu.memory_space<hbm>>
        %dma_wait3A_31 = arith.constant 9984 : i32
        %dma_wait3A_32 = arith.constant 0 : i32
        %dma_wait3A_33 = tpu.memref_slice %arg21[%dma_wait3A_31, %dma_wait3A_32] : memref<10000x16xf32, #tpu.memory_space<vmem_shared>> -> memref<16x16xf32, #tpu.memory_space<vmem_shared>>
        tpu.wait_dma2 semaphore(%run_scoped3A : memref<!tpu.dma_semaphore, #tpu.memory_space<semaphore_mem>>) src(%dma_wait3A_33 : memref<16x16xf32, #tpu.memory_space<vmem_shared>>) dst(%dma_wait3A_30 : memref<16x16xf32, #tpu.memory_space<hbm>>)
        tpu.yield
      }) : () -> ()
    } else {
    }
    return
  }
}

module attributes {stable_mosaic.version = 14 : i64} {
  func.func @_qkv_body(%arg0: i32, %arg1: memref<1000x128xf32, #tpu.memory_space<vmem>>, %arg2: memref<128x128xf32, #tpu.memory_space<vmem>>, %arg3: memref<128x128xf32, #tpu.memory_space<vmem>>, %arg4: memref<128x128xf32, #tpu.memory_space<vmem>>, %arg5: memref<2x1000x64xf32, #tpu.memory_space<vmem>>, %arg6: memref<2x1000x64xf32, #tpu.memory_space<vmem>>, %arg7: memref<2x1000x64xf32, #tpu.memory_space<vmem>>) attributes {dimension_semantics = [#tpu.dimension_semantics<arbitrary>], iteration_bounds = array<i64: 10>, scalar_prefetch = 0 : i64, scratch_operands = 0 : i64, tpu.core_type = #tpu.core_type<tc>, window_params = [{transform_indices = @transform_0, window_bounds = array<i64: 1000, 128>}, {pipeline_mode = #tpu.pipeline_mode<synchronous>, transform_indices = @transform_1, window_bounds = array<i64: 128, 128>}, {pipeline_mode = #tpu.pipeline_mode<synchronous>, transform_indices = @transform_2, window_bounds = array<i64: 128, 128>}, {pipeline_mode = #tpu.pipeline_mode<synchronous>, transform_indices = @transform_3, window_bounds = array<i64: 128, 128>}, {transform_indices = @transform_4, window_bounds = array<i64: 2, 1000, 64>}, {transform_indices = @transform_5, window_bounds = array<i64: 2, 1000, 64>}, {transform_indices = @transform_6, window_bounds = array<i64: 2, 1000, 64>}]} {
    %get3A = arith.constant 0 : index
    %get3A_0 = arith.constant 0 : index
    %get3A_1 = vector.load %arg1[%get3A, %get3A_0] : memref<1000x128xf32, #tpu.memory_space<vmem>>, vector<1000x128xf32>
    %get3A_2 = arith.constant 0 : index
    %get3A_3 = arith.constant 0 : index
    %get3A_4 = vector.load %arg2[%get3A_2, %get3A_3] : memref<128x128xf32, #tpu.memory_space<vmem>>, vector<128x128xf32>
    %dot_general3A = arith.constant dense<0.000000e+00> : vector<1000x128xf32>
    %dot_general3A_5 = tpu.matmul %get3A_1, %get3A_4, %dot_general3A {dimension_numbers = #tpu.dot_dimension_numbers<[1], [0], [0], [1], [0, 0, 1, 1], [], []>, transpose_lhs_hint = false} : vector<1000x128xf32>, vector<128x128xf32>, vector<1000x128xf32> -> vector<1000x128xf32>
    %get3A_6 = arith.constant 0 : index
    %get3A_7 = arith.constant 0 : index
    %get3A_8 = vector.load %arg3[%get3A_6, %get3A_7] : memref<128x128xf32, #tpu.memory_space<vmem>>, vector<128x128xf32>
    %dot_general3A_9 = arith.constant dense<0.000000e+00> : vector<1000x128xf32>
    %dot_general3A_10 = tpu.matmul %get3A_1, %get3A_8, %dot_general3A_9 {dimension_numbers = #tpu.dot_dimension_numbers<[1], [0], [0], [1], [0, 0, 1, 1], [], []>, transpose_lhs_hint = false} : vector<1000x128xf32>, vector<128x128xf32>, vector<1000x128xf32> -> vector<1000x128xf32>
    %get3A_11 = arith.constant 0 : index
    %get3A_12 = arith.constant 0 : index
    %get3A_13 = vector.load %arg4[%get3A_11, %get3A_12] : memref<128x128xf32, #tpu.memory_space<vmem>>, vector<128x128xf32>
    %dot_general3A_14 = arith.constant dense<0.000000e+00> : vector<1000x128xf32>
    %dot_general3A_15 = tpu.matmul %get3A_1, %get3A_13, %dot_general3A_14 {dimension_numbers = #tpu.dot_dimension_numbers<[1], [0], [0], [1], [0, 0, 1, 1], [], []>, transpose_lhs_hint = false} : vector<1000x128xf32>, vector<128x128xf32>, vector<1000x128xf32> -> vector<1000x128xf32>
    %slice3A = vector.extract_strided_slice %dot_general3A_5 {offsets = [0, 0], sizes = [1000, 64], strides = [1, 1]} : vector<1000x128xf32> to vector<1000x64xf32>
    %slice3A_16 = vector.extract_strided_slice %dot_general3A_5 {offsets = [0, 64], sizes = [1000, 64], strides = [1, 1]} : vector<1000x128xf32> to vector<1000x64xf32>
    %swap3A = arith.constant 0 : index
    %swap3A_17 = arith.constant 0 : index
    %swap3A_18 = arith.constant 0 : index
    %swap3A_19 = vector.load %arg5[%swap3A, %swap3A_17, %swap3A_18] : memref<2x1000x64xf32, #tpu.memory_space<vmem>>, vector<1x1000x64xf32>
    %swap3A_20 = vector.shape_cast %swap3A_19 : vector<1x1000x64xf32> to vector<1000x64xf32>
    %swap3A_21 = vector.shape_cast %slice3A : vector<1000x64xf32> to vector<1x1000x64xf32>
    tpu.vector_store %arg5[%swap3A, %swap3A_17, %swap3A_18], %swap3A_21 {strides = array<i32>} : memref<2x1000x64xf32, #tpu.memory_space<vmem>>, vector<1x1000x64xf32>,
    %swap3A_22 = arith.constant 1 : index
    %swap3A_23 = arith.constant 0 : index
    %swap3A_24 = arith.constant 0 : index
    %swap3A_25 = vector.load %arg5[%swap3A_22, %swap3A_23, %swap3A_24] : memref<2x1000x64xf32, #tpu.memory_space<vmem>>, vector<1x1000x64xf32>
    %swap3A_26 = vector.shape_cast %swap3A_25 : vector<1x1000x64xf32> to vector<1000x64xf32>
    %swap3A_27 = vector.shape_cast %slice3A_16 : vector<1000x64xf32> to vector<1x1000x64xf32>
    tpu.vector_store %arg5[%swap3A_22, %swap3A_23, %swap3A_24], %swap3A_27 {strides = array<i32>} : memref<2x1000x64xf32, #tpu.memory_space<vmem>>, vector<1x1000x64xf32>,
    %slice3A_28 = vector.extract_strided_slice %dot_general3A_10 {offsets = [0, 0], sizes = [1000, 64], strides = [1, 1]} : vector<1000x128xf32> to vector<1000x64xf32>
    %slice3A_29 = vector.extract_strided_slice %dot_general3A_10 {offsets = [0, 64], sizes = [1000, 64], strides = [1, 1]} : vector<1000x128xf32> to vector<1000x64xf32>
    %swap3A_30 = arith.constant 0 : index
    %swap3A_31 = arith.constant 0 : index
    %swap3A_32 = arith.constant 0 : index
    %swap3A_33 = vector.load %arg6[%swap3A_30, %swap3A_31, %swap3A_32] : memref<2x1000x64xf32, #tpu.memory_space<vmem>>, vector<1x1000x64xf32>
    %swap3A_34 = vector.shape_cast %swap3A_33 : vector<1x1000x64xf32> to vector<1000x64xf32>
    %swap3A_35 = vector.shape_cast %slice3A_28 : vector<1000x64xf32> to vector<1x1000x64xf32>
    tpu.vector_store %arg6[%swap3A_30, %swap3A_31, %swap3A_32], %swap3A_35 {strides = array<i32>} : memref<2x1000x64xf32, #tpu.memory_space<vmem>>, vector<1x1000x64xf32>,
    %swap3A_36 = arith.constant 1 : index
    %swap3A_37 = arith.constant 0 : index
    %swap3A_38 = arith.constant 0 : index
    %swap3A_39 = vector.load %arg6[%swap3A_36, %swap3A_37, %swap3A_38] : memref<2x1000x64xf32, #tpu.memory_space<vmem>>, vector<1x1000x64xf32>
    %swap3A_40 = vector.shape_cast %swap3A_39 : vector<1x1000x64xf32> to vector<1000x64xf32>
    %swap3A_41 = vector.shape_cast %slice3A_29 : vector<1000x64xf32> to vector<1x1000x64xf32>
    tpu.vector_store %arg6[%swap3A_36, %swap3A_37, %swap3A_38], %swap3A_41 {strides = array<i32>} : memref<2x1000x64xf32, #tpu.memory_space<vmem>>, vector<1x1000x64xf32>,
    %slice3A_42 = vector.extract_strided_slice %dot_general3A_15 {offsets = [0, 0], sizes = [1000, 64], strides = [1, 1]} : vector<1000x128xf32> to vector<1000x64xf32>
    %slice3A_43 = vector.extract_strided_slice %dot_general3A_15 {offsets = [0, 64], sizes = [1000, 64], strides = [1, 1]} : vector<1000x128xf32> to vector<1000x64xf32>
    %swap3A_44 = arith.constant 0 : index
    %swap3A_45 = arith.constant 0 : index
    %swap3A_46 = arith.constant 0 : index
    %swap3A_47 = vector.load %arg7[%swap3A_44, %swap3A_45, %swap3A_46] : memref<2x1000x64xf32, #tpu.memory_space<vmem>>, vector<1x1000x64xf32>
    %swap3A_48 = vector.shape_cast %swap3A_47 : vector<1x1000x64xf32> to vector<1000x64xf32>
    %swap3A_49 = vector.shape_cast %slice3A_42 : vector<1000x64xf32> to vector<1x1000x64xf32>
    tpu.vector_store %arg7[%swap3A_44, %swap3A_45, %swap3A_46], %swap3A_49 {strides = array<i32>} : memref<2x1000x64xf32, #tpu.memory_space<vmem>>, vector<1x1000x64xf32>,
    %swap3A_50 = arith.constant 1 : index
    %swap3A_51 = arith.constant 0 : index
    %swap3A_52 = arith.constant 0 : index
    %swap3A_53 = vector.load %arg7[%swap3A_50, %swap3A_51, %swap3A_52] : memref<2x1000x64xf32, #tpu.memory_space<vmem>>, vector<1x1000x64xf32>
    %swap3A_54 = vector.shape_cast %swap3A_53 : vector<1x1000x64xf32> to vector<1000x64xf32>
    %swap3A_55 = vector.shape_cast %slice3A_43 : vector<1000x64xf32> to vector<1x1000x64xf32>
    tpu.vector_store %arg7[%swap3A_50, %swap3A_51, %swap3A_52], %swap3A_55 {strides = array<i32>} : memref<2x1000x64xf32, #tpu.memory_space<vmem>>, vector<1x1000x64xf32>,
    return
  }
  func.func @transform_0(%arg0: i32) -> (i32, i32) {
    %c0_i32 = arith.constant 0 : i32
    %c0_i32_0 = arith.constant 0 : i32
    return %arg0, %c0_i32 : i32, i32
  }
  func.func @transform_1(%arg0: i32) -> (i32, i32) {
    %c0_i32 = arith.constant 0 : i32
    %c0_i32_0 = arith.constant 0 : i32
    %c0_i32_1 = arith.constant 0 : i32
    return %c0_i32, %c0_i32_0 : i32, i32
  }
  func.func @transform_2(%arg0: i32) -> (i32, i32) {
    %c0_i32 = arith.constant 0 : i32
    %c0_i32_0 = arith.constant 0 : i32
    %c0_i32_1 = arith.constant 0 : i32
    return %c0_i32, %c0_i32_0 : i32, i32
  }
  func.func @transform_3(%arg0: i32) -> (i32, i32) {
    %c0_i32 = arith.constant 0 : i32
    %c0_i32_0 = arith.constant 0 : i32
    %c0_i32_1 = arith.constant 0 : i32
    return %c0_i32, %c0_i32_0 : i32, i32
  }
  func.func @transform_4(%arg0: i32) -> (i32, i32, i32) {
    %c0_i32 = arith.constant 0 : i32
    %c0_i32_0 = arith.constant 0 : i32
    %c0_i32_1 = arith.constant 0 : i32
    return %c0_i32, %arg0, %c0_i32_0 : i32, i32, i32
  }
  func.func @transform_5(%arg0: i32) -> (i32, i32, i32) {
    %c0_i32 = arith.constant 0 : i32
    %c0_i32_0 = arith.constant 0 : i32
    %c0_i32_1 = arith.constant 0 : i32
    return %c0_i32, %arg0, %c0_i32_0 : i32, i32, i32
  }
  func.func @transform_6(%arg0: i32) -> (i32, i32, i32) {
    %c0_i32 = arith.constant 0 : i32
    %c0_i32_0 = arith.constant 0 : i32
    %c0_i32_1 = arith.constant 0 : i32
    return %c0_i32, %arg0, %c0_i32_0 : i32, i32, i32
  }
}

module attributes {stable_mosaic.version = 14 : i64} {
  func.func @_edge_mlp_body(%arg0: i32, %arg1: memref<2000x1xf32, #tpu.memory_space<vmem>>, %arg2: memref<2000x16xf32, #tpu.memory_space<vmem>>, %arg3: memref<2000x1xf32, #tpu.memory_space<vmem>>, %arg4: memref<1x32xf32, #tpu.memory_space<vmem>>, %arg5: memref<16x32xf32, #tpu.memory_space<vmem>>, %arg6: memref<1x32xf32, #tpu.memory_space<vmem>>, %arg7: memref<32x256xf32, #tpu.memory_space<vmem>>, %arg8: memref<1x256xf32, #tpu.memory_space<vmem>>, %arg9: memref<1x32xf32, #tpu.memory_space<vmem>>, %arg10: memref<16x32xf32, #tpu.memory_space<vmem>>, %arg11: memref<1x32xf32, #tpu.memory_space<vmem>>, %arg12: memref<32x256xf32, #tpu.memory_space<vmem>>, %arg13: memref<1x256xf32, #tpu.memory_space<vmem>>, %arg14: memref<1x32xf32, #tpu.memory_space<vmem>>, %arg15: memref<16x32xf32, #tpu.memory_space<vmem>>, %arg16: memref<1x32xf32, #tpu.memory_space<vmem>>, %arg17: memref<32x128xf32, #tpu.memory_space<vmem>>, %arg18: memref<1x128xf32, #tpu.memory_space<vmem>>, %arg19: memref<2x2000x128xf32, #tpu.memory_space<vmem>>, %arg20: memref<2x2000x128xf32, #tpu.memory_space<vmem>>, %arg21: memref<2x2000x64xf32, #tpu.memory_space<vmem>>) attributes {dimension_semantics = [#tpu.dimension_semantics<arbitrary>], iteration_bounds = array<i64: 160>, scalar_prefetch = 0 : i64, scratch_operands = 0 : i64, tpu.core_type = #tpu.core_type<tc>, window_params = [{transform_indices = @transform_0, window_bounds = array<i64: 2000, 1>}, {transform_indices = @transform_1, window_bounds = array<i64: 2000, 16>}, {transform_indices = @transform_2, window_bounds = array<i64: 2000, 1>}, {pipeline_mode = #tpu.pipeline_mode<synchronous>, transform_indices = @transform_3, window_bounds = array<i64: 1, 32>}, {pipeline_mode = #tpu.pipeline_mode<synchronous>, transform_indices = @transform_4, window_bounds = array<i64: 16, 32>}, {pipeline_mode = #tpu.pipeline_mode<synchronous>, transform_indices = @transform_5, window_bounds = array<i64: 1, 32>}, {pipeline_mode = #tpu.pipeline_mode<synchronous>, transform_indices = @transform_6, window_bounds = array<i64: 32, 256>}, {pipeline_mode = #tpu.pipeline_mode<synchronous>, transform_indices = @transform_7, window_bounds = array<i64: 1, 256>}, {pipeline_mode = #tpu.pipeline_mode<synchronous>, transform_indices = @transform_8, window_bounds = array<i64: 1, 32>}, {pipeline_mode = #tpu.pipeline_mode<synchronous>, transform_indices = @transform_9, window_bounds = array<i64: 16, 32>}, {pipeline_mode = #tpu.pipeline_mode<synchronous>, transform_indices = @transform_10, window_bounds = array<i64: 1, 32>}, {pipeline_mode = #tpu.pipeline_mode<synchronous>, transform_indices = @transform_11, window_bounds = array<i64: 32, 256>}, {pipeline_mode = #tpu.pipeline_mode<synchronous>, transform_indices = @transform_12, window_bounds = array<i64: 1, 256>}, {pipeline_mode = #tpu.pipeline_mode<synchronous>, transform_indices = @transform_13, window_bounds = array<i64: 1, 32>}, {pipeline_mode = #tpu.pipeline_mode<synchronous>, transform_indices = @transform_14, window_bounds = array<i64: 16, 32>}, {pipeline_mode = #tpu.pipeline_mode<synchronous>, transform_indices = @transform_15, window_bounds = array<i64: 1, 32>}, {pipeline_mode = #tpu.pipeline_mode<synchronous>, transform_indices = @transform_16, window_bounds = array<i64: 32, 128>}, {pipeline_mode = #tpu.pipeline_mode<synchronous>, transform_indices = @transform_17, window_bounds = array<i64: 1, 128>}, {transform_indices = @transform_18, window_bounds = array<i64: 2, 2000, 128>}, {transform_indices = @transform_19, window_bounds = array<i64: 2, 2000, 128>}, {transform_indices = @transform_20, window_bounds = array<i64: 2, 2000, 64>}]} {
    %get3A = arith.constant 0 : index
    %get3A_0 = arith.constant 0 : index
    %get3A_1 = vector.load %arg1[%get3A, %get3A_0] : memref<2000x1xf32, #tpu.memory_space<vmem>>, vector<2000x1xf32>
    %get3A_2 = arith.constant 0 : index
    %get3A_3 = arith.constant 0 : index
    %get3A_4 = vector.load %arg2[%get3A_2, %get3A_3] : memref<2000x16xf32, #tpu.memory_space<vmem>>, vector<2000x16xf32>
    %get3A_5 = arith.constant 0 : index
    %get3A_6 = arith.constant 0 : index
    %get3A_7 = vector.load %arg3[%get3A_5, %get3A_6] : memref<2000x1xf32, #tpu.memory_space<vmem>>, vector<2000x1xf32>
    %get3A_8 = arith.constant 0 : index
    %get3A_9 = arith.constant 0 : index
    %get3A_10 = vector.load %arg4[%get3A_8, %get3A_9] : memref<1x32xf32, #tpu.memory_space<vmem>>, vector<1x32xf32>
    %dot_general3A = arith.constant dense<0.000000e+00> : vector<2000x32xf32>
    %dot_general3A_11 = tpu.matmul %get3A_1, %get3A_10, %dot_general3A {dimension_numbers = #tpu.dot_dimension_numbers<[1], [0], [0], [1], [0, 0, 1, 1], [], []>, transpose_lhs_hint = false} : vector<2000x1xf32>, vector<1x32xf32>, vector<2000x32xf32> -> vector<2000x32xf32>
    %get3A_12 = arith.constant 0 : index
    %get3A_13 = arith.constant 0 : index
    %get3A_14 = vector.load %arg5[%get3A_12, %get3A_13] : memref<16x32xf32, #tpu.memory_space<vmem>>, vector<16x32xf32>
    %dot_general3A_15 = arith.constant dense<0.000000e+00> : vector<2000x32xf32>
    %dot_general3A_16 = tpu.matmul %get3A_4, %get3A_14, %dot_general3A_15 {dimension_numbers = #tpu.dot_dimension_numbers<[1], [0], [0], [1], [0, 0, 1, 1], [], []>, transpose_lhs_hint = false} : vector<2000x16xf32>, vector<16x32xf32>, vector<2000x32xf32> -> vector<2000x32xf32>
    %add3A = arith.addf %dot_general3A_11, %dot_general3A_16 : vector<2000x32xf32>
    %get3A_17 = arith.constant 0 : index
    %get3A_18 = arith.constant 0 : index
    %get3A_19 = vector.load %arg6[%get3A_17, %get3A_18] : memref<1x32xf32, #tpu.memory_space<vmem>>, vector<1x32xf32>
    %add3A_20 = vector.broadcast %get3A_19 : vector<1x32xf32> to vector<2000x32xf32>
    %add3A_21 = arith.addf %add3A, %add3A_20 : vector<2000x32xf32>
    %max3A = arith.constant 0.000000e+00 : f32
    %max3A_22 = vector.broadcast %max3A : f32 to vector<2000x32xf32>
    %max3A_23 = arith.maximumf %add3A_21, %max3A_22 : vector<2000x32xf32>
    %get3A_24 = arith.constant 0 : index
    %get3A_25 = arith.constant 0 : index
    %get3A_26 = vector.load %arg7[%get3A_24, %get3A_25] : memref<32x256xf32, #tpu.memory_space<vmem>>, vector<32x256xf32>
    %dot_general3A_27 = arith.constant dense<0.000000e+00> : vector<2000x256xf32>
    %dot_general3A_28 = tpu.matmul %max3A_23, %get3A_26, %dot_general3A_27 {dimension_numbers = #tpu.dot_dimension_numbers<[1], [0], [0], [1], [0, 0, 1, 1], [], []>, transpose_lhs_hint = false} : vector<2000x32xf32>, vector<32x256xf32>, vector<2000x256xf32> -> vector<2000x256xf32>
    %get3A_29 = arith.constant 0 : index
    %get3A_30 = arith.constant 0 : index
    %get3A_31 = vector.load %arg8[%get3A_29, %get3A_30] : memref<1x256xf32, #tpu.memory_space<vmem>>, vector<1x256xf32>
    %add3A_32 = vector.broadcast %get3A_31 : vector<1x256xf32> to vector<2000x256xf32>
    %add3A_33 = arith.addf %dot_general3A_28, %add3A_32 : vector<2000x256xf32>
    %mul3A = vector.broadcast %get3A_7 : vector<2000x1xf32> to vector<2000x256xf32>
    %mul3A_34 = arith.mulf %add3A_33, %mul3A : vector<2000x256xf32>
    %slice3A = vector.extract_strided_slice %mul3A_34 {offsets = [0, 0], sizes = [2000, 128], strides = [1, 1]} : vector<2000x256xf32> to vector<2000x128xf32>
    %slice3A_35 = vector.extract_strided_slice %mul3A_34 {offsets = [0, 128], sizes = [2000, 128], strides = [1, 1]} : vector<2000x256xf32> to vector<2000x128xf32>
    %swap3A = arith.constant 0 : index
    %swap3A_36 = arith.constant 0 : index
    %swap3A_37 = arith.constant 0 : index
    %swap3A_38 = vector.load %arg19[%swap3A, %swap3A_36, %swap3A_37] : memref<2x2000x128xf32, #tpu.memory_space<vmem>>, vector<1x2000x128xf32>
    %swap3A_39 = vector.shape_cast %swap3A_38 : vector<1x2000x128xf32> to vector<2000x128xf32>
    %swap3A_40 = vector.shape_cast %slice3A : vector<2000x128xf32> to vector<1x2000x128xf32>
    tpu.vector_store %arg19[%swap3A, %swap3A_36, %swap3A_37], %swap3A_40 {strides = array<i32>} : memref<2x2000x128xf32, #tpu.memory_space<vmem>>, vector<1x2000x128xf32>,
    %swap3A_41 = arith.constant 1 : index
    %swap3A_42 = arith.constant 0 : index
    %swap3A_43 = arith.constant 0 : index
    %swap3A_44 = vector.load %arg19[%swap3A_41, %swap3A_42, %swap3A_43] : memref<2x2000x128xf32, #tpu.memory_space<vmem>>, vector<1x2000x128xf32>
    %swap3A_45 = vector.shape_cast %swap3A_44 : vector<1x2000x128xf32> to vector<2000x128xf32>
    %swap3A_46 = vector.shape_cast %slice3A_35 : vector<2000x128xf32> to vector<1x2000x128xf32>
    tpu.vector_store %arg19[%swap3A_41, %swap3A_42, %swap3A_43], %swap3A_46 {strides = array<i32>} : memref<2x2000x128xf32, #tpu.memory_space<vmem>>, vector<1x2000x128xf32>,
    %get3A_47 = arith.constant 0 : index
    %get3A_48 = arith.constant 0 : index
    %get3A_49 = vector.load %arg9[%get3A_47, %get3A_48] : memref<1x32xf32, #tpu.memory_space<vmem>>, vector<1x32xf32>
    %dot_general3A_50 = arith.constant dense<0.000000e+00> : vector<2000x32xf32>
    %dot_general3A_51 = tpu.matmul %get3A_1, %get3A_49, %dot_general3A_50 {dimension_numbers = #tpu.dot_dimension_numbers<[1], [0], [0], [1], [0, 0, 1, 1], [], []>, transpose_lhs_hint = false} : vector<2000x1xf32>, vector<1x32xf32>, vector<2000x32xf32> -> vector<2000x32xf32>
    %get3A_52 = arith.constant 0 : index
    %get3A_53 = arith.constant 0 : index
    %get3A_54 = vector.load %arg10[%get3A_52, %get3A_53] : memref<16x32xf32, #tpu.memory_space<vmem>>, vector<16x32xf32>
    %dot_general3A_55 = arith.constant dense<0.000000e+00> : vector<2000x32xf32>
    %dot_general3A_56 = tpu.matmul %get3A_4, %get3A_54, %dot_general3A_55 {dimension_numbers = #tpu.dot_dimension_numbers<[1], [0], [0], [1], [0, 0, 1, 1], [], []>, transpose_lhs_hint = false} : vector<2000x16xf32>, vector<16x32xf32>, vector<2000x32xf32> -> vector<2000x32xf32>
    %add3A_57 = arith.addf %dot_general3A_51, %dot_general3A_56 : vector<2000x32xf32>
    %get3A_58 = arith.constant 0 : index
    %get3A_59 = arith.constant 0 : index
    %get3A_60 = vector.load %arg11[%get3A_58, %get3A_59] : memref<1x32xf32, #tpu.memory_space<vmem>>, vector<1x32xf32>
    %add3A_61 = vector.broadcast %get3A_60 : vector<1x32xf32> to vector<2000x32xf32>
    %add3A_62 = arith.addf %add3A_57, %add3A_61 : vector<2000x32xf32>
    %max3A_63 = arith.constant 0.000000e+00 : f32
    %max3A_64 = vector.broadcast %max3A_63 : f32 to vector<2000x32xf32>
    %max3A_65 = arith.maximumf %add3A_62, %max3A_64 : vector<2000x32xf32>
    %get3A_66 = arith.constant 0 : index
    %get3A_67 = arith.constant 0 : index
    %get3A_68 = vector.load %arg12[%get3A_66, %get3A_67] : memref<32x256xf32, #tpu.memory_space<vmem>>, vector<32x256xf32>
    %dot_general3A_69 = arith.constant dense<0.000000e+00> : vector<2000x256xf32>
    %dot_general3A_70 = tpu.matmul %max3A_65, %get3A_68, %dot_general3A_69 {dimension_numbers = #tpu.dot_dimension_numbers<[1], [0], [0], [1], [0, 0, 1, 1], [], []>, transpose_lhs_hint = false} : vector<2000x32xf32>, vector<32x256xf32>, vector<2000x256xf32> -> vector<2000x256xf32>
    %get3A_71 = arith.constant 0 : index
    %get3A_72 = arith.constant 0 : index
    %get3A_73 = vector.load %arg13[%get3A_71, %get3A_72] : memref<1x256xf32, #tpu.memory_space<vmem>>, vector<1x256xf32>
    %add3A_74 = vector.broadcast %get3A_73 : vector<1x256xf32> to vector<2000x256xf32>
    %add3A_75 = arith.addf %dot_general3A_70, %add3A_74 : vector<2000x256xf32>
    %mul3A_76 = vector.broadcast %get3A_7 : vector<2000x1xf32> to vector<2000x256xf32>
    %mul3A_77 = arith.mulf %add3A_75, %mul3A_76 : vector<2000x256xf32>
    %slice3A_78 = vector.extract_strided_slice %mul3A_77 {offsets = [0, 0], sizes = [2000, 128], strides = [1, 1]} : vector<2000x256xf32> to vector<2000x128xf32>
    %slice3A_79 = vector.extract_strided_slice %mul3A_77 {offsets = [0, 128], sizes = [2000, 128], strides = [1, 1]} : vector<2000x256xf32> to vector<2000x128xf32>
    %swap3A_80 = arith.constant 0 : index
    %swap3A_81 = arith.constant 0 : index
    %swap3A_82 = arith.constant 0 : index
    %swap3A_83 = vector.load %arg20[%swap3A_80, %swap3A_81, %swap3A_82] : memref<2x2000x128xf32, #tpu.memory_space<vmem>>, vector<1x2000x128xf32>
    %swap3A_84 = vector.shape_cast %swap3A_83 : vector<1x2000x128xf32> to vector<2000x128xf32>
    %swap3A_85 = vector.shape_cast %slice3A_78 : vector<2000x128xf32> to vector<1x2000x128xf32>
    tpu.vector_store %arg20[%swap3A_80, %swap3A_81, %swap3A_82], %swap3A_85 {strides = array<i32>} : memref<2x2000x128xf32, #tpu.memory_space<vmem>>, vector<1x2000x128xf32>,
    %swap3A_86 = arith.constant 1 : index
    %swap3A_87 = arith.constant 0 : index
    %swap3A_88 = arith.constant 0 : index
    %swap3A_89 = vector.load %arg20[%swap3A_86, %swap3A_87, %swap3A_88] : memref<2x2000x128xf32, #tpu.memory_space<vmem>>, vector<1x2000x128xf32>
    %swap3A_90 = vector.shape_cast %swap3A_89 : vector<1x2000x128xf32> to vector<2000x128xf32>
    %swap3A_91 = vector.shape_cast %slice3A_79 : vector<2000x128xf32> to vector<1x2000x128xf32>
    tpu.vector_store %arg20[%swap3A_86, %swap3A_87, %swap3A_88], %swap3A_91 {strides = array<i32>} : memref<2x2000x128xf32, #tpu.memory_space<vmem>>, vector<1x2000x128xf32>,
    %get3A_92 = arith.constant 0 : index
    %get3A_93 = arith.constant 0 : index
    %get3A_94 = vector.load %arg14[%get3A_92, %get3A_93] : memref<1x32xf32, #tpu.memory_space<vmem>>, vector<1x32xf32>
    %dot_general3A_95 = arith.constant dense<0.000000e+00> : vector<2000x32xf32>
    %dot_general3A_96 = tpu.matmul %get3A_1, %get3A_94, %dot_general3A_95 {dimension_numbers = #tpu.dot_dimension_numbers<[1], [0], [0], [1], [0, 0, 1, 1], [], []>, transpose_lhs_hint = false} : vector<2000x1xf32>, vector<1x32xf32>, vector<2000x32xf32> -> vector<2000x32xf32>
    %get3A_97 = arith.constant 0 : index
    %get3A_98 = arith.constant 0 : index
    %get3A_99 = vector.load %arg15[%get3A_97, %get3A_98] : memref<16x32xf32, #tpu.memory_space<vmem>>, vector<16x32xf32>
    %dot_general3A_100 = arith.constant dense<0.000000e+00> : vector<2000x32xf32>
    %dot_general3A_101 = tpu.matmul %get3A_4, %get3A_99, %dot_general3A_100 {dimension_numbers = #tpu.dot_dimension_numbers<[1], [0], [0], [1], [0, 0, 1, 1], [], []>, transpose_lhs_hint = false} : vector<2000x16xf32>, vector<16x32xf32>, vector<2000x32xf32> -> vector<2000x32xf32>
    %add3A_102 = arith.addf %dot_general3A_96, %dot_general3A_101 : vector<2000x32xf32>
    %get3A_103 = arith.constant 0 : index
    %get3A_104 = arith.constant 0 : index
    %get3A_105 = vector.load %arg16[%get3A_103, %get3A_104] : memref<1x32xf32, #tpu.memory_space<vmem>>, vector<1x32xf32>
    %add3A_106 = vector.broadcast %get3A_105 : vector<1x32xf32> to vector<2000x32xf32>
    %add3A_107 = arith.addf %add3A_102, %add3A_106 : vector<2000x32xf32>
    %max3A_108 = arith.constant 0.000000e+00 : f32
    %max3A_109 = vector.broadcast %max3A_108 : f32 to vector<2000x32xf32>
    %max3A_110 = arith.maximumf %add3A_107, %max3A_109 : vector<2000x32xf32>
    %get3A_111 = arith.constant 0 : index
    %get3A_112 = arith.constant 0 : index
    %get3A_113 = vector.load %arg17[%get3A_111, %get3A_112] : memref<32x128xf32, #tpu.memory_space<vmem>>, vector<32x128xf32>
    %dot_general3A_114 = arith.constant dense<0.000000e+00> : vector<2000x128xf32>
    %dot_general3A_115 = tpu.matmul %max3A_110, %get3A_113, %dot_general3A_114 {dimension_numbers = #tpu.dot_dimension_numbers<[1], [0], [0], [1], [0, 0, 1, 1], [], []>, transpose_lhs_hint = false} : vector<2000x32xf32>, vector<32x128xf32>, vector<2000x128xf32> -> vector<2000x128xf32>
    %get3A_116 = arith.constant 0 : index
    %get3A_117 = arith.constant 0 : index
    %get3A_118 = vector.load %arg18[%get3A_116, %get3A_117] : memref<1x128xf32, #tpu.memory_space<vmem>>, vector<1x128xf32>
    %add3A_119 = vector.broadcast %get3A_118 : vector<1x128xf32> to vector<2000x128xf32>
    %add3A_120 = arith.addf %dot_general3A_115, %add3A_119 : vector<2000x128xf32>
    %mul3A_121 = vector.broadcast %get3A_7 : vector<2000x1xf32> to vector<2000x128xf32>
    %mul3A_122 = arith.mulf %add3A_120, %mul3A_121 : vector<2000x128xf32>
    %slice3A_123 = vector.extract_strided_slice %mul3A_122 {offsets = [0, 0], sizes = [2000, 64], strides = [1, 1]} : vector<2000x128xf32> to vector<2000x64xf32>
    %slice3A_124 = vector.extract_strided_slice %mul3A_122 {offsets = [0, 64], sizes = [2000, 64], strides = [1, 1]} : vector<2000x128xf32> to vector<2000x64xf32>
    %swap3A_125 = arith.constant 0 : index
    %swap3A_126 = arith.constant 0 : index
    %swap3A_127 = arith.constant 0 : index
    %swap3A_128 = vector.load %arg21[%swap3A_125, %swap3A_126, %swap3A_127] : memref<2x2000x64xf32, #tpu.memory_space<vmem>>, vector<1x2000x64xf32>
    %swap3A_129 = vector.shape_cast %swap3A_128 : vector<1x2000x64xf32> to vector<2000x64xf32>
    %swap3A_130 = vector.shape_cast %slice3A_123 : vector<2000x64xf32> to vector<1x2000x64xf32>
    tpu.vector_store %arg21[%swap3A_125, %swap3A_126, %swap3A_127], %swap3A_130 {strides = array<i32>} : memref<2x2000x64xf32, #tpu.memory_space<vmem>>, vector<1x2000x64xf32>,
    %swap3A_131 = arith.constant 1 : index
    %swap3A_132 = arith.constant 0 : index
    %swap3A_133 = arith.constant 0 : index
    %swap3A_134 = vector.load %arg21[%swap3A_131, %swap3A_132, %swap3A_133] : memref<2x2000x64xf32, #tpu.memory_space<vmem>>, vector<1x2000x64xf32>
    %swap3A_135 = vector.shape_cast %swap3A_134 : vector<1x2000x64xf32> to vector<2000x64xf32>
    %swap3A_136 = vector.shape_cast %slice3A_124 : vector<2000x64xf32> to vector<1x2000x64xf32>
    tpu.vector_store %arg21[%swap3A_131, %swap3A_132, %swap3A_133], %swap3A_136 {strides = array<i32>} : memref<2x2000x64xf32, #tpu.memory_space<vmem>>, vector<1x2000x64xf32>,
    return
  }
  func.func @transform_0(%arg0: i32) -> (i32, i32) {
    %c0_i32 = arith.constant 0 : i32
    %c0_i32_0 = arith.constant 0 : i32
    return %arg0, %c0_i32 : i32, i32
  }
  func.func @transform_1(%arg0: i32) -> (i32, i32) {
    %c0_i32 = arith.constant 0 : i32
    %c0_i32_0 = arith.constant 0 : i32
    return %arg0, %c0_i32 : i32, i32
  }
  func.func @transform_2(%arg0: i32) -> (i32, i32) {
    %c0_i32 = arith.constant 0 : i32
    %c0_i32_0 = arith.constant 0 : i32
    return %arg0, %c0_i32 : i32, i32
  }
  func.func @transform_3(%arg0: i32) -> (i32, i32) {
    %c0_i32 = arith.constant 0 : i32
    %c0_i32_0 = arith.constant 0 : i32
    %c0_i32_1 = arith.constant 0 : i32
    return %c0_i32, %c0_i32_0 : i32, i32
  }
  func.func @transform_4(%arg0: i32) -> (i32, i32) {
    %c0_i32 = arith.constant 0 : i32
    %c0_i32_0 = arith.constant 0 : i32
    %c0_i32_1 = arith.constant 0 : i32
    return %c0_i32, %c0_i32_0 : i32, i32
  }
  func.func @transform_5(%arg0: i32) -> (i32, i32) {
    %c0_i32 = arith.constant 0 : i32
    %c0_i32_0 = arith.constant 0 : i32
    %c0_i32_1 = arith.constant 0 : i32
    return %c0_i32, %c0_i32_0 : i32, i32
  }
  func.func @transform_6(%arg0: i32) -> (i32, i32) {
    %c0_i32 = arith.constant 0 : i32
    %c0_i32_0 = arith.constant 0 : i32
    %c0_i32_1 = arith.constant 0 : i32
    return %c0_i32, %c0_i32_0 : i32, i32
  }
  func.func @transform_7(%arg0: i32) -> (i32, i32) {
    %c0_i32 = arith.constant 0 : i32
    %c0_i32_0 = arith.constant 0 : i32
    %c0_i32_1 = arith.constant 0 : i32
    return %c0_i32, %c0_i32_0 : i32, i32
  }
  func.func @transform_8(%arg0: i32) -> (i32, i32) {
    %c0_i32 = arith.constant 0 : i32
    %c0_i32_0 = arith.constant 0 : i32
    %c0_i32_1 = arith.constant 0 : i32
    return %c0_i32, %c0_i32_0 : i32, i32
  }
  func.func @transform_9(%arg0: i32) -> (i32, i32) {
    %c0_i32 = arith.constant 0 : i32
    %c0_i32_0 = arith.constant 0 : i32
    %c0_i32_1 = arith.constant 0 : i32
    return %c0_i32, %c0_i32_0 : i32, i32
  }
  func.func @transform_10(%arg0: i32) -> (i32, i32) {
    %c0_i32 = arith.constant 0 : i32
    %c0_i32_0 = arith.constant 0 : i32
    %c0_i32_1 = arith.constant 0 : i32
    return %c0_i32, %c0_i32_0 : i32, i32
  }
  func.func @transform_11(%arg0: i32) -> (i32, i32) {
    %c0_i32 = arith.constant 0 : i32
    %c0_i32_0 = arith.constant 0 : i32
    %c0_i32_1 = arith.constant 0 : i32
    return %c0_i32, %c0_i32_0 : i32, i32
  }
  func.func @transform_12(%arg0: i32) -> (i32, i32) {
    %c0_i32 = arith.constant 0 : i32
    %c0_i32_0 = arith.constant 0 : i32
    %c0_i32_1 = arith.constant 0 : i32
    return %c0_i32, %c0_i32_0 : i32, i32
  }
  func.func @transform_13(%arg0: i32) -> (i32, i32) {
    %c0_i32 = arith.constant 0 : i32
    %c0_i32_0 = arith.constant 0 : i32
    %c0_i32_1 = arith.constant 0 : i32
    return %c0_i32, %c0_i32_0 : i32, i32
  }
  func.func @transform_14(%arg0: i32) -> (i32, i32) {
    %c0_i32 = arith.constant 0 : i32
    %c0_i32_0 = arith.constant 0 : i32
    %c0_i32_1 = arith.constant 0 : i32
    return %c0_i32, %c0_i32_0 : i32, i32
  }
  func.func @transform_15(%arg0: i32) -> (i32, i32) {
    %c0_i32 = arith.constant 0 : i32
    %c0_i32_0 = arith.constant 0 : i32
    %c0_i32_1 = arith.constant 0 : i32
    return %c0_i32, %c0_i32_0 : i32, i32
  }
  func.func @transform_16(%arg0: i32) -> (i32, i32) {
    %c0_i32 = arith.constant 0 : i32
    %c0_i32_0 = arith.constant 0 : i32
    %c0_i32_1 = arith.constant 0 : i32
    return %c0_i32, %c0_i32_0 : i32, i32
  }
  func.func @transform_17(%arg0: i32) -> (i32, i32) {
    %c0_i32 = arith.constant 0 : i32
    %c0_i32_0 = arith.constant 0 : i32
    %c0_i32_1 = arith.constant 0 : i32
    return %c0_i32, %c0_i32_0 : i32, i32
  }
  func.func @transform_18(%arg0: i32) -> (i32, i32, i32) {
    %c0_i32 = arith.constant 0 : i32
    %c0_i32_0 = arith.constant 0 : i32
    %c0_i32_1 = arith.constant 0 : i32
    return %c0_i32, %arg0, %c0_i32_0 : i32, i32, i32
  }
  func.func @transform_19(%arg0: i32) -> (i32, i32, i32) {
    %c0_i32 = arith.constant 0 : i32
    %c0_i32_0 = arith.constant 0 : i32
    %c0_i32_1 = arith.constant 0 : i32
    return %c0_i32, %arg0, %c0_i32_0 : i32, i32, i32
  }
  func.func @transform_20(%arg0: i32) -> (i32, i32, i32) {
    %c0_i32 = arith.constant 0 : i32
    %c0_i32_0 = arith.constant 0 : i32
    %c0_i32_1 = arith.constant 0 : i32
    return %c0_i32, %arg0, %c0_i32_0 : i32, i32, i32
  }
}

module attributes {stable_mosaic.version = 14 : i64} {
  func.func @_post_att_body(%arg0: i32, %arg1: memref<1000x128xf32, #tpu.memory_space<vmem>>, %arg2: memref<2x1000x64xf32, #tpu.memory_space<vmem>>, %arg3: memref<2x1000x16xf32, #tpu.memory_space<vmem>>, %arg4: memref<4x128xf32, #tpu.memory_space<vmem>>, %arg5: memref<128x128xf32, #tpu.memory_space<vmem>>, %arg6: memref<128x128xf32, #tpu.memory_space<vmem>>, %arg7: memref<1x128xf32, #tpu.memory_space<vmem>>, %arg8: memref<1x128xf32, #tpu.memory_space<vmem>>, %arg9: memref<1x128xf32, #tpu.memory_space<vmem>>, %arg10: memref<1000x128xf32, #tpu.memory_space<vmem>>) attributes {dimension_semantics = [#tpu.dimension_semantics<arbitrary>], iteration_bounds = array<i64: 10>, scalar_prefetch = 0 : i64, scratch_operands = 0 : i64, tpu.core_type = #tpu.core_type<tc>, window_params = [{transform_indices = @transform_0, window_bounds = array<i64: 1000, 128>}, {transform_indices = @transform_1, window_bounds = array<i64: 2, 1000, 64>}, {transform_indices = @transform_2, window_bounds = array<i64: 2, 1000, 16>}, {pipeline_mode = #tpu.pipeline_mode<synchronous>, transform_indices = @transform_3, window_bounds = array<i64: 4, 128>}, {pipeline_mode = #tpu.pipeline_mode<synchronous>, transform_indices = @transform_4, window_bounds = array<i64: 128, 128>}, {pipeline_mode = #tpu.pipeline_mode<synchronous>, transform_indices = @transform_5, window_bounds = array<i64: 128, 128>}, {pipeline_mode = #tpu.pipeline_mode<synchronous>, transform_indices = @transform_6, window_bounds = array<i64: 1, 128>}, {pipeline_mode = #tpu.pipeline_mode<synchronous>, transform_indices = @transform_7, window_bounds = array<i64: 1, 128>}, {pipeline_mode = #tpu.pipeline_mode<synchronous>, transform_indices = @transform_8, window_bounds = array<i64: 1, 128>}, {transform_indices = @transform_9, window_bounds = array<i64: 1000, 128>}]} {
    %get3A = arith.constant 0 : index
    %get3A_0 = arith.constant 0 : index
    %get3A_1 = arith.constant 0 : index
    %get3A_2 = vector.load %arg2[%get3A, %get3A_0, %get3A_1] : memref<2x1000x64xf32, #tpu.memory_space<vmem>>, vector<1x1000x64xf32>
    %get3A_3 = vector.shape_cast %get3A_2 : vector<1x1000x64xf32> to vector<1000x64xf32>
    %get3A_4 = arith.constant 1 : index
    %get3A_5 = arith.constant 0 : index
    %get3A_6 = arith.constant 0 : index
    %get3A_7 = vector.load %arg2[%get3A_4, %get3A_5, %get3A_6] : memref<2x1000x64xf32, #tpu.memory_space<vmem>>, vector<1x1000x64xf32>
    %get3A_8 = vector.shape_cast %get3A_7 : vector<1x1000x64xf32> to vector<1000x64xf32>
    %concatenate3A = tpu.concatenate %get3A_3, %get3A_8 in 1 : vector<1000x64xf32>, vector<1000x64xf32> -> vector<1000x128xf32>
    %get3A_9 = arith.constant 0 : index
    %get3A_10 = arith.constant 0 : index
    %get3A_11 = arith.constant 0 : index
    %get3A_12 = vector.load %arg3[%get3A_9, %get3A_10, %get3A_11] : memref<2x1000x16xf32, #tpu.memory_space<vmem>>, vector<1x1000x16xf32>
    %get3A_13 = vector.shape_cast %get3A_12 : vector<1x1000x16xf32> to vector<1000x16xf32>
    %slice3A = vector.extract_strided_slice %get3A_13 {offsets = [0, 0], sizes = [1000, 2], strides = [1, 1]} : vector<1000x16xf32> to vector<1000x2xf32>
    %get3A_14 = arith.constant 1 : index
    %get3A_15 = arith.constant 0 : index
    %get3A_16 = arith.constant 0 : index
    %get3A_17 = vector.load %arg3[%get3A_14, %get3A_15, %get3A_16] : memref<2x1000x16xf32, #tpu.memory_space<vmem>>, vector<1x1000x16xf32>
    %get3A_18 = vector.shape_cast %get3A_17 : vector<1x1000x16xf32> to vector<1000x16xf32>
    %slice3A_19 = vector.extract_strided_slice %get3A_18 {offsets = [0, 0], sizes = [1000, 2], strides = [1, 1]} : vector<1000x16xf32> to vector<1000x2xf32>
    %concatenate3A_20 = tpu.concatenate %slice3A, %slice3A_19 in 1 : vector<1000x2xf32>, vector<1000x2xf32> -> vector<1000x4xf32>
    %get3A_21 = arith.constant 0 : index
    %get3A_22 = arith.constant 0 : index
    %get3A_23 = vector.load %arg4[%get3A_21, %get3A_22] : memref<4x128xf32, #tpu.memory_space<vmem>>, vector<4x128xf32>
    %dot_general3A = arith.constant dense<0.000000e+00> : vector<1000x128xf32>
    %dot_general3A_24 = tpu.matmul %concatenate3A_20, %get3A_23, %dot_general3A {dimension_numbers = #tpu.dot_dimension_numbers<[1], [0], [0], [1], [0, 0, 1, 1], [], []>, transpose_lhs_hint = false} : vector<1000x4xf32>, vector<4x128xf32>, vector<1000x128xf32> -> vector<1000x128xf32>
    %add3A = arith.constant 9.99999971E-10 : f32
    %add3A_25 = vector.broadcast %add3A : f32 to vector<1000x128xf32>
    %add3A_26 = arith.addf %dot_general3A_24, %add3A_25 : vector<1000x128xf32>
    %div3A = arith.divf %concatenate3A, %add3A_26 : vector<1000x128xf32>
    %get3A_27 = arith.constant 0 : index
    %get3A_28 = arith.constant 0 : index
    %get3A_29 = vector.load %arg1[%get3A_27, %get3A_28] : memref<1000x128xf32, #tpu.memory_space<vmem>>, vector<1000x128xf32>
    %get3A_30 = arith.constant 0 : index
    %get3A_31 = arith.constant 0 : index
    %get3A_32 = vector.load %arg5[%get3A_30, %get3A_31] : memref<128x128xf32, #tpu.memory_space<vmem>>, vector<128x128xf32>
    %dot_general3A_33 = arith.constant dense<0.000000e+00> : vector<1000x128xf32>
    %dot_general3A_34 = tpu.matmul %div3A, %get3A_32, %dot_general3A_33 {dimension_numbers = #tpu.dot_dimension_numbers<[1], [0], [0], [1], [0, 0, 1, 1], [], []>, transpose_lhs_hint = false} : vector<1000x128xf32>, vector<128x128xf32>, vector<1000x128xf32> -> vector<1000x128xf32>
    %get3A_35 = arith.constant 0 : index
    %get3A_36 = arith.constant 0 : index
    %get3A_37 = vector.load %arg6[%get3A_35, %get3A_36] : memref<128x128xf32, #tpu.memory_space<vmem>>, vector<128x128xf32>
    %dot_general3A_38 = arith.constant dense<0.000000e+00> : vector<1000x128xf32>
    %dot_general3A_39 = tpu.matmul %get3A_29, %get3A_37, %dot_general3A_38 {dimension_numbers = #tpu.dot_dimension_numbers<[1], [0], [0], [1], [0, 0, 1, 1], [], []>, transpose_lhs_hint = false} : vector<1000x128xf32>, vector<128x128xf32>, vector<1000x128xf32> -> vector<1000x128xf32>
    %add3A_40 = arith.addf %dot_general3A_34, %dot_general3A_39 : vector<1000x128xf32>
    %get3A_41 = arith.constant 0 : index
    %get3A_42 = arith.constant 0 : index
    %get3A_43 = vector.load %arg7[%get3A_41, %get3A_42] : memref<1x128xf32, #tpu.memory_space<vmem>>, vector<1x128xf32>
    %add3A_44 = vector.broadcast %get3A_43 : vector<1x128xf32> to vector<1000x128xf32>
    %add3A_45 = arith.addf %add3A_40, %add3A_44 : vector<1000x128xf32>
    %abs3A = math.absf %add3A_45 : vector<1000x128xf32>
    %add3A_46 = arith.constant 9.99999997E-7 : f32
    %add3A_47 = vector.broadcast %add3A_46 : f32 to vector<1000x128xf32>
    %add3A_48 = arith.addf %abs3A, %add3A_47 : vector<1000x128xf32>
    %div3A_49 = arith.divf %add3A_45, %add3A_48 : vector<1000x128xf32>
    %reduce_sum3A = arith.constant dense<0.000000e+00> : vector<1000xf32>
    %reduce_sum3A_50 = vector.multi_reduction <add>, %abs3A, %reduce_sum3A [1] : vector<1000x128xf32> to vector<1000xf32>
    %broadcast_in_dim3A = vector.shape_cast %reduce_sum3A_50 : vector<1000xf32> to vector<1000x1xf32>
    %div3A_51 = arith.constant 1.280000e+02 : f32
    %div3A_52 = vector.broadcast %div3A_51 : f32 to vector<1000x1xf32>
    %div3A_53 = arith.divf %broadcast_in_dim3A, %div3A_52 : vector<1000x1xf32>
    %sub3A = vector.broadcast %div3A_53 : vector<1000x1xf32> to vector<1000x128xf32>
    %sub3A_54 = arith.subf %abs3A, %sub3A : vector<1000x128xf32>
    %integer_pow3A = arith.mulf %sub3A_54, %sub3A_54 : vector<1000x128xf32>
    %reduce_sum3A_55 = arith.constant dense<0.000000e+00> : vector<1000xf32>
    %reduce_sum3A_56 = vector.multi_reduction <add>, %integer_pow3A, %reduce_sum3A_55 [1] : vector<1000x128xf32> to vector<1000xf32>
    %broadcast_in_dim3A_57 = vector.shape_cast %reduce_sum3A_56 : vector<1000xf32> to vector<1000x1xf32>
    %div3A_58 = arith.constant 1.280000e+02 : f32
    %div3A_59 = vector.broadcast %div3A_58 : f32 to vector<1000x1xf32>
    %div3A_60 = arith.divf %broadcast_in_dim3A_57, %div3A_59 : vector<1000x1xf32>
    %sqrt3A = math.sqrt %div3A_60 : vector<1000x1xf32>
    %sub3A_61 = vector.broadcast %div3A_53 : vector<1000x1xf32> to vector<1000x128xf32>
    %sub3A_62 = arith.subf %abs3A, %sub3A_61 : vector<1000x128xf32>
    %add3A_63 = arith.constant 9.99999997E-7 : f32
    %add3A_64 = vector.broadcast %add3A_63 : f32 to vector<1000x1xf32>
    %add3A_65 = arith.addf %sqrt3A, %add3A_64 : vector<1000x1xf32>
    %div3A_66 = vector.broadcast %add3A_65 : vector<1000x1xf32> to vector<1000x128xf32>
    %div3A_67 = arith.divf %sub3A_62, %div3A_66 : vector<1000x128xf32>
    %get3A_68 = arith.constant 0 : index
    %get3A_69 = arith.constant 0 : index
    %get3A_70 = vector.load %arg8[%get3A_68, %get3A_69] : memref<1x128xf32, #tpu.memory_space<vmem>>, vector<1x128xf32>
    %mul3A = vector.broadcast %get3A_70 : vector<1x128xf32> to vector<1000x128xf32>
    %mul3A_71 = arith.mulf %div3A_67, %mul3A : vector<1000x128xf32>
    %get3A_72 = arith.constant 0 : index
    %get3A_73 = arith.constant 0 : index
    %get3A_74 = vector.load %arg9[%get3A_72, %get3A_73] : memref<1x128xf32, #tpu.memory_space<vmem>>, vector<1x128xf32>
    %add3A_75 = vector.broadcast %get3A_74 : vector<1x128xf32> to vector<1000x128xf32>
    %add3A_76 = arith.addf %mul3A_71, %add3A_75 : vector<1000x128xf32>
    %max3A = arith.constant 0.000000e+00 : f32
    %max3A_77 = vector.broadcast %max3A : f32 to vector<1000x128xf32>
    %max3A_78 = arith.maximumf %add3A_76, %max3A_77 : vector<1000x128xf32>
    %mul3A_79 = arith.mulf %max3A_78, %div3A_49 : vector<1000x128xf32>
    %swap3A = arith.constant 0 : index
    %swap3A_80 = arith.constant 0 : index
    %swap3A_81 = vector.load %arg10[%swap3A, %swap3A_80] : memref<1000x128xf32, #tpu.memory_space<vmem>>, vector<1000x128xf32>
    tpu.vector_store %arg10[%swap3A, %swap3A_80], %mul3A_79 {strides = array<i32>} : memref<1000x128xf32, #tpu.memory_space<vmem>>, vector<1000x128xf32>,
    return
  }
  func.func @transform_0(%arg0: i32) -> (i32, i32) {
    %c0_i32 = arith.constant 0 : i32
    %c0_i32_0 = arith.constant 0 : i32
    return %arg0, %c0_i32 : i32, i32
  }
  func.func @transform_1(%arg0: i32) -> (i32, i32, i32) {
    %c0_i32 = arith.constant 0 : i32
    %c0_i32_0 = arith.constant 0 : i32
    %c0_i32_1 = arith.constant 0 : i32
    return %c0_i32, %arg0, %c0_i32_0 : i32, i32, i32
  }
  func.func @transform_2(%arg0: i32) -> (i32, i32, i32) {
    %c0_i32 = arith.constant 0 : i32
    %c0_i32_0 = arith.constant 0 : i32
    %c0_i32_1 = arith.constant 0 : i32
    return %c0_i32, %arg0, %c0_i32_0 : i32, i32, i32
  }
  func.func @transform_3(%arg0: i32) -> (i32, i32) {
    %c0_i32 = arith.constant 0 : i32
    %c0_i32_0 = arith.constant 0 : i32
    %c0_i32_1 = arith.constant 0 : i32
    return %c0_i32, %c0_i32_0 : i32, i32
  }
  func.func @transform_4(%arg0: i32) -> (i32, i32) {
    %c0_i32 = arith.constant 0 : i32
    %c0_i32_0 = arith.constant 0 : i32
    %c0_i32_1 = arith.constant 0 : i32
    return %c0_i32, %c0_i32_0 : i32, i32
  }
  func.func @transform_5(%arg0: i32) -> (i32, i32) {
    %c0_i32 = arith.constant 0 : i32
    %c0_i32_0 = arith.constant 0 : i32
    %c0_i32_1 = arith.constant 0 : i32
    return %c0_i32, %c0_i32_0 : i32, i32
  }
  func.func @transform_6(%arg0: i32) -> (i32, i32) {
    %c0_i32 = arith.constant 0 : i32
    %c0_i32_0 = arith.constant 0 : i32
    %c0_i32_1 = arith.constant 0 : i32
    return %c0_i32, %c0_i32_0 : i32, i32
  }
  func.func @transform_7(%arg0: i32) -> (i32, i32) {
    %c0_i32 = arith.constant 0 : i32
    %c0_i32_0 = arith.constant 0 : i32
    %c0_i32_1 = arith.constant 0 : i32
    return %c0_i32, %c0_i32_0 : i32, i32
  }
  func.func @transform_8(%arg0: i32) -> (i32, i32) {
    %c0_i32 = arith.constant 0 : i32
    %c0_i32_0 = arith.constant 0 : i32
    %c0_i32_1 = arith.constant 0 : i32
    return %c0_i32, %c0_i32_0 : i32, i32
  }
  func.func @transform_9(%arg0: i32) -> (i32, i32) {
    %c0_i32 = arith.constant 0 : i32
    %c0_i32_0 = arith.constant 0 : i32
    return %arg0, %c0_i32 : i32, i32
  }
}

module attributes {stable_mosaic.version = 14 : i64} {
  func.func @_lin_body(%arg0: i32, %arg1: memref<1000x128xf32, #tpu.memory_space<vmem>>, %arg2: memref<128x128xf32, #tpu.memory_space<vmem>>, %arg3: memref<2x1000x64xf32, #tpu.memory_space<vmem>>) attributes {dimension_semantics = [#tpu.dimension_semantics<arbitrary>], iteration_bounds = array<i64: 10>, scalar_prefetch = 0 : i64, scratch_operands = 0 : i64, tpu.core_type = #tpu.core_type<tc>, window_params = [{transform_indices = @transform_0, window_bounds = array<i64: 1000, 128>}, {pipeline_mode = #tpu.pipeline_mode<synchronous>, transform_indices = @transform_1, window_bounds = array<i64: 128, 128>}, {transform_indices = @transform_2, window_bounds = array<i64: 2, 1000, 64>}]} {
    %get3A = arith.constant 0 : index
    %get3A_0 = arith.constant 0 : index
    %get3A_1 = vector.load %arg1[%get3A, %get3A_0] : memref<1000x128xf32, #tpu.memory_space<vmem>>, vector<1000x128xf32>
    %get3A_2 = arith.constant 0 : index
    %get3A_3 = arith.constant 0 : index
    %get3A_4 = vector.load %arg2[%get3A_2, %get3A_3] : memref<128x128xf32, #tpu.memory_space<vmem>>, vector<128x128xf32>
    %dot_general3A = arith.constant dense<0.000000e+00> : vector<1000x128xf32>
    %dot_general3A_5 = tpu.matmul %get3A_1, %get3A_4, %dot_general3A {dimension_numbers = #tpu.dot_dimension_numbers<[1], [0], [0], [1], [0, 0, 1, 1], [], []>, transpose_lhs_hint = false} : vector<1000x128xf32>, vector<128x128xf32>, vector<1000x128xf32> -> vector<1000x128xf32>
    %slice3A = vector.extract_strided_slice %dot_general3A_5 {offsets = [0, 0], sizes = [1000, 64], strides = [1, 1]} : vector<1000x128xf32> to vector<1000x64xf32>
    %slice3A_6 = vector.extract_strided_slice %dot_general3A_5 {offsets = [0, 64], sizes = [1000, 64], strides = [1, 1]} : vector<1000x128xf32> to vector<1000x64xf32>
    %swap3A = arith.constant 0 : index
    %swap3A_7 = arith.constant 0 : index
    %swap3A_8 = arith.constant 0 : index
    %swap3A_9 = vector.load %arg3[%swap3A, %swap3A_7, %swap3A_8] : memref<2x1000x64xf32, #tpu.memory_space<vmem>>, vector<1x1000x64xf32>
    %swap3A_10 = vector.shape_cast %swap3A_9 : vector<1x1000x64xf32> to vector<1000x64xf32>
    %swap3A_11 = vector.shape_cast %slice3A : vector<1000x64xf32> to vector<1x1000x64xf32>
    tpu.vector_store %arg3[%swap3A, %swap3A_7, %swap3A_8], %swap3A_11 {strides = array<i32>} : memref<2x1000x64xf32, #tpu.memory_space<vmem>>, vector<1x1000x64xf32>,
    %swap3A_12 = arith.constant 1 : index
    %swap3A_13 = arith.constant 0 : index
    %swap3A_14 = arith.constant 0 : index
    %swap3A_15 = vector.load %arg3[%swap3A_12, %swap3A_13, %swap3A_14] : memref<2x1000x64xf32, #tpu.memory_space<vmem>>, vector<1x1000x64xf32>
    %swap3A_16 = vector.shape_cast %swap3A_15 : vector<1x1000x64xf32> to vector<1000x64xf32>
    %swap3A_17 = vector.shape_cast %slice3A_6 : vector<1000x64xf32> to vector<1x1000x64xf32>
    tpu.vector_store %arg3[%swap3A_12, %swap3A_13, %swap3A_14], %swap3A_17 {strides = array<i32>} : memref<2x1000x64xf32, #tpu.memory_space<vmem>>, vector<1x1000x64xf32>,
    return
  }
  func.func @transform_0(%arg0: i32) -> (i32, i32) {
    %c0_i32 = arith.constant 0 : i32
    %c0_i32_0 = arith.constant 0 : i32
    return %arg0, %c0_i32 : i32, i32
  }
  func.func @transform_1(%arg0: i32) -> (i32, i32) {
    %c0_i32 = arith.constant 0 : i32
    %c0_i32_0 = arith.constant 0 : i32
    %c0_i32_1 = arith.constant 0 : i32
    return %c0_i32, %c0_i32_0 : i32, i32
  }
  func.func @transform_2(%arg0: i32) -> (i32, i32, i32) {
    %c0_i32 = arith.constant 0 : i32
    %c0_i32_0 = arith.constant 0 : i32
    %c0_i32_1 = arith.constant 0 : i32
    return %c0_i32, %arg0, %c0_i32_0 : i32, i32, i32
  }
}

module attributes {stable_mosaic.version = 14 : i64} {
  func.func @_post_conv_body(%arg0: i32, %arg1: memref<1000x128xf32, #tpu.memory_space<vmem>>, %arg2: memref<2x1000x64xf32, #tpu.memory_space<vmem>>, %arg3: memref<2x1000x16xf32, #tpu.memory_space<vmem>>, %arg4: memref<128x128xf32, #tpu.memory_space<vmem>>, %arg5: memref<1x128xf32, #tpu.memory_space<vmem>>, %arg6: memref<1000x128xf32, #tpu.memory_space<vmem>>) attributes {dimension_semantics = [#tpu.dimension_semantics<arbitrary>], iteration_bounds = array<i64: 10>, scalar_prefetch = 0 : i64, scratch_operands = 0 : i64, tpu.core_type = #tpu.core_type<tc>, window_params = [{transform_indices = @transform_0, window_bounds = array<i64: 1000, 128>}, {transform_indices = @transform_1, window_bounds = array<i64: 2, 1000, 64>}, {transform_indices = @transform_2, window_bounds = array<i64: 2, 1000, 16>}, {pipeline_mode = #tpu.pipeline_mode<synchronous>, transform_indices = @transform_3, window_bounds = array<i64: 128, 128>}, {pipeline_mode = #tpu.pipeline_mode<synchronous>, transform_indices = @transform_4, window_bounds = array<i64: 1, 128>}, {transform_indices = @transform_5, window_bounds = array<i64: 1000, 128>}]} {
    %get3A = arith.constant 0 : index
    %get3A_0 = arith.constant 0 : index
    %get3A_1 = arith.constant 0 : index
    %get3A_2 = vector.load %arg2[%get3A, %get3A_0, %get3A_1] : memref<2x1000x64xf32, #tpu.memory_space<vmem>>, vector<1x1000x64xf32>
    %get3A_3 = vector.shape_cast %get3A_2 : vector<1x1000x64xf32> to vector<1000x64xf32>
    %get3A_4 = arith.constant 1 : index
    %get3A_5 = arith.constant 0 : index
    %get3A_6 = arith.constant 0 : index
    %get3A_7 = vector.load %arg2[%get3A_4, %get3A_5, %get3A_6] : memref<2x1000x64xf32, #tpu.memory_space<vmem>>, vector<1x1000x64xf32>
    %get3A_8 = vector.shape_cast %get3A_7 : vector<1x1000x64xf32> to vector<1000x64xf32>
    %concatenate3A = tpu.concatenate %get3A_3, %get3A_8 in 1 : vector<1000x64xf32>, vector<1000x64xf32> -> vector<1000x128xf32>
    %get3A_9 = arith.constant 0 : index
    %get3A_10 = arith.constant 0 : index
    %get3A_11 = arith.constant 0 : index
    %get3A_12 = vector.load %arg3[%get3A_9, %get3A_10, %get3A_11] : memref<2x1000x16xf32, #tpu.memory_space<vmem>>, vector<1x1000x16xf32>
    %get3A_13 = vector.shape_cast %get3A_12 : vector<1x1000x16xf32> to vector<1000x16xf32>
    %slice3A = vector.extract_strided_slice %get3A_13 {offsets = [0, 0], sizes = [1000, 1], strides = [1, 1]} : vector<1000x16xf32> to vector<1000x1xf32>
    %max3A = arith.constant 1.000000e+00 : f32
    %max3A_14 = vector.broadcast %max3A : f32 to vector<1000x1xf32>
    %max3A_15 = arith.maximumf %slice3A, %max3A_14 : vector<1000x1xf32>
    %div3A = vector.broadcast %max3A_15 : vector<1000x1xf32> to vector<1000x128xf32>
    %div3A_16 = arith.divf %concatenate3A, %div3A : vector<1000x128xf32>
    %get3A_17 = arith.constant 0 : index
    %get3A_18 = arith.constant 0 : index
    %get3A_19 = vector.load %arg1[%get3A_17, %get3A_18] : memref<1000x128xf32, #tpu.memory_space<vmem>>, vector<1000x128xf32>
    %get3A_20 = arith.constant 0 : index
    %get3A_21 = arith.constant 0 : index
    %get3A_22 = vector.load %arg4[%get3A_20, %get3A_21] : memref<128x128xf32, #tpu.memory_space<vmem>>, vector<128x128xf32>
    %dot_general3A = arith.constant dense<0.000000e+00> : vector<1000x128xf32>
    %dot_general3A_23 = tpu.matmul %get3A_19, %get3A_22, %dot_general3A {dimension_numbers = #tpu.dot_dimension_numbers<[1], [0], [0], [1], [0, 0, 1, 1], [], []>, transpose_lhs_hint = false} : vector<1000x128xf32>, vector<128x128xf32>, vector<1000x128xf32> -> vector<1000x128xf32>
    %add3A = arith.addf %div3A_16, %dot_general3A_23 : vector<1000x128xf32>
    %get3A_24 = arith.constant 0 : index
    %get3A_25 = arith.constant 0 : index
    %get3A_26 = vector.load %arg5[%get3A_24, %get3A_25] : memref<1x128xf32, #tpu.memory_space<vmem>>, vector<1x128xf32>
    %add3A_27 = vector.broadcast %get3A_26 : vector<1x128xf32> to vector<1000x128xf32>
    %add3A_28 = arith.addf %add3A, %add3A_27 : vector<1000x128xf32>
    %swap3A = arith.constant 0 : index
    %swap3A_29 = arith.constant 0 : index
    %swap3A_30 = vector.load %arg6[%swap3A, %swap3A_29] : memref<1000x128xf32, #tpu.memory_space<vmem>>, vector<1000x128xf32>
    tpu.vector_store %arg6[%swap3A, %swap3A_29], %add3A_28 {strides = array<i32>} : memref<1000x128xf32, #tpu.memory_space<vmem>>, vector<1000x128xf32>,
    return
  }
  func.func @transform_0(%arg0: i32) -> (i32, i32) {
    %c0_i32 = arith.constant 0 : i32
    %c0_i32_0 = arith.constant 0 : i32
    return %arg0, %c0_i32 : i32, i32
  }
  func.func @transform_1(%arg0: i32) -> (i32, i32, i32) {
    %c0_i32 = arith.constant 0 : i32
    %c0_i32_0 = arith.constant 0 : i32
    %c0_i32_1 = arith.constant 0 : i32
    return %c0_i32, %arg0, %c0_i32_0 : i32, i32, i32
  }
  func.func @transform_2(%arg0: i32) -> (i32, i32, i32) {
    %c0_i32 = arith.constant 0 : i32
    %c0_i32_0 = arith.constant 0 : i32
    %c0_i32_1 = arith.constant 0 : i32
    return %c0_i32, %arg0, %c0_i32_0 : i32, i32, i32
  }
  func.func @transform_3(%arg0: i32) -> (i32, i32) {
    %c0_i32 = arith.constant 0 : i32
    %c0_i32_0 = arith.constant 0 : i32
    %c0_i32_1 = arith.constant 0 : i32
    return %c0_i32, %c0_i32_0 : i32, i32
  }
  func.func @transform_4(%arg0: i32) -> (i32, i32) {
    %c0_i32 = arith.constant 0 : i32
    %c0_i32_0 = arith.constant 0 : i32
    %c0_i32_1 = arith.constant 0 : i32
    return %c0_i32, %c0_i32_0 : i32, i32
  }
  func.func @transform_5(%arg0: i32) -> (i32, i32) {
    %c0_i32 = arith.constant 0 : i32
    %c0_i32_0 = arith.constant 0 : i32
    return %arg0, %c0_i32 : i32, i32
  }
}

</mosaic_0001>

<sc_bundles>
// kernel: kernel.12.cloned.1.call-start
scs
__scs_entry_jumppad:
0x0: {  	(pc) =	sbr.rel $0x88, $3  }
0x1: {  	(tag) =	ssettag $0x0;
	lr =	simm.s32 $0x1  }
0x2: {  	[smem:$0x3F7F] =	sst lr;
	_ =	strace $0xD0000000  }
0x3: {  	_ = 	snop  }
0x4: {  	_ = 	snop  }
0x5: {  	_ = 	snop  }
0x6: {  	_ = 	snop  }
0x7: {  	_ = 	snop  }
__scs_overlays_trampoline_lowered:
0x8: {  	[smem:$0x3F8E] =	sst s0  }
0x9: {  	[smem:$0x3F8F] =	sst s1  }
0xa: {  	[smem:$0x3F90] =	sst s2  }
0xb: {  	[smem:$0x3F91] =	sst s3  }
0xc: {  	[smem:$0x3F92] =	sst s4  }
0xd: {  	[smem:$0x3F93] =	sst s5  }
0xe: {  	[smem:$0x3F94] =	sst s6  }
0xf: {  	[smem:$0x3F95] =	sst s7  }
0x10: {  	[smem:$0x3F96] =	sst s8  }
0x11: {  	[smem:$0x3F97] =	sst s9;
	s0 =	simm.s32 @!p0 $0x0  }
0x12: {  	s1 =	sld [smem:$0x3F7D];
	s0 =	simm.s32 @p0 $0x1  }
0x13: {  	[smem:$0x3F98] =	sst s0;
	s0 =	simm.s32 @!p1 $0x0  }
0x14: {  	s2 =	sld [smem:$0x3F7C];
	s0 =	simm.s32 @p1 $0x1  }
0x15: {  	[smem:$0x3F99] =	sst s0;
	s0 =	simm.s32 @!p2 $0x0  }
0x16: {  	s3 =	sld [smem:$0x3FDB];
	s0 =	simm.s32 @p2 $0x1  }
0x17: {  	s4 =	simm.s32 $0x1BF5;
	[smem:$0x3F9B] =	sst s0  }
0x18: {  	s0 =	sld [smem:$0x3F7E];
	_ =	swait.ge [sflag:s4], $0x0  }
0x19: {  	s7 =	sld [smem:$0x3F7F]  }
0x1a: {  	s8 =	sadd.s32 $0xFFFFE003, lr  }
0x1b: {  	s9 =	sadd.s32 $0xFFFFFEF7, lr;
	s5 =	simm.s32 $0xFFFFFFFF;
	p2 =	slt.u32 s8, $0xFFFFF086  }
0x1c: {  	p1 =	slt.u32 s9, $0xF7A;
	s5 =	simm.s32 @!p2 $0x0  }
0x1d: {  	s5 =	simm.s32 @p1 $0x1;
	p0 =	seq.s32 s7, s2  }
0x1e: {  	s7 =	smul.u32 @!p0 $0xF7A, s2;
	p2 =	seq.s32 @!p0 s5, $0x0  }
0x1f: {  	s9 =	smul.u32 $0xF7A, s1;
	s8 =	simm.s32 @!p0 $0x1BF5;
	p2 =	por !p2, p0  }
0x20: {  	[sflag:s8] =	ssyncset.s32 @!p0 $0xFFFFF086;
	s6 =	sadd.s32 @!p0 s3, s7;
	s7 =	simm.s32 @!p0 $0x108  }
0x21: {  	s3 =	sadd.s32 s3, s9;
	s6 =	sadd.s32 @!p0 $0x88, s6;
	s7 =	simm.s32 @p2 $0x1082  }
0x22: {  	[simem:s7], [sflag:s8] =	dma.local @!p0 [hbm:s6], $0xF7A  }
0x23: {  	s9 =	sor.u32 $0xD0000000, s2;
	s6 =	simm.s32 $0x108;
	_ =	swait.ge @!p0 [sflag:s8], $0x0  }
0x24: {  	s3 =	sadd.s32 $0x88, s3;
	s6 =	simm.s32 @!p1 $0x1082;
	[sflag:s4] =	ssyncset.s32 $0xFFFFF086  }
0x25: {  	[simem:s6], [sflag:s4] =	dma.local [hbm:s3], $0xF7A  }
0x26: {  	[smem:$0x3F7F] =	sst s1;
	(tag) =	ssettag s2;
	_ =	strace s9  }
0x27: {  	s1 =	sld [smem:$0x3F8F]  }
0x28: {  	s2 =	sld [smem:$0x3F90]  }
0x29: {  	s4 =	sld [smem:$0x3F92]  }
0x2a: {  	p0 =	seq.s32 s5, $0x0;
	s5 =	sld [smem:$0x3F93]  }
0x2b: {  	s6 =	sld [smem:$0x3F94]  }
0x2c: {  	s7 =	sld [smem:$0x3F95]  }
0x2d: {  	s3 =	simm.s32 $0x108;
	s8 =	sld [smem:$0x3F96]  }
0x2e: {  	s3 =	simm.s32 @!p0 $0x1082;
	s9 =	sld [smem:$0x3F97]  }
0x2f: {  	lr =	sadd.s32 s0, s3;
	s0 =	sld [smem:$0x3F8E]  }
0x30: {  	s3 =	sld [smem:$0x3F91]  }
0x31: {  	[smem:$0x3F9A] =	sst s10  }
0x32: {  	s10 =	sld [smem:$0x3F98];
	_ =	sdelay $0x3  }
0x33: {  	p0 =	seq.s32 s10, $0x1;
	s10 =	sld [smem:$0x3F9A];
	_ =	sdelay $0x3  }
0x34: {  	[smem:$0x3F9A] =	sst s10  }
0x35: {  	s10 =	sld [smem:$0x3F99];
	_ =	sdelay $0x3  }
0x36: {  	p1 =	seq.s32 s10, $0x1;
	s10 =	sld [smem:$0x3F9A];
	_ =	sdelay $0x3  }
0x37: {  	[smem:$0x3F9A] =	sst s10  }
0x38: {  	s10 =	sld [smem:$0x3F9B]  }
0x39: {  	_ = 	snop;
	(pc) =	sbr.ind lr, $3  }
0x3a: {  	_ = 	snop  }
0x3b: {  	_ = 	snop  }
0x3c: {  	p2 =	seq.s32 s10, $0x1;
	s10 =	sld [smem:$0x3F9A]  }
0x3d: {  	_ =	shalt  }
0x3e: {  	_ =	shalt  }
0x3f: {  	_ =	shalt  }
0x40: {  	_ =	shalt  }
0x41: {  	_ =	shalt  }
0x42: {  	_ =	shalt  }
0x43: {  	_ =	shalt  }
0x44: {  	_ =	shalt  }
0x45: {  	_ =	shalt  }
0x46: {  	_ =	shalt  }
0x47: {  	_ =	shalt  }
0x48: {  	_ =	shalt  }
0x49: {  	_ =	shalt  }
0x4a: {  	_ =	shalt  }
0x4b: {  	_ =	shalt  }
0x4c: {  	_ =	shalt  }
0x4d: {  	_ =	shalt  }
0x4e: {  	_ =	shalt  }
0x4f: {  	_ =	shalt  }
0x50: {  	_ =	shalt  }
0x51: {  	_ =	shalt  }
0x52: {  	_ =	shalt  }
0x53: {  	_ =	shalt  }
0x54: {  	_ =	shalt  }
0x55: {  	_ =	shalt  }
0x56: {  	_ =	shalt  }
0x57: {  	_ =	shalt  }
0x58: {  	_ =	shalt  }
0x59: {  	_ =	shalt  }
0x5a: {  	_ =	shalt  }
0x5b: {  	_ =	shalt  }
0x5c: {  	_ =	shalt  }
0x5d: {  	_ =	shalt  }
0x5e: {  	_ =	shalt  }
0x5f: {  	_ =	shalt  }
0x60: {  	_ =	shalt  }
0x61: {  	_ =	shalt  }
0x62: {  	_ =	shalt  }
0x63: {  	_ =	shalt  }
0x64: {  	_ =	shalt  }
0x65: {  	_ =	shalt  }
0x66: {  	_ =	shalt  }
0x67: {  	_ =	shalt  }
0x68: {  	_ =	shalt  }
0x69: {  	_ =	shalt  }
0x6a: {  	_ =	shalt  }
0x6b: {  	_ =	shalt  }
0x6c: {  	_ =	shalt  }
0x6d: {  	_ =	shalt  }
0x6e: {  	_ =	shalt  }
0x6f: {  	_ =	shalt  }
0x70: {  	_ =	shalt  }
0x71: {  	_ =	shalt  }
0x72: {  	_ =	shalt  }
0x73: {  	_ =	shalt  }
0x74: {  	_ =	shalt  }
0x75: {  	_ =	shalt  }
0x76: {  	_ =	shalt  }
0x77: {  	_ =	shalt  }
0x78: {  	_ =	shalt  }
0x79: {  	_ =	shalt  }
0x7a: {  	_ =	shalt  }
0x7b: {  	_ =	shalt  }
0x7c: {  	_ =	shalt  }
0x7d: {  	_ =	shalt  }
0x7e: {  	_ =	shalt  }
0x7f: {  	_ =	shalt  }
0x80: {  	_ =	shalt  }
0x81: {  	_ =	shalt  }
0x82: {  	_ =	shalt  }
0x83: {  	_ =	shalt  }
0x84: {  	_ =	shalt  }
0x85: {  	_ =	shalt  }
0x86: {  	_ =	shalt  }
0x87: {  	_ =	shalt  }
.Lfunc_end0:
.L_simem_size_0:
called_computation_lowered:
.L_overlay_start_0:
0x88: {  	s2 =	sld [smem:$0x3FD9]  }
0x89: {  	s3 =	sld [smem:$0x3FFE];
	_ =	sdelay $0x1  }
0x8a: {  	s1 =	srdreg.scid  }
0x8b: {  	s0 =	sand.u32 $0x1, s1  }
0x8c: {  	s17 =	sshll.u32 s0, $0xA;
	s2 =	sadd.s32 s3, s2  }
0x8d: {  	s2 =	sadd.s32 s2, s17  }
0x8e: {  	[smem:$0x3FA6] =	sst s2  }
0x8f: {  	_ = 	snop  }
0x90: {  	s2 =	sld [smem:$0x3FD0];
	(tm) =	ssettm $0x1  }
0x91: {  	s18 =	sld [smem:$0x3FFB];
	_ =	sdelay $0x3  }
0x92: {  	_ =	strace s18  }
0x93: {  	s3 =	sld [smem:$0x3FFC];
	_ =	sdelay $0x3  }
0x94: {  	_ =	strace s3  }
0x95: {  	s3 =	sld [smem:$0x3FFD];
	_ =	sdelay $0x3  }
0x96: {  	_ =	strace s3  }
0x97: {  	_ =	strace $0x8FFFFFFF  }
0x98: {  	s19 =	sld [smem:$0x3FDB];
	_ =	sdelay $0x1  }
0x99: {  	s4 =	simm.s32 $_scs_section_size  }
0x9a: {  	s5 =	simm.s32 $_size__tile_overlayer_lowered;
	s6 =	simm.s32 $_tile_overlayer_lowered  }
0x9b: {  	s22 =	simm.s32 $0x1BFF;
	s21 =	sshll.u32 s6, $0x1;
	s3 =	sadd.s32 s4, s19  }
0x9c: {  	s7 =	simm.s32 $0x0;
	s20 =	sshll.u32 s5, $0x1;
	s5 =	sadd.s32 s21, s3  }
0x9d: {  	[timem:s7], [sflag:s22] =	dma.local [hbm:s5], s20  }
0x9e: {  	_ =	swait.ge [sflag:s22], s20  }
0x9f: {  	s4 =	ssub.s32 $0x0, s20;
	[sflag:s22] =	ssyncset.done $0x0  }
0xa0: {  	[sflag:s22] =	ssyncadd.s32 s4;
	_ =	sdelay $0x1  }
0xa1: {  	s23 =	simm.s32 $0x1B8B  }
0xa2: {  	_ =	swait.ge [sflag:s23], $0x1  }
0xa3: {  	[sflag:s23] =	ssyncset.done $0x0  }
0xa4: {  	s25 =	simm.s32 $0x1B8E;
	s24 =	sld [smem:$0x3FFE];
	[sflag:s23] =	ssyncadd.s32 $0xFFFFFFFF  }
0xa5: {  	s26 =	simm.s32 $execute0_lowered;
	[smem:$0x3FD2] =	sst s25  }
0xa6: {  	s5 =	sshll.u32 s26, $0x1;
	_ =	strace $0x80000046;
	[dreg:$0x1] =	wrdreg $0xFFFFFFFF  }
0xa7: {  	s28 =	simm.s32 $_size_execute0_lowered;
	s3 =	sadd.s32 s3, s5;
	[dreg:$0x0] =	wrdreg $0x0  }
0xa8: {  	s5 =	sshll.u32 s28, $0x1;
	[dreg:$0x2] =	wrdreg s3  }
0xa9: {  	[dreg:$0x3] =	wrdreg s5  }
0xaa: {  	[dreg:$0x4] =	wrdreg $0xC0  }
0xab: {  	_ =	task [dreg:s7], $0x5FFFF  }
0xac: {  	[dreg:$0x1] =	wrdreg $0xFFFFFFFF  }
0xad: {  	[dreg:$0x0] =	wrdreg $0x60  }
0xae: {  	[dreg:$0x2] =	wrdreg s2  }
0xaf: {  	[dreg:$0x3] =	wrdreg s24  }
0xb0: {  	[dreg:$0x4] =	wrdreg $0x69F00  }
0xb1: {  	[dreg:$0x5] =	wrdreg $0x106300  }
0xb2: {  	[dreg:$0x6] =	wrdreg $0x9  }
0xb3: {  	_ =	task.clear_ibuf [dreg:s7], $0x7FFFF;
	_ =	strace $0x90000046  }
0xb4: {  	s29 =	simm.s32 $0x9;
	_ =	strace $0x80000048  }
0xb5: {  	_ =	swait.ge [sflag:s29], $0x1  }
0xb6: {  	[sflag:s29] =	ssyncadd.s32 $0xFFFFFFFF  }
0xb7: {  	_ =	strace $0x90000048  }
0xb8: {  	_ =	sfence  }
0xb9: {  	s30 =	sld [smem:$0x0];
	_ =	sdelay $0x2  }
0xba: {  	s31 =	sshll.u32 s1, $0xD;
	s1 =	sshrl.u32 s1, $0x2  }
0xbb: {  	s3 =	sand.u32 $0x4000, s31;
	s1 =	sadd.s32 s1, s30  }
0xbc: {  	s0 =	sor.u32 s3, s0;
	s1 =	sshll.u32 s1, $0x11  }
0xbd: {  	s0 =	sor.u32 s1, s0  }
0xbe: {  	s0 =	sadd.s32 $0x8F2B, s0  }
0xbf: {  	[sflag:s0] =	ssyncadd.remote.s32 $0x1  }
0xc0: {  	_ =	sfence.sel $0xFFFF  }
0xc1: {  	[dreg:$0x0] =	wrdreg $0xFFFFFFFF;
	(pc) =	sbr.abs _section_cstart, $3  }
0xc2: {  	[dreg:$0x1] =	wrdreg $0xFFFFFFFF  }
0xc3: {  	_ =	task.clear_ibuf [dreg:s7], $0x2FFFF;
	_ =	strace $0x9FFFFFFF  }
0xc4: {  	(tm) =	ssettm $0x7FFFFFFF  }
0xc5: {  	_ =	shalt  }
tec
execute0_lowered:
.L_overlay_start_1:
0x0: {  	(tag) =	ssettag $0x1  }
0x1: {  	s1 =	rddreg [dreg:$0x0]  }
0x2: {  	s0 =	rddreg [dreg:$0x1]  }
0x3: {  	s2 =	rddreg [dreg:$0x2]  }
0x4: {  	s3 =	rddreg [dreg:$0x3];
	s4 =	simm.s32 $0x0  }
0x5: {  	s28 =	simm.s32 $0x14F0;
	s29 =	simm.s32 $0xA0;
	s30 =	simm.s32 $0x28F0  }
0x6: {  	s31 =	simm.s32 $0x3CF0;
	[smem:$0x7FF] =	sst s4;
	s5 =	sadd.s32 $0xEC7C00, s0  }
0x7: {  	s10 =	srdreg.scid;
	s7 =	sadd.s32 $0xF8B200, s0;
	s8 =	sadd.s32 $0xEBDE00, s0  }
0x8: {  	s6 =	sadd.s32 $0xF64000, s0;
	s9 =	sadd.s32 $0xEB4000, s0;
	s11 =	sadd.s32 $0xEEEE00, s0  }
0x9: {  	s10 =	sand.u32 $0x1, s10;
	s17 =	sadd.s32 $0xEF0200, s0;
	s14 =	sadd.s32 $0xEFA600, s0  }
0xa: {  	s0 =	sadd.s32 $0xEF0800, s0;
	_ =	strace $0x80000047;
	[dreg:$0x5] =	wrdreg s11  }
0xb: {  	s20 =	sadd.s32 $0x9C000, s2;
	[dreg:$0x6] =	wrdreg s17;
	s11 =	stileid.u32  }
0xc: {  	s24 =	sadd.s32 $0x27000, s3;
	[dreg:$0x9] =	wrdreg s20;
	s22 =	smul.u32 $0x2710, s10  }
0xd: {  	s12 =	ssub.s32 $0x2, s10;
	[dreg:$0xc] =	wrdreg s24;
	s20 =	smul.u32 $0x4E200, s10  }
0xe: {  	s24 =	simm.s32 $0x4;
	s13 =	sshrl.u32 s12, $0x1;
	s15 =	smul.u32 $0x9C00, s11  }
0xf: {  	s17 =	smul.u32 $0x2700, s11;
	s19 =	sshll.u32 s11, $0x6;
	p0 =	sne.s32 s11, $0x0  }
0x10: {  	s12 =	ssub.s32 s12, s13;
	s13 =	sor.u32 $0x1C04, s19;
	s19 =	smul.u32 $0x27100, s10  }
0x11: {  	s18 =	sadd.s32 s15, s2;
	s16 =	sadd.s32 s17, s3;
	s26 =	smax.u32 s12, $0x1  }
0x12: {  	s12 =	simm.s32 $0x2;
	[dreg:$0x7] =	wrdreg s18;
	s18 =	smul.u32 $0x9C400, s10  }
0x13: {  	[dreg:$0x8] =	wrdreg s16;
	s16 =	smul.u32 $0x4E20, s11;
	s17 =	sadd.s32 s17, s19  }
0x14: {  	s23 =	sshrl.u32 s19, $0x3;
	[dreg:$0xf] =	wrdreg s26;
	s15 =	sadd.s32 s15, s18  }
0x15: {  	s26 =	simm.s32 $0xF0;
	s18 =	sshrl.u32 s18, $0x3;
	s15 =	sshrl.u32 s15, $0x3  }
0x16: {  	s21 =	sshrl.u32 s17, $0x3;
	s15 =	sadd.s32 s14, s15;
	s14 =	sadd.s32 s14, s18  }
0x17: {  	[dreg:$0xa] =	wrdreg s15;
	s15 =	sadd.s32 s0, s21;
	s0 =	sadd.s32 s0, s23  }
0x18: {  	s25 =	sadd.s32 $0x13800, s14;
	s14 =	simm.s32 $0x3;
	[dreg:$0xb] =	wrdreg s15  }
0x19: {  	[dreg:$0xd] =	wrdreg s25;
	s0 =	sadd.s32 $0x4E00, s0;
	s25 =	simm.s32 $0x50  }
0x1a: {  	vm0 =	vmmov $0x1;
	vm1 =	vcmask $0x308;
	v0 =	vmov s22;
	s15 =	simm.s32 $0x64F0;
	[dreg:$0xe] =	wrdreg s0;
	s0 =	simm.s32 $0x1  }
.LBB2_1:
0x1b: {  	s10 =	rddreg [dreg:$0x7]  }
0x1c: {  	s11 =	sshrl.u32 s10, $0x3;
	s10 =	rddreg [dreg:$0x5]  }
0x1d: {  	[dreg:$0x10] =	wrdreg s11  }
0x1e: {  	[spmem:s11], [sflag:s13] =	dma.local [hbm:s10], $0x1380  }
0x1f: {  	_ =	swait.ge [sflag:s24], $0x1380  }
0x20: {  	s23 =	rddreg [dreg:$0x8]  }
0x21: {  	[sflag:s24] =	ssyncset.done $0x0;
	s11 =	rddreg [dreg:$0x6];
	s17 =	sshrl.u32 s23, $0x3  }
0x22: {  	[sflag:s24] =	ssyncadd.s32 $0xFFFFEC80;
	[dreg:$0x11] =	wrdreg s17  }
0x23: {  	[spmem:s17], [sflag:s13] =	dma.local [hbm:s11], $0x4E0  }
0x24: {  	_ =	swait.ge [sflag:s24], $0x4E0  }
0x25: {  	[sflag:s24] =	ssyncset.done $0x0;
	s17 =	rddreg [dreg:$0x9]  }
0x26: {  	[sflag:s24] =	ssyncadd.s32 $0xFFFFFB20;
	s19 =	sshrl.u32 @!p0 s17, $0x3  }
0x27: {  	[spmem:s19], [sflag:s13] =	dma.local @!p0 [hbm:s10], $0x80  }
0x28: {  	s10 =	simm.s32 @!p0 $0x4  }
0x29: {  	_ =	swait.ge @!p0 [sflag:s10], $0x80  }
0x2a: {  	[sflag:s10] =	ssyncset.done @!p0 $0x0;
	s17 =	rddreg [dreg:$0xc]  }
0x2b: {  	[sflag:s10] =	ssyncadd.s32 @!p0 $0xFFFFFF80;
	s21 =	sshrl.u32 @!p0 s17, $0x3  }
0x2c: {  	[spmem:s21], [sflag:s13] =	dma.local @!p0 [hbm:s11], $0x20  }
0x2d: {  	_ =	swait.ge @!p0 [sflag:s10], $0x20  }
0x2e: {  	[sflag:s10] =	ssyncset.done @!p0 $0x0  }
0x2f: {  	[sflag:s10] =	ssyncadd.s32 @!p0 $0xFFFFFFE0  }
0x30: {  	s22 =	simm.s32 $0x0;
	[bflag:$0x0] =	sbarrier.arrive $0xFFFF  }
.LBB2_2:
0x31: {  	s10 =	smul.u32 $0x50, s22;
	_ =	sdelay $0x1  }
0x32: {  	s10 =	sadd.s32 s16, s10  }
0x33: {  	s11 =	sshrl.u32 s10, $0x3  }
0x34: {  	s23 =	simm.s32 $0x0;
	s17 =	sadd.s32 s8, s11  }
0x35: {  	[tilespmem:s23], [sflag:$0x4] =	stream.linear.gather [hbm4b:s17+s23], $0x50, $0x38;
	[tilespmem:$0x12D40] =	vst v63  }
0x36: {  	_ =	swait.ge [sflag:s24], $0x50  }
0x37: {  	[sflag:s24] =	ssyncset.done $0x0  }
0x38: {  	s11 =	sadd.s32 s9, s11;
	[sflag:s24] =	ssyncadd.s32 $0xFFFFFFB0  }
0x39: {  	[tilespmem:s25], [sflag:$0x4] =	stream.linear.gather [hbm4b:s11+s23], $0x50, $0x38;
	[tilespmem:$0x12D40] =	vst v63  }
0x3a: {  	_ =	swait.ge [sflag:s24], $0x50  }
0x3b: {  	[sflag:s24] =	ssyncset.done $0x0  }
0x3c: {  	[sflag:s24] =	ssyncadd.s32 $0xFFFFFFB0  }
0x3d: {  	v1 =	vld [tilespmem:$0x0]  }
0x3e: {  	v2 =	vld [tilespmem:$0x10]  }
0x3f: {  	v3 =	vld [tilespmem:$0x20]  }
0x40: {  	v4 =	vld [tilespmem:$0x30]  }
0x41: {  	v5 =	vld [tilespmem:$0x40]  }
0x42: {  	v6 =	vld [tilespmem:$0x50];
	v1 =	vadd.s32 v0, v1  }
0x43: {  	[tilespmem:$0x0] =	vst v1;
	v1 =	vadd.s32 v0, v2;
	v2 =	vld [tilespmem:$0x60]  }
0x44: {  	[tilespmem:$0x10] =	vst v1;
	v1 =	vadd.s32 v0, v3;
	v3 =	vld [tilespmem:$0x70]  }
0x45: {  	[tilespmem:$0x20] =	vst v1;
	v1 =	vadd.s32 v0, v4;
	v4 =	vld [tilespmem:$0x80]  }
0x46: {  	[tilespmem:$0x30] =	vst v1;
	v1 =	vadd.s32 v0, v5;
	v5 =	vld [tilespmem:$0x90]  }
0x47: {  	[tilespmem:$0x40] =	vst v1;
	v1 =	vadd.s32 v0, v6  }
0x48: {  	[tilespmem:$0xA0] =	vst v1;
	v1 =	vadd.s32 v0, v2  }
0x49: {  	[tilespmem:$0xB0] =	vst v1;
	v1 =	vadd.s32 v0, v3  }
0x4a: {  	[tilespmem:$0xC0] =	vst v1;
	v1 =	vadd.s32 v0, v4  }
0x4b: {  	[tilespmem:$0xD0] =	vst v1;
	v1 =	vadd.s32 v0, v5  }
0x4c: {  	[tilespmem:$0xE0] =	vst v1  }
0x4d: {  	[tilespmem:s26], [sflag:$0x1] =	stream.indirect.gather [hbm4b:s5+s25], $0x40, s23, s25, $0xb8;
	[tilespmem:$0x12D40] =	vst v63  }
0x4e: {  	s10 =	sadd.s32 s20, s10  }
0x4f: {  	[tilespmem:s28], [sflag:$0x2] =	stream.indirect.gather [hbm4b:s6+s25], $0x40, s23, s25, $0xb8;
	[tilespmem:$0x12D40] =	vst v63  }
0x50: {  	s10 =	sshll.u32 s10, $0x4  }
0x51: {  	[tilespmem:s30], [sflag:$0x3] =	stream.indirect.gather [hbm4b:s1+s25], $0x40, s29, s25, $0xb8;
	[tilespmem:$0x12D40] =	vst v63  }
0x52: {  	s10 =	sadd.s32 s7, s10  }
0x53: {  	[tilespmem:s31], [sflag:$0x4] =	stream.linear.gather [hbm4b:s10+s23], $0x2800, $0x38;
	[tilespmem:$0x12D40] =	vst v63  }
0x54: {  	_ =	swait.ge [sflag:s24], $0x2800  }
0x55: {  	[sflag:s24] =	ssyncset.done $0x0  }
0x56: {  	[sflag:s24] =	ssyncadd.s32 $0xFFFFD800  }
0x57: {  	_ =	swait.ge [sflag:s0], $0x1400  }
0x58: {  	[sflag:s0] =	ssyncset.done $0x0  }
0x59: {  	[sflag:s0] =	ssyncadd.s32 $0xFFFFEC00  }
0x5a: {  	_ =	swait.ge [sflag:s12], $0x1400  }
0x5b: {  	[sflag:s12] =	ssyncset.done $0x0  }
0x5c: {  	[sflag:s12] =	ssyncadd.s32 $0xFFFFEC00  }
0x5d: {  	_ =	swait.ge [sflag:s14], $0x1400  }
0x5e: {  	[sflag:s14] =	ssyncset.done $0x0  }
0x5f: {  	s10 =	simm.s32 $0x0;
	[sflag:s14] =	ssyncadd.s32 $0xFFFFEC00  }
0x60: {  	v1 =	vld [tilespmem:s10+$0x100]  }
0x61: {  	v2 =	vld [tilespmem:s10+$0x2900]  }
0x62: {  	v3 =	vld [tilespmem:s10+$0xF0]  }
0x63: {  	s11 =	simm.s32 $0x3D30;
	v4 =	vld [tilespmem:s10+$0x28F0]  }
0x64: {  	v5 =	vld [tilespmem:s11+$0xFFFFFFD0]  }
0x65: {  	v6 =	vld [tilespmem:s11+$0xFFFFFFC0];
	_ =	sdelay $0x2  }
0x66: {  	v3 =	vmul.f32 v3, v4;
	v1 =	vmul.f32 v1, v2;
	_ =	sdelay $0x1  }
0x67: {  	v2 =	vmul.f32 v6, v3;
	v1 =	vmul.f32 v5, v1;
	_ =	sdelay $0x1  }
0x68: {  	v1 =	vadd.f32 v1, v2;
	_ =	sdelay $0x1  }
0x69: {  	(xrf2) =	vadd.scan.msk.f32 $0xffff, v1;
	_ =	sdelay $0x9  }
0x6a: {  	v1, _, _ =	vpop (xrf2)  }
0x6b: {  	(v2sf) =	vpush v1, $0xF;
	_ =	sdelay $0xe  }
0x6c: {  	s18 =	spop (v2sf)  }
0x6d: {  	s17 =	smul.f32 $1.767766920e-01, s18;
	_ =	sdelay $0x1  }
0x6e: {  	v1 =	vmov s17  }
0x6f: {  	v1 =	vmul.f32 $1.442695020e+00, v1;
	_ =	sdelay $0x1  }
0x70: {  	v1 =	vbroadcast v1, $0x0;
	_ =	sdelay $0x1  }
0x71: {  	(erf) = vpow2.f32 v1;
	_ =	sdelay $0x1  }
0x72: {  	v2 =	vld [tilespmem:s10+$0x14F0]  }
0x73: {  	v1 =	vld [tilespmem:s11+$0x0];
	_ =	sdelay $0x4  }
0x74: {  	v1 =	vmul.f32 v1, v2  }
0x75: {  	v2 =	vpop (erf)  }
0x76: {  	v1 =	vmul.f32 v2, v1;
	_ =	sdelay $0x1  }
0x77: {  	[tilespmem:s10+$0x14F0] =	vst v1;
	v1 =	vld [tilespmem:s10+$0x1500]  }
0x78: {  	v3 =	vld [tilespmem:s11+$0x10];
	_ =	sdelay $0x4  }
0x79: {  	v1 =	vmul.f32 v3, v1  }
0x7a: {  	v4 =	vld [tilespmem:s10+$0x2920]  }
0x7b: {  	v5 =	vld [tilespmem:s10+$0x110];
	v1 =	vmul.f32 v2, v1  }
0x7c: {  	v3 =	vld [tilespmem:s10+$0x120]  }
0x7d: {  	[tilespmem:s10+$0x1500] =	vst v1;
	v1 =	vld [tilespmem:s10+$0x2910]  }
0x7e: {  	v6 =	vld [tilespmem:s11+$0xFFFFFFE0]  }
0x7f: {  	v7 =	vld [tilespmem:s11+$0xFFFFFFF0];
	_ =	sdelay $0x2  }
0x80: {  	v3 =	vmul.f32 v3, v4;
	v1 =	vmul.f32 v5, v1;
	_ =	sdelay $0x1  }
0x81: {  	v3 =	vmul.f32 v7, v3;
	v1 =	vmul.f32 v6, v1;
	_ =	sdelay $0x1  }
0x82: {  	v1 =	vadd.f32 v3, v1;
	_ =	sdelay $0x1  }
0x83: {  	(xrf2) =	vadd.scan.msk.f32 $0xffff, v1;
	_ =	sdelay $0x9  }
0x84: {  	v1, _, _ =	vpop (xrf2)  }
0x85: {  	(v2sf) =	vpush v1, $0xF;
	_ =	sdelay $0xe  }
0x86: {  	s23 =	spop (v2sf)  }
0x87: {  	s17 =	smul.f32 $1.767766920e-01, s23;
	_ =	sdelay $0x1  }
0x88: {  	v1 =	vmov s17  }
0x89: {  	v1 =	vmul.f32 $1.442695020e+00, v1;
	_ =	sdelay $0x1  }
0x8a: {  	v1 =	vbroadcast v1, $0x0;
	_ =	sdelay $0x1  }
0x8b: {  	(erf) = vpow2.f32 v1;
	_ =	sdelay $0x1  }
0x8c: {  	v3 =	vld [tilespmem:s11+$0x20]  }
0x8d: {  	v1 =	vld [tilespmem:s10+$0x1510];
	_ =	sdelay $0x4  }
0x8e: {  	v1 =	vmul.f32 v3, v1  }
0x8f: {  	v3 =	vpop (erf)  }
0x90: {  	v1 =	vmul.f32 v3, v1;
	_ =	sdelay $0x1  }
0x91: {  	[tilespmem:s10+$0x1510] =	vst v1;
	v1 =	vld [tilespmem:s10+$0x1520]  }
0x92: {  	v4 =	vld [tilespmem:s11+$0x30];
	_ =	sdelay $0x4  }
0x93: {  	v1 =	vmul.f32 v4, v1;
	_ =	sdelay $0x1  }
0x94: {  	v1 =	vmul.f32 v3, v1  }
0x95: {  	v2 =	vnsel vm0, $0x0, v2  }
0x96: {  	s23 =	simm.s32 $0x64F0;
	[tilespmem:s10+$0x1520] =	vst v1;
	v1 =	vsel vm1, v2, v3  }
0x97: {  	s10 =	simm.s32 $0x40;
	[tilespmem:s23+$0x0] =	vst v1  }
0x98: {  	v1 =	vld [tilespmem:s10+$0x100]  }
0x99: {  	v2 =	vld [tilespmem:s10+$0x2900]  }
0x9a: {  	v3 =	vld [tilespmem:s10+$0xF0]  }
0x9b: {  	s11 =	simm.s32 $0x3DB0;
	v5 =	vld [tilespmem:s10+$0x28F0]  }
0x9c: {  	s17 =	simm.s32 $0x200;
	v4 =	vld [tilespmem:s11+$0xFFFFFFD0]  }
.LBB2_3:
0x9d: {  	p1 =	sne.s32 s17, $0x4F00;
	v6 =	vld [tilespmem:s11+$0xFFFFFFC0];
	_ =	sdelay $0x2  }
0x9e: {  	v1 =	vmul.f32 v1, v2;
	v3 =	vmul.f32 v3, v5;
	_ =	sdelay $0x1  }
0x9f: {  	v1 =	vmul.f32 v4, v1;
	v2 =	vmul.f32 v6, v3;
	_ =	sdelay $0x1  }
0xa0: {  	v1 =	vadd.f32 v1, v2;
	_ =	sdelay $0x1  }
0xa1: {  	(xrf2) =	vadd.scan.msk.f32 $0xffff, v1;
	_ =	sdelay $0x9  }
0xa2: {  	v1, _, _ =	vpop (xrf2)  }
0xa3: {  	(v2sf) =	vpush v1, $0xF;
	_ =	sdelay $0xe  }
0xa4: {  	s18 =	spop (v2sf)  }
0xa5: {  	s18 =	smul.f32 $1.767766920e-01, s18;
	_ =	sdelay $0x1  }
0xa6: {  	v1 =	vmov s18  }
0xa7: {  	v1 =	vmul.f32 $1.442695020e+00, v1;
	_ =	sdelay $0x1  }
0xa8: {  	v1 =	vbroadcast v1, $0x0;
	_ =	sdelay $0x1  }
0xa9: {  	(erf) = vpow2.f32 v1;
	_ =	sdelay $0x1  }
0xaa: {  	v1 =	vld [tilespmem:s11+$0x0]  }
0xab: {  	v2 =	vld [tilespmem:s10+$0x14F0];
	_ =	sdelay $0x4  }
0xac: {  	v1 =	vmul.f32 v1, v2  }
0xad: {  	v2 =	vpop (erf)  }
0xae: {  	v1 =	vmul.f32 v2, v1;
	v3 =	vnsel vm0, $0x0, v2;
	_ =	sdelay $0x1  }
0xaf: {  	[tilespmem:s10+$0x14F0] =	vst v1;
	v1 =	vld [tilespmem:s10+$0x1500]  }
0xb0: {  	v4 =	vld [tilespmem:s11+$0x10];
	_ =	sdelay $0x4  }
0xb1: {  	v1 =	vmul.f32 v4, v1  }
0xb2: {  	v4 =	vld [tilespmem:s10+$0x120]  }
0xb3: {  	v1 =	vmul.f32 v2, v1;
	v2 =	vld [tilespmem:s10+$0x2920]  }
0xb4: {  	v5 =	vld [tilespmem:s10+$0x110]  }
0xb5: {  	[tilespmem:s10+$0x1500] =	vst v1;
	v1 =	vld [tilespmem:s10+$0x2910]  }
0xb6: {  	v6 =	vld [tilespmem:s11+$0xFFFFFFE0]  }
0xb7: {  	v7 =	vld [tilespmem:s11+$0xFFFFFFF0];
	_ =	sdelay $0x2  }
0xb8: {  	v2 =	vmul.f32 v4, v2;
	v1 =	vmul.f32 v5, v1;
	_ =	sdelay $0x1  }
0xb9: {  	v1 =	vmul.f32 v6, v1;
	v2 =	vmul.f32 v7, v2;
	_ =	sdelay $0x1  }
0xba: {  	v1 =	vadd.f32 v2, v1;
	_ =	sdelay $0x1  }
0xbb: {  	(xrf2) =	vadd.scan.msk.f32 $0xffff, v1;
	_ =	sdelay $0x9  }
0xbc: {  	v1, _, _ =	vpop (xrf2)  }
0xbd: {  	(v2sf) =	vpush v1, $0xF;
	_ =	sdelay $0xe  }
0xbe: {  	s18 =	spop (v2sf)  }
0xbf: {  	s18 =	smul.f32 $1.767766920e-01, s18;
	_ =	sdelay $0x1  }
0xc0: {  	v1 =	vmov s18  }
0xc1: {  	v1 =	vmul.f32 $1.442695020e+00, v1;
	_ =	sdelay $0x1  }
0xc2: {  	v1 =	vbroadcast v1, $0x0;
	_ =	sdelay $0x1  }
0xc3: {  	(erf) = vpow2.f32 v1;
	_ =	sdelay $0x1  }
0xc4: {  	v1 =	vld [tilespmem:s10+$0x1510]  }
0xc5: {  	v2 =	vld [tilespmem:s11+$0x20];
	_ =	sdelay $0x4  }
0xc6: {  	v1 =	vmul.f32 v2, v1  }
0xc7: {  	v2 =	vpop (erf)  }
0xc8: {  	v1 =	vmul.f32 v2, v1;
	_ =	sdelay $0x1  }
0xc9: {  	[tilespmem:s10+$0x1510] =	vst v1;
	v1 =	vld [tilespmem:s10+$0x1520]  }
0xca: {  	v4 =	vld [tilespmem:s11+$0x30];
	_ =	sdelay $0x4  }
0xcb: {  	v1 =	vmul.f32 v4, v1;
	_ =	sdelay $0x1  }
0xcc: {  	v1 =	vmul.f32 v2, v1;
	_ =	sdelay $0x1  }
0xcd: {  	s23 =	sadd.s32 $0x10, s23;
	[tilespmem:s10+$0x1520] =	vst v1;
	v1 =	vsel vm1, v3, v2  }
0xce: {  	s10 =	sshra.s32 s17, $0x2;
	[tilespmem:s23+$0x0] =	vst v1  }
.Ltmp0:
0xcf: {  	v1 =	vld [tilespmem:s10+$0x100];
	(pc) =	sbr.rel @p1 .LBB2_3-.Ltmp0, $4  }
0xd0: {  	v2 =	vld [tilespmem:s10+$0x2900]  }
0xd1: {  	v3 =	vld [tilespmem:s10+$0xF0]  }
0xd2: {  	s11 =	sadd.s32 $0x80, s11;
	v5 =	vld [tilespmem:s10+$0x28F0]  }
0xd3: {  	s17 =	sadd.s32 $0x100, s17;
	v4 =	vld [tilespmem:s11+$0xFFFFFFD0]  }
0xd4: {  	v6 =	vld [tilespmem:s11+$0xFFFFFFC0];
	_ =	sdelay $0x2  }
0xd5: {  	v1 =	vmul.f32 v1, v2;
	v3 =	vmul.f32 v3, v5;
	_ =	sdelay $0x1  }
0xd6: {  	v1 =	vmul.f32 v4, v1;
	v2 =	vmul.f32 v6, v3;
	_ =	sdelay $0x1  }
0xd7: {  	v1 =	vadd.f32 v1, v2;
	_ =	sdelay $0x1  }
0xd8: {  	(xrf2) =	vadd.scan.msk.f32 $0xffff, v1;
	_ =	sdelay $0x9  }
0xd9: {  	v1, _, _ =	vpop (xrf2)  }
0xda: {  	(v2sf) =	vpush v1, $0xF;
	_ =	sdelay $0xe  }
0xdb: {  	s17 =	spop (v2sf)  }
0xdc: {  	s17 =	smul.f32 $1.767766920e-01, s17;
	_ =	sdelay $0x1  }
0xdd: {  	v1 =	vmov s17  }
0xde: {  	v1 =	vmul.f32 $1.442695020e+00, v1;
	_ =	sdelay $0x1  }
0xdf: {  	v1 =	vbroadcast v1, $0x0;
	_ =	sdelay $0x1  }
0xe0: {  	(erf) = vpow2.f32 v1;
	_ =	sdelay $0x1  }
0xe1: {  	v2 =	vld [tilespmem:s10+$0x14F0]  }
0xe2: {  	v1 =	vld [tilespmem:s11+$0x0];
	_ =	sdelay $0x4  }
0xe3: {  	v1 =	vmul.f32 v1, v2  }
0xe4: {  	v2 =	vpop (erf)  }
0xe5: {  	v1 =	vmul.f32 v2, v1;
	_ =	sdelay $0x1  }
0xe6: {  	[tilespmem:s10+$0x14F0] =	vst v1;
	v1 =	vld [tilespmem:s10+$0x1500]  }
0xe7: {  	v3 =	vld [tilespmem:s11+$0x10];
	_ =	sdelay $0x4  }
0xe8: {  	v1 =	vmul.f32 v3, v1  }
0xe9: {  	v60 =	vld [tilespmem:s10+$0x2920]  }
0xea: {  	v61 =	vld [tilespmem:s10+$0x110];
	v1 =	vmul.f32 v2, v1  }
0xeb: {  	v3 =	vld [tilespmem:s10+$0x120]  }
0xec: {  	[tilespmem:s10+$0x1500] =	vst v1;
	v1 =	vld [tilespmem:s10+$0x2910]  }
0xed: {  	v62 =	vld [tilespmem:s11+$0xFFFFFFE0]  }
0xee: {  	v7 =	vld [tilespmem:s11+$0xFFFFFFF0];
	_ =	sdelay $0x2  }
0xef: {  	v3 =	vmul.f32 v3, v60;
	v1 =	vmul.f32 v61, v1;
	_ =	sdelay $0x1  }
0xf0: {  	v3 =	vmul.f32 v7, v3;
	v1 =	vmul.f32 v62, v1;
	_ =	sdelay $0x1  }
0xf1: {  	v1 =	vadd.f32 v3, v1;
	_ =	sdelay $0x1  }
0xf2: {  	(xrf2) =	vadd.scan.msk.f32 $0xffff, v1;
	_ =	sdelay $0x9  }
0xf3: {  	v1, _, _ =	vpop (xrf2)  }
0xf4: {  	(v2sf) =	vpush v1, $0xF;
	_ =	sdelay $0xe  }
0xf5: {  	s18 =	spop (v2sf)  }
0xf6: {  	s17 =	smul.f32 $1.767766920e-01, s18;
	_ =	sdelay $0x1  }
0xf7: {  	v1 =	vmov s17  }
0xf8: {  	v1 =	vmul.f32 $1.442695020e+00, v1;
	_ =	sdelay $0x1  }
0xf9: {  	v1 =	vbroadcast v1, $0x0;
	_ =	sdelay $0x1  }
0xfa: {  	(erf) = vpow2.f32 v1;
	_ =	sdelay $0x1  }
0xfb: {  	v3 =	vld [tilespmem:s11+$0x20]  }
0xfc: {  	v1 =	vld [tilespmem:s10+$0x1510];
	_ =	sdelay $0x4  }
0xfd: {  	v1 =	vmul.f32 v3, v1  }
0xfe: {  	v3 =	vpop (erf)  }
0xff: {  	v1 =	vmul.f32 v3, v1;
	_ =	sdelay $0x1  }
0x100: {  	[tilespmem:s10+$0x1510] =	vst v1;
	v1 =	vld [tilespmem:s10+$0x1520]  }
0x101: {  	v63 =	vld [tilespmem:s11+$0x30];
	_ =	sdelay $0x4  }
0x102: {  	v1 =	vmul.f32 v63, v1;
	_ =	sdelay $0x1  }
0x103: {  	v1 =	vmul.f32 v3, v1  }
0x104: {  	v2 =	vnsel vm0, $0x0, v2  }
0x105: {  	s23 =	sadd.s32 $0x10, s23;
	[tilespmem:s10+$0x1520] =	vst v1;
	v1 =	vsel vm1, v2, v3  }
0x106: {  	[tilespmem:s23+$0x0] =	vst v1  }
0x107: {  	[spmem:s2] =	stream.indirect.scatter.add.f32 [tilespmem:s28], [sflag:$0x4], $0x40, s25, s25, $0xb8;
	[tilespmem:$0x12D40] =	vst v63  }
0x108: {  	s22 =	sadd.s32 $0x1, s22;
	_ =	swait.ge [sflag:s24], $0x1400  }
0x109: {  	p1 =	sne.s32 s22, $0xFA;
	[sflag:s24] =	ssyncset.done $0x0  }
.Ltmp1:
0x10a: {  	[sflag:s24] =	ssyncadd.s32 $0xFFFFEC00;
	(pc) =	sbr.rel @p1 .LBB2_2-.Ltmp1, $4  }
0x10b: {  	[spmem:s3] =	stream.indirect.scatter.add.f32 [tilespmem:s15], [sflag:$0x4], $0x10, s25, s25, $0xb8;
	[tilespmem:$0x12D40] =	vst v63  }
0x10c: {  	_ =	swait.ge [sflag:s24], $0x500  }
0x10d: {  	[sflag:s24] =	ssyncset.done $0x0  }
0x10e: {  	[sflag:s24] =	ssyncadd.s32 $0xFFFFFB00  }
0x10f: {  	[bflag:$0x0] =	sbarrier.arrive $0xFFFF  }
0x110: {  	s10 =	rddreg [dreg:$0xa]  }
0x111: {  	s11 =	rddreg [dreg:$0x10]  }
0x112: {  	[hbm:s10], [sflag:s13] =	dma.local [spmem:s11], $0x1380  }
0x113: {  	_ =	swait.ge [sflag:s24], $0x1380  }
0x114: {  	[sflag:s24] =	ssyncset.done $0x0;
	s18 =	rddreg [dreg:$0xb]  }
0x115: {  	s22 =	rddreg [dreg:$0x11];
	[sflag:s24] =	ssyncadd.s32 $0xFFFFEC80  }
0x116: {  	[hbm:s18], [sflag:s13] =	dma.local [spmem:s22], $0x4E0  }
0x117: {  	_ =	swait.ge [sflag:s24], $0x4E0  }
0x118: {  	[sflag:s24] =	ssyncset.done $0x0  }
0x119: {  	s10 =	rddreg [dreg:$0xd];
	[sflag:s24] =	ssyncadd.s32 $0xFFFFFB20  }
0x11a: {  	[hbm:s10], [sflag:s13] =	dma.local @!p0 [spmem:s19], $0x80  }
0x11b: {  	s10 =	simm.s32 @!p0 $0x4  }
0x11c: {  	_ =	swait.ge @!p0 [sflag:s10], $0x80  }
0x11d: {  	[sflag:s10] =	ssyncset.done @!p0 $0x0  }
0x11e: {  	s11 =	rddreg [dreg:$0xe];
	[sflag:s10] =	ssyncadd.s32 @!p0 $0xFFFFFF80  }
0x11f: {  	[hbm:s11], [sflag:s13] =	dma.local @!p0 [spmem:s21], $0x20  }
0x120: {  	_ =	swait.ge @!p0 [sflag:s10], $0x20  }
0x121: {  	s4 =	sadd.s32 $0x1, s4;
	s23 =	rddreg [dreg:$0xf]  }
0x122: {  	p1 =	sne.s32 s4, s23  }
.Ltmp2:
0x123: {  	_ = 	snop;
	(pc) =	sbr.rel @p1 .LBB2_1-.Ltmp2, $3  }
0x124: {  	_ =	sdelay $0x1  }
0x125: {  	[sflag:s10] =	ssyncset.done @!p0 $0x0  }
0x126: {  	[sflag:s10] =	ssyncadd.s32 @!p0 $0xFFFFFFE0  }
0x127: {  	_ =	sfence.sel $0x180000  }
0x128: {  	[bflag:$0x0] =	sbarrier.arrive $0xFFFF  }
0x129: {  	_ =	strace $0x90000047  }
0x12a: {  	[bflag:$0x2] =	sbarrier.arrive $0xFFFF  }
0x12b: {  	s0 =	rddreg [dreg:$0x4]  }
0x12c: {  	s0 =	sadd.s32 @!p0 $0x100000, s0  }
0x12d: {  	[sflag:s0] =	ssyncadd.tile.s32 @!p0 $0x1;
	_ =	shalt  }
.Lfunc_end2:
_tile_overlayer_lowered:
.L_overlay_start_2:
0x12e: {  	(tag) =	ssettag $0x2  }
0x12f: {  	s0 =	rddreg [dreg:$0x0];
	s2 =	stileid.u32  }
0x130: {  	s1 =	rddreg [dreg:$0x1];
	p0 =	sne.s32 s2, $0x0  }
0x131: {  	s3 =	rddreg [dreg:$0x2];
	[bflag:$0x3] =	sbarrier.arrive $0xFFFF;
	s2 =	simm.s32 @!p0 $0x1C04  }
0x132: {  	[timem:s3], [sflag:s2] =	dma.local @!p0 [hbm:s0], s1  }
0x133: {  	s0 =	simm.s32 @!p0 $0x4  }
0x134: {  	_ =	swait.ge @!p0 [sflag:s0], s1  }
0x135: {  	s1 =	ssub.s32 @!p0 $0x0, s1;
	[sflag:s0] =	ssyncset.done @!p0 $0x0  }
0x136: {  	[sflag:s0] =	ssyncadd.s32 @!p0 s1  }
0x137: {  	[bflag:$0x3] =	sbarrier.arrive $0xFFFF  }
0x138: {  	_ =	shalt  }

// kernel: kernel.15.cloned.1.call-start
scs
__scs_entry_jumppad:
0x0: {  	(pc) =	sbr.rel $0x88, $3  }
0x1: {  	(tag) =	ssettag $0x0;
	lr =	simm.s32 $0x1  }
0x2: {  	[smem:$0x3F7F] =	sst lr;
	_ =	strace $0xD0000000  }
0x3: {  	_ = 	snop  }
0x4: {  	_ = 	snop  }
0x5: {  	_ = 	snop  }
0x6: {  	_ = 	snop  }
0x7: {  	_ = 	snop  }
__scs_overlays_trampoline_lowered:
0x8: {  	[smem:$0x3F8E] =	sst s0  }
0x9: {  	[smem:$0x3F8F] =	sst s1  }
0xa: {  	[smem:$0x3F90] =	sst s2  }
0xb: {  	[smem:$0x3F91] =	sst s3  }
0xc: {  	[smem:$0x3F92] =	sst s4  }
0xd: {  	[smem:$0x3F93] =	sst s5  }
0xe: {  	[smem:$0x3F94] =	sst s6  }
0xf: {  	[smem:$0x3F95] =	sst s7  }
0x10: {  	[smem:$0x3F96] =	sst s8  }
0x11: {  	[smem:$0x3F97] =	sst s9;
	s0 =	simm.s32 @!p0 $0x0  }
0x12: {  	s1 =	sld [smem:$0x3F7D];
	s0 =	simm.s32 @p0 $0x1  }
0x13: {  	[smem:$0x3F98] =	sst s0;
	s0 =	simm.s32 @!p1 $0x0  }
0x14: {  	s2 =	sld [smem:$0x3F7C];
	s0 =	simm.s32 @p1 $0x1  }
0x15: {  	[smem:$0x3F99] =	sst s0;
	s0 =	simm.s32 @!p2 $0x0  }
0x16: {  	s3 =	sld [smem:$0x3FDB];
	s0 =	simm.s32 @p2 $0x1  }
0x17: {  	s4 =	simm.s32 $0x1BF5;
	[smem:$0x3F9B] =	sst s0  }
0x18: {  	s0 =	sld [smem:$0x3F7E];
	_ =	swait.ge [sflag:s4], $0x0  }
0x19: {  	s7 =	sld [smem:$0x3F7F]  }
0x1a: {  	s8 =	sadd.s32 $0xFFFFE003, lr  }
0x1b: {  	s9 =	sadd.s32 $0xFFFFFEF7, lr;
	s5 =	simm.s32 $0xFFFFFFFF;
	p2 =	slt.u32 s8, $0xFFFFF086  }
0x1c: {  	p1 =	slt.u32 s9, $0xF7A;
	s5 =	simm.s32 @!p2 $0x0  }
0x1d: {  	s5 =	simm.s32 @p1 $0x1;
	p0 =	seq.s32 s7, s2  }
0x1e: {  	s7 =	smul.u32 @!p0 $0xF7A, s2;
	p2 =	seq.s32 @!p0 s5, $0x0  }
0x1f: {  	s9 =	smul.u32 $0xF7A, s1;
	s8 =	simm.s32 @!p0 $0x1BF5;
	p2 =	por !p2, p0  }
0x20: {  	[sflag:s8] =	ssyncset.s32 @!p0 $0xFFFFF086;
	s6 =	sadd.s32 @!p0 s3, s7;
	s7 =	simm.s32 @!p0 $0x108  }
0x21: {  	s3 =	sadd.s32 s3, s9;
	s6 =	sadd.s32 @!p0 $0x88, s6;
	s7 =	simm.s32 @p2 $0x1082  }
0x22: {  	[simem:s7], [sflag:s8] =	dma.local @!p0 [hbm:s6], $0xF7A  }
0x23: {  	s9 =	sor.u32 $0xD0000000, s2;
	s6 =	simm.s32 $0x108;
	_ =	swait.ge @!p0 [sflag:s8], $0x0  }
0x24: {  	s3 =	sadd.s32 $0x88, s3;
	s6 =	simm.s32 @!p1 $0x1082;
	[sflag:s4] =	ssyncset.s32 $0xFFFFF086  }
0x25: {  	[simem:s6], [sflag:s4] =	dma.local [hbm:s3], $0xF7A  }
0x26: {  	[smem:$0x3F7F] =	sst s1;
	(tag) =	ssettag s2;
	_ =	strace s9  }
0x27: {  	s1 =	sld [smem:$0x3F8F]  }
0x28: {  	s2 =	sld [smem:$0x3F90]  }
0x29: {  	s4 =	sld [smem:$0x3F92]  }
0x2a: {  	p0 =	seq.s32 s5, $0x0;
	s5 =	sld [smem:$0x3F93]  }
0x2b: {  	s6 =	sld [smem:$0x3F94]  }
0x2c: {  	s7 =	sld [smem:$0x3F95]  }
0x2d: {  	s3 =	simm.s32 $0x108;
	s8 =	sld [smem:$0x3F96]  }
0x2e: {  	s3 =	simm.s32 @!p0 $0x1082;
	s9 =	sld [smem:$0x3F97]  }
0x2f: {  	lr =	sadd.s32 s0, s3;
	s0 =	sld [smem:$0x3F8E]  }
0x30: {  	s3 =	sld [smem:$0x3F91]  }
0x31: {  	[smem:$0x3F9A] =	sst s10  }
0x32: {  	s10 =	sld [smem:$0x3F98];
	_ =	sdelay $0x3  }
0x33: {  	p0 =	seq.s32 s10, $0x1;
	s10 =	sld [smem:$0x3F9A];
	_ =	sdelay $0x3  }
0x34: {  	[smem:$0x3F9A] =	sst s10  }
0x35: {  	s10 =	sld [smem:$0x3F99];
	_ =	sdelay $0x3  }
0x36: {  	p1 =	seq.s32 s10, $0x1;
	s10 =	sld [smem:$0x3F9A];
	_ =	sdelay $0x3  }
0x37: {  	[smem:$0x3F9A] =	sst s10  }
0x38: {  	s10 =	sld [smem:$0x3F9B]  }
0x39: {  	_ = 	snop;
	(pc) =	sbr.ind lr, $3  }
0x3a: {  	_ = 	snop  }
0x3b: {  	_ = 	snop  }
0x3c: {  	p2 =	seq.s32 s10, $0x1;
	s10 =	sld [smem:$0x3F9A]  }
0x3d: {  	_ =	shalt  }
0x3e: {  	_ =	shalt  }
0x3f: {  	_ =	shalt  }
0x40: {  	_ =	shalt  }
0x41: {  	_ =	shalt  }
0x42: {  	_ =	shalt  }
0x43: {  	_ =	shalt  }
0x44: {  	_ =	shalt  }
0x45: {  	_ =	shalt  }
0x46: {  	_ =	shalt  }
0x47: {  	_ =	shalt  }
0x48: {  	_ =	shalt  }
0x49: {  	_ =	shalt  }
0x4a: {  	_ =	shalt  }
0x4b: {  	_ =	shalt  }
0x4c: {  	_ =	shalt  }
0x4d: {  	_ =	shalt  }
0x4e: {  	_ =	shalt  }
0x4f: {  	_ =	shalt  }
0x50: {  	_ =	shalt  }
0x51: {  	_ =	shalt  }
0x52: {  	_ =	shalt  }
0x53: {  	_ =	shalt  }
0x54: {  	_ =	shalt  }
0x55: {  	_ =	shalt  }
0x56: {  	_ =	shalt  }
0x57: {  	_ =	shalt  }
0x58: {  	_ =	shalt  }
0x59: {  	_ =	shalt  }
0x5a: {  	_ =	shalt  }
0x5b: {  	_ =	shalt  }
0x5c: {  	_ =	shalt  }
0x5d: {  	_ =	shalt  }
0x5e: {  	_ =	shalt  }
0x5f: {  	_ =	shalt  }
0x60: {  	_ =	shalt  }
0x61: {  	_ =	shalt  }
0x62: {  	_ =	shalt  }
0x63: {  	_ =	shalt  }
0x64: {  	_ =	shalt  }
0x65: {  	_ =	shalt  }
0x66: {  	_ =	shalt  }
0x67: {  	_ =	shalt  }
0x68: {  	_ =	shalt  }
0x69: {  	_ =	shalt  }
0x6a: {  	_ =	shalt  }
0x6b: {  	_ =	shalt  }
0x6c: {  	_ =	shalt  }
0x6d: {  	_ =	shalt  }
0x6e: {  	_ =	shalt  }
0x6f: {  	_ =	shalt  }
0x70: {  	_ =	shalt  }
0x71: {  	_ =	shalt  }
0x72: {  	_ =	shalt  }
0x73: {  	_ =	shalt  }
0x74: {  	_ =	shalt  }
0x75: {  	_ =	shalt  }
0x76: {  	_ =	shalt  }
0x77: {  	_ =	shalt  }
0x78: {  	_ =	shalt  }
0x79: {  	_ =	shalt  }
0x7a: {  	_ =	shalt  }
0x7b: {  	_ =	shalt  }
0x7c: {  	_ =	shalt  }
0x7d: {  	_ =	shalt  }
0x7e: {  	_ =	shalt  }
0x7f: {  	_ =	shalt  }
0x80: {  	_ =	shalt  }
0x81: {  	_ =	shalt  }
0x82: {  	_ =	shalt  }
0x83: {  	_ =	shalt  }
0x84: {  	_ =	shalt  }
0x85: {  	_ =	shalt  }
0x86: {  	_ =	shalt  }
0x87: {  	_ =	shalt  }
.Lfunc_end0:
.L_simem_size_0:
called_computation.1_lowered:
.L_overlay_start_0:
0x88: {  	s2 =	sld [smem:$0x3FD9]  }
0x89: {  	s3 =	sld [smem:$0x3FFE];
	_ =	sdelay $0x1  }
0x8a: {  	s1 =	srdreg.scid  }
0x8b: {  	s0 =	sand.u32 $0x1, s1  }
0x8c: {  	s16 =	sshll.u32 s0, $0xA;
	s2 =	sadd.s32 s3, s2  }
0x8d: {  	s2 =	sadd.s32 s2, s16  }
0x8e: {  	[smem:$0x3FA6] =	sst s2  }
0x8f: {  	_ = 	snop  }
0x90: {  	(tm) =	ssettm $0x1  }
0x91: {  	s17 =	sld [smem:$0x3FFB];
	_ =	sdelay $0x3  }
0x92: {  	_ =	strace s17  }
0x93: {  	s2 =	sld [smem:$0x3FFC];
	_ =	sdelay $0x3  }
0x94: {  	_ =	strace s2  }
0x95: {  	s2 =	sld [smem:$0x3FFD];
	_ =	sdelay $0x3  }
0x96: {  	_ =	strace s2  }
0x97: {  	_ =	strace $0x8FFFFFFF  }
0x98: {  	s18 =	sld [smem:$0x3FDB];
	_ =	sdelay $0x1  }
0x99: {  	s19 =	simm.s32 $_scs_section_size  }
0x9a: {  	s4 =	simm.s32 $_size__tile_overlayer_lowered;
	s5 =	simm.s32 $_tile_overlayer_lowered  }
0x9b: {  	s22 =	simm.s32 $0x1BFF;
	s21 =	sshll.u32 s5, $0x1;
	s2 =	sadd.s32 s19, s18  }
0x9c: {  	s6 =	simm.s32 $0x0;
	s20 =	sshll.u32 s4, $0x1;
	s4 =	sadd.s32 s21, s2  }
0x9d: {  	[timem:s6], [sflag:s22] =	dma.local [hbm:s4], s20  }
0x9e: {  	_ =	swait.ge [sflag:s22], s20  }
0x9f: {  	s3 =	ssub.s32 $0x0, s20;
	[sflag:s22] =	ssyncset.done $0x0  }
0xa0: {  	[sflag:s22] =	ssyncadd.s32 s3;
	_ =	sdelay $0x1  }
0xa1: {  	s23 =	simm.s32 $0x1B8B  }
0xa2: {  	_ =	swait.ge [sflag:s23], $0x1  }
0xa3: {  	[sflag:s23] =	ssyncset.done $0x0  }
0xa4: {  	s25 =	simm.s32 $0x1B8E;
	s24 =	sld [smem:$0x3FFE];
	[sflag:s23] =	ssyncadd.s32 $0xFFFFFFFF  }
0xa5: {  	s26 =	simm.s32 $execute0_lowered;
	[smem:$0x3FD2] =	sst s25  }
0xa6: {  	s4 =	sshll.u32 s26, $0x1;
	_ =	strace $0x80000049;
	[dreg:$0x1] =	wrdreg $0xFFFFFFFF  }
0xa7: {  	s28 =	simm.s32 $_size_execute0_lowered;
	s2 =	sadd.s32 s2, s4;
	[dreg:$0x0] =	wrdreg $0x0  }
0xa8: {  	s4 =	sshll.u32 s28, $0x1;
	[dreg:$0x2] =	wrdreg s2  }
0xa9: {  	[dreg:$0x3] =	wrdreg s4  }
0xaa: {  	[dreg:$0x4] =	wrdreg $0xC0  }
0xab: {  	_ =	task [dreg:s6], $0x5FFFF  }
0xac: {  	[dreg:$0x1] =	wrdreg $0xFFFFFFFF  }
0xad: {  	[dreg:$0x0] =	wrdreg $0x60  }
0xae: {  	[dreg:$0x2] =	wrdreg s24  }
0xaf: {  	[dreg:$0x3] =	wrdreg $0x69F00  }
0xb0: {  	[dreg:$0x4] =	wrdreg $0x106300  }
0xb1: {  	[dreg:$0x5] =	wrdreg $0x9  }
0xb2: {  	_ =	task.clear_ibuf [dreg:s6], $0x6FFFF;
	_ =	strace $0x90000049  }
0xb3: {  	s29 =	simm.s32 $0x9;
	_ =	strace $0x8000004B  }
0xb4: {  	_ =	swait.ge [sflag:s29], $0x1  }
0xb5: {  	[sflag:s29] =	ssyncadd.s32 $0xFFFFFFFF  }
0xb6: {  	_ =	strace $0x9000004B  }
0xb7: {  	_ =	sfence  }
0xb8: {  	s30 =	sld [smem:$0x0];
	_ =	sdelay $0x2  }
0xb9: {  	s31 =	sshll.u32 s1, $0xD;
	s1 =	sshrl.u32 s1, $0x2  }
0xba: {  	s3 =	sand.u32 $0x4000, s31;
	s1 =	sadd.s32 s1, s30  }
0xbb: {  	s0 =	sor.u32 s3, s0;
	s1 =	sshll.u32 s1, $0x11  }
0xbc: {  	s0 =	sor.u32 s1, s0  }
0xbd: {  	s0 =	sadd.s32 $0x8F2B, s0  }
0xbe: {  	[sflag:s0] =	ssyncadd.remote.s32 $0x1  }
0xbf: {  	_ =	sfence.sel $0xFFFF  }
0xc0: {  	[dreg:$0x0] =	wrdreg $0xFFFFFFFF;
	(pc) =	sbr.abs _section_cstart, $3  }
0xc1: {  	[dreg:$0x1] =	wrdreg $0xFFFFFFFF  }
0xc2: {  	_ =	task.clear_ibuf [dreg:s6], $0x2FFFF;
	_ =	strace $0x9FFFFFFF  }
0xc3: {  	(tm) =	ssettm $0x7FFFFFFF  }
tec
execute0_lowered:
.L_overlay_start_1:
0x0: {  	(tag) =	ssettag $0x1  }
0x1: {  	s0 =	rddreg [dreg:$0x0]  }
0x2: {  	s1 =	rddreg [dreg:$0x1]  }
0x3: {  	s2 =	rddreg [dreg:$0x2];
	s28 =	simm.s32 $0x14F0;
	s29 =	simm.s32 $0xA0  }
0x4: {  	s30 =	simm.s32 $0x28F0;
	s31 =	simm.s32 $0x3CF0;
	s4 =	sadd.s32 $0xF21A00, s0  }
0x5: {  	s3 =	simm.s32 $0x0;
	s5 =	sadd.s32 $0xEF0800, s0;
	s6 =	sadd.s32 $0xEC7C00, s0  }
0x6: {  	s10 =	srdreg.scid;
	s7 =	sadd.s32 $0x2313200, s0;
	s8 =	sadd.s32 $0xEBDE00, s0  }
0x7: {  	[smem:$0x7FF] =	sst s3;
	s9 =	sadd.s32 $0xEB4000, s0;
	s11 =	sadd.s32 $0xEEEE00, s0  }
0x8: {  	s10 =	sand.u32 $0x1, s10;
	s17 =	sadd.s32 $0xEF0200, s0;
	s14 =	sadd.s32 $0xF48C00, s0  }
0x9: {  	s0 =	sadd.s32 $0xF17A00, s0;
	_ =	strace $0x8000004A;
	[dreg:$0x4] =	wrdreg s11  }
0xa: {  	s20 =	sadd.s32 $0x9C000, s1;
	[dreg:$0x5] =	wrdreg s17;
	s11 =	stileid.u32  }
0xb: {  	s24 =	sadd.s32 $0x27000, s2;
	[dreg:$0x8] =	wrdreg s20;
	s22 =	smul.u32 $0x2710, s10  }
0xc: {  	s12 =	ssub.s32 $0x2, s10;
	[dreg:$0xb] =	wrdreg s24;
	s20 =	smul.u32 $0x4E200, s10  }
0xd: {  	s24 =	simm.s32 $0x4;
	s13 =	sshrl.u32 s12, $0x1;
	s15 =	smul.u32 $0x9C00, s11  }
0xe: {  	s17 =	smul.u32 $0x2700, s11;
	s19 =	sshll.u32 s11, $0x6;
	p0 =	sne.s32 s11, $0x0  }
0xf: {  	s12 =	ssub.s32 s12, s13;
	s13 =	sor.u32 $0x1C04, s19;
	s19 =	smul.u32 $0x27100, s10  }
0x10: {  	s18 =	sadd.s32 s15, s1;
	s16 =	sadd.s32 s17, s2;
	s26 =	smax.u32 s12, $0x1  }
0x11: {  	s12 =	simm.s32 $0x2;
	[dreg:$0x6] =	wrdreg s18;
	s18 =	smul.u32 $0x9C400, s10  }
0x12: {  	[dreg:$0x7] =	wrdreg s16;
	s16 =	smul.u32 $0x4E20, s11;
	s17 =	sadd.s32 s17, s19  }
0x13: {  	s23 =	sshrl.u32 s19, $0x3;
	[dreg:$0xe] =	wrdreg s26;
	s15 =	sadd.s32 s15, s18  }
0x14: {  	s26 =	simm.s32 $0xF0;
	s18 =	sshrl.u32 s18, $0x3;
	s15 =	sshrl.u32 s15, $0x3  }
0x15: {  	s21 =	sshrl.u32 s17, $0x3;
	s15 =	sadd.s32 s14, s15;
	s14 =	sadd.s32 s14, s18  }
0x16: {  	[dreg:$0x9] =	wrdreg s15;
	s15 =	sadd.s32 s0, s21;
	s0 =	sadd.s32 s0, s23  }
0x17: {  	s25 =	sadd.s32 $0x13800, s14;
	s14 =	simm.s32 $0x3;
	[dreg:$0xa] =	wrdreg s15  }
0x18: {  	[dreg:$0xc] =	wrdreg s25;
	s0 =	sadd.s32 $0x4E00, s0;
	s25 =	simm.s32 $0x50  }
0x19: {  	vm0 =	vmmov $0x1;
	vm1 =	vcmask $0x308;
	v0 =	vmov s22;
	s15 =	simm.s32 $0x64F0;
	[dreg:$0xd] =	wrdreg s0;
	s0 =	simm.s32 $0x1  }
.LBB2_1:
0x1a: {  	s10 =	rddreg [dreg:$0x6]  }
0x1b: {  	s11 =	sshrl.u32 s10, $0x3;
	s10 =	rddreg [dreg:$0x4]  }
0x1c: {  	[dreg:$0xf] =	wrdreg s11  }
0x1d: {  	[spmem:s11], [sflag:s13] =	dma.local [hbm:s10], $0x1380  }
0x1e: {  	_ =	swait.ge [sflag:s24], $0x1380  }
0x1f: {  	s23 =	rddreg [dreg:$0x7]  }
0x20: {  	[sflag:s24] =	ssyncset.done $0x0;
	s11 =	rddreg [dreg:$0x5];
	s17 =	sshrl.u32 s23, $0x3  }
0x21: {  	[sflag:s24] =	ssyncadd.s32 $0xFFFFEC80;
	[dreg:$0x10] =	wrdreg s17  }
0x22: {  	[spmem:s17], [sflag:s13] =	dma.local [hbm:s11], $0x4E0  }
0x23: {  	_ =	swait.ge [sflag:s24], $0x4E0  }
0x24: {  	[sflag:s24] =	ssyncset.done $0x0;
	s17 =	rddreg [dreg:$0x8]  }
0x25: {  	[sflag:s24] =	ssyncadd.s32 $0xFFFFFB20;
	s19 =	sshrl.u32 @!p0 s17, $0x3  }
0x26: {  	[spmem:s19], [sflag:s13] =	dma.local @!p0 [hbm:s10], $0x80  }
0x27: {  	s10 =	simm.s32 @!p0 $0x4  }
0x28: {  	_ =	swait.ge @!p0 [sflag:s10], $0x80  }
0x29: {  	[sflag:s10] =	ssyncset.done @!p0 $0x0;
	s17 =	rddreg [dreg:$0xb]  }
0x2a: {  	[sflag:s10] =	ssyncadd.s32 @!p0 $0xFFFFFF80;
	s21 =	sshrl.u32 @!p0 s17, $0x3  }
0x2b: {  	[spmem:s21], [sflag:s13] =	dma.local @!p0 [hbm:s11], $0x20  }
0x2c: {  	_ =	swait.ge @!p0 [sflag:s10], $0x20  }
0x2d: {  	[sflag:s10] =	ssyncset.done @!p0 $0x0  }
0x2e: {  	[sflag:s10] =	ssyncadd.s32 @!p0 $0xFFFFFFE0  }
0x2f: {  	s22 =	simm.s32 $0x0;
	[bflag:$0x0] =	sbarrier.arrive $0xFFFF  }
.LBB2_2:
0x30: {  	s10 =	smul.u32 $0x50, s22;
	_ =	sdelay $0x1  }
0x31: {  	s10 =	sadd.s32 s16, s10  }
0x32: {  	s11 =	sshrl.u32 s10, $0x3  }
0x33: {  	s23 =	simm.s32 $0x0;
	s17 =	sadd.s32 s8, s11  }
0x34: {  	[tilespmem:s23], [sflag:$0x4] =	stream.linear.gather [hbm4b:s17+s23], $0x50, $0x38;
	[tilespmem:$0x12D40] =	vst v63  }
0x35: {  	_ =	swait.ge [sflag:s24], $0x50  }
0x36: {  	[sflag:s24] =	ssyncset.done $0x0  }
0x37: {  	s11 =	sadd.s32 s9, s11;
	[sflag:s24] =	ssyncadd.s32 $0xFFFFFFB0  }
0x38: {  	[tilespmem:s25], [sflag:$0x4] =	stream.linear.gather [hbm4b:s11+s23], $0x50, $0x38;
	[tilespmem:$0x12D40] =	vst v63  }
0x39: {  	_ =	swait.ge [sflag:s24], $0x50  }
0x3a: {  	[sflag:s24] =	ssyncset.done $0x0  }
0x3b: {  	[sflag:s24] =	ssyncadd.s32 $0xFFFFFFB0  }
0x3c: {  	v1 =	vld [tilespmem:$0x0]  }
0x3d: {  	v2 =	vld [tilespmem:$0x10]  }
0x3e: {  	v3 =	vld [tilespmem:$0x20]  }
0x3f: {  	v4 =	vld [tilespmem:$0x30]  }
0x40: {  	v5 =	vld [tilespmem:$0x40]  }
0x41: {  	v6 =	vld [tilespmem:$0x50];
	v1 =	vadd.s32 v0, v1  }
0x42: {  	[tilespmem:$0x0] =	vst v1;
	v1 =	vadd.s32 v0, v2;
	v2 =	vld [tilespmem:$0x60]  }
0x43: {  	[tilespmem:$0x10] =	vst v1;
	v1 =	vadd.s32 v0, v3;
	v3 =	vld [tilespmem:$0x70]  }
0x44: {  	[tilespmem:$0x20] =	vst v1;
	v1 =	vadd.s32 v0, v4;
	v4 =	vld [tilespmem:$0x80]  }
0x45: {  	[tilespmem:$0x30] =	vst v1;
	v1 =	vadd.s32 v0, v5;
	v5 =	vld [tilespmem:$0x90]  }
0x46: {  	[tilespmem:$0x40] =	vst v1;
	v1 =	vadd.s32 v0, v6  }
0x47: {  	[tilespmem:$0xA0] =	vst v1;
	v1 =	vadd.s32 v0, v2  }
0x48: {  	[tilespmem:$0xB0] =	vst v1;
	v1 =	vadd.s32 v0, v3  }
0x49: {  	[tilespmem:$0xC0] =	vst v1;
	v1 =	vadd.s32 v0, v4  }
0x4a: {  	[tilespmem:$0xD0] =	vst v1;
	v1 =	vadd.s32 v0, v5  }
0x4b: {  	[tilespmem:$0xE0] =	vst v1  }
0x4c: {  	[tilespmem:s26], [sflag:$0x1] =	stream.indirect.gather [hbm4b:s5+s25], $0x40, s23, s25, $0xb8;
	[tilespmem:$0x12D40] =	vst v63  }
0x4d: {  	s10 =	sadd.s32 s20, s10  }
0x4e: {  	[tilespmem:s28], [sflag:$0x2] =	stream.indirect.gather [hbm4b:s6+s25], $0x40, s23, s25, $0xb8;
	[tilespmem:$0x12D40] =	vst v63  }
0x4f: {  	s10 =	sshll.u32 s10, $0x4  }
0x50: {  	[tilespmem:s30], [sflag:$0x3] =	stream.indirect.gather [hbm4b:s4+s25], $0x40, s29, s25, $0xb8;
	[tilespmem:$0x12D40] =	vst v63  }
0x51: {  	s10 =	sadd.s32 s7, s10  }
0x52: {  	[tilespmem:s31], [sflag:$0x4] =	stream.linear.gather [hbm4b:s10+s23], $0x2800, $0x38;
	[tilespmem:$0x12D40] =	vst v63  }
0x53: {  	_ =	swait.ge [sflag:s24], $0x2800  }
0x54: {  	[sflag:s24] =	ssyncset.done $0x0  }
0x55: {  	[sflag:s24] =	ssyncadd.s32 $0xFFFFD800  }
0x56: {  	_ =	swait.ge [sflag:s0], $0x1400  }
0x57: {  	[sflag:s0] =	ssyncset.done $0x0  }
0x58: {  	[sflag:s0] =	ssyncadd.s32 $0xFFFFEC00  }
0x59: {  	_ =	swait.ge [sflag:s12], $0x1400  }
0x5a: {  	[sflag:s12] =	ssyncset.done $0x0  }
0x5b: {  	[sflag:s12] =	ssyncadd.s32 $0xFFFFEC00  }
0x5c: {  	_ =	swait.ge [sflag:s14], $0x1400  }
0x5d: {  	[sflag:s14] =	ssyncset.done $0x0  }
0x5e: {  	s10 =	simm.s32 $0x0;
	[sflag:s14] =	ssyncadd.s32 $0xFFFFEC00  }
0x5f: {  	v1 =	vld [tilespmem:s10+$0x100]  }
0x60: {  	v2 =	vld [tilespmem:s10+$0x2900]  }
0x61: {  	v3 =	vld [tilespmem:s10+$0xF0]  }
0x62: {  	s11 =	simm.s32 $0x3D30;
	v4 =	vld [tilespmem:s10+$0x28F0]  }
0x63: {  	v5 =	vld [tilespmem:s11+$0xFFFFFFD0]  }
0x64: {  	v6 =	vld [tilespmem:s11+$0xFFFFFFC0];
	_ =	sdelay $0x2  }
0x65: {  	v3 =	vmul.f32 v3, v4;
	v1 =	vmul.f32 v1, v2;
	_ =	sdelay $0x1  }
0x66: {  	v2 =	vmul.f32 v6, v3;
	v1 =	vmul.f32 v5, v1;
	_ =	sdelay $0x1  }
0x67: {  	v1 =	vadd.f32 v1, v2;
	_ =	sdelay $0x1  }
0x68: {  	(xrf2) =	vadd.scan.msk.f32 $0xffff, v1;
	_ =	sdelay $0x9  }
0x69: {  	v1, _, _ =	vpop (xrf2)  }
0x6a: {  	(v2sf) =	vpush v1, $0xF;
	_ =	sdelay $0xe  }
0x6b: {  	s18 =	spop (v2sf)  }
0x6c: {  	s17 =	smul.f32 $1.767766920e-01, s18;
	_ =	sdelay $0x1  }
0x6d: {  	v1 =	vmov s17  }
0x6e: {  	v1 =	vmul.f32 $1.442695020e+00, v1;
	_ =	sdelay $0x1  }
0x6f: {  	v1 =	vbroadcast v1, $0x0;
	_ =	sdelay $0x1  }
0x70: {  	(erf) = vpow2.f32 v1;
	_ =	sdelay $0x1  }
0x71: {  	v2 =	vld [tilespmem:s10+$0x14F0]  }
0x72: {  	v1 =	vld [tilespmem:s11+$0x0];
	_ =	sdelay $0x4  }
0x73: {  	v1 =	vmul.f32 v1, v2  }
0x74: {  	v2 =	vpop (erf)  }
0x75: {  	v1 =	vmul.f32 v2, v1;
	_ =	sdelay $0x1  }
0x76: {  	[tilespmem:s10+$0x14F0] =	vst v1;
	v1 =	vld [tilespmem:s10+$0x1500]  }
0x77: {  	v3 =	vld [tilespmem:s11+$0x10];
	_ =	sdelay $0x4  }
0x78: {  	v1 =	vmul.f32 v3, v1  }
0x79: {  	v4 =	vld [tilespmem:s10+$0x2920]  }
0x7a: {  	v5 =	vld [tilespmem:s10+$0x110];
	v1 =	vmul.f32 v2, v1  }
0x7b: {  	v3 =	vld [tilespmem:s10+$0x120]  }
0x7c: {  	[tilespmem:s10+$0x1500] =	vst v1;
	v1 =	vld [tilespmem:s10+$0x2910]  }
0x7d: {  	v6 =	vld [tilespmem:s11+$0xFFFFFFE0]  }
0x7e: {  	v7 =	vld [tilespmem:s11+$0xFFFFFFF0];
	_ =	sdelay $0x2  }
0x7f: {  	v3 =	vmul.f32 v3, v4;
	v1 =	vmul.f32 v5, v1;
	_ =	sdelay $0x1  }
0x80: {  	v3 =	vmul.f32 v7, v3;
	v1 =	vmul.f32 v6, v1;
	_ =	sdelay $0x1  }
0x81: {  	v1 =	vadd.f32 v3, v1;
	_ =	sdelay $0x1  }
0x82: {  	(xrf2) =	vadd.scan.msk.f32 $0xffff, v1;
	_ =	sdelay $0x9  }
0x83: {  	v1, _, _ =	vpop (xrf2)  }
0x84: {  	(v2sf) =	vpush v1, $0xF;
	_ =	sdelay $0xe  }
0x85: {  	s23 =	spop (v2sf)  }
0x86: {  	s17 =	smul.f32 $1.767766920e-01, s23;
	_ =	sdelay $0x1  }
0x87: {  	v1 =	vmov s17  }
0x88: {  	v1 =	vmul.f32 $1.442695020e+00, v1;
	_ =	sdelay $0x1  }
0x89: {  	v1 =	vbroadcast v1, $0x0;
	_ =	sdelay $0x1  }
0x8a: {  	(erf) = vpow2.f32 v1;
	_ =	sdelay $0x1  }
0x8b: {  	v3 =	vld [tilespmem:s11+$0x20]  }
0x8c: {  	v1 =	vld [tilespmem:s10+$0x1510];
	_ =	sdelay $0x4  }
0x8d: {  	v1 =	vmul.f32 v3, v1  }
0x8e: {  	v3 =	vpop (erf)  }
0x8f: {  	v1 =	vmul.f32 v3, v1;
	_ =	sdelay $0x1  }
0x90: {  	[tilespmem:s10+$0x1510] =	vst v1;
	v1 =	vld [tilespmem:s10+$0x1520]  }
0x91: {  	v4 =	vld [tilespmem:s11+$0x30];
	_ =	sdelay $0x4  }
0x92: {  	v1 =	vmul.f32 v4, v1;
	_ =	sdelay $0x1  }
0x93: {  	v1 =	vmul.f32 v3, v1  }
0x94: {  	v2 =	vnsel vm0, $0x0, v2  }
0x95: {  	s23 =	simm.s32 $0x64F0;
	[tilespmem:s10+$0x1520] =	vst v1;
	v1 =	vsel vm1, v2, v3  }
0x96: {  	s10 =	simm.s32 $0x40;
	[tilespmem:s23+$0x0] =	vst v1  }
0x97: {  	v1 =	vld [tilespmem:s10+$0x100]  }
0x98: {  	v2 =	vld [tilespmem:s10+$0x2900]  }
0x99: {  	v3 =	vld [tilespmem:s10+$0xF0]  }
0x9a: {  	s11 =	simm.s32 $0x3DB0;
	v5 =	vld [tilespmem:s10+$0x28F0]  }
0x9b: {  	s17 =	simm.s32 $0x200;
	v4 =	vld [tilespmem:s11+$0xFFFFFFD0]  }
.LBB2_3:
0x9c: {  	p1 =	sne.s32 s17, $0x4F00;
	v6 =	vld [tilespmem:s11+$0xFFFFFFC0];
	_ =	sdelay $0x2  }
0x9d: {  	v1 =	vmul.f32 v1, v2;
	v3 =	vmul.f32 v3, v5;
	_ =	sdelay $0x1  }
0x9e: {  	v1 =	vmul.f32 v4, v1;
	v2 =	vmul.f32 v6, v3;
	_ =	sdelay $0x1  }
0x9f: {  	v1 =	vadd.f32 v1, v2;
	_ =	sdelay $0x1  }
0xa0: {  	(xrf2) =	vadd.scan.msk.f32 $0xffff, v1;
	_ =	sdelay $0x9  }
0xa1: {  	v1, _, _ =	vpop (xrf2)  }
0xa2: {  	(v2sf) =	vpush v1, $0xF;
	_ =	sdelay $0xe  }
0xa3: {  	s18 =	spop (v2sf)  }
0xa4: {  	s18 =	smul.f32 $1.767766920e-01, s18;
	_ =	sdelay $0x1  }
0xa5: {  	v1 =	vmov s18  }
0xa6: {  	v1 =	vmul.f32 $1.442695020e+00, v1;
	_ =	sdelay $0x1  }
0xa7: {  	v1 =	vbroadcast v1, $0x0;
	_ =	sdelay $0x1  }
0xa8: {  	(erf) = vpow2.f32 v1;
	_ =	sdelay $0x1  }
0xa9: {  	v1 =	vld [tilespmem:s11+$0x0]  }
0xaa: {  	v2 =	vld [tilespmem:s10+$0x14F0];
	_ =	sdelay $0x4  }
0xab: {  	v1 =	vmul.f32 v1, v2  }
0xac: {  	v2 =	vpop (erf)  }
0xad: {  	v1 =	vmul.f32 v2, v1;
	v3 =	vnsel vm0, $0x0, v2;
	_ =	sdelay $0x1  }
0xae: {  	[tilespmem:s10+$0x14F0] =	vst v1;
	v1 =	vld [tilespmem:s10+$0x1500]  }
0xaf: {  	v4 =	vld [tilespmem:s11+$0x10];
	_ =	sdelay $0x4  }
0xb0: {  	v1 =	vmul.f32 v4, v1  }
0xb1: {  	v4 =	vld [tilespmem:s10+$0x120]  }
0xb2: {  	v1 =	vmul.f32 v2, v1;
	v2 =	vld [tilespmem:s10+$0x2920]  }
0xb3: {  	v5 =	vld [tilespmem:s10+$0x110]  }
0xb4: {  	[tilespmem:s10+$0x1500] =	vst v1;
	v1 =	vld [tilespmem:s10+$0x2910]  }
0xb5: {  	v6 =	vld [tilespmem:s11+$0xFFFFFFE0]  }
0xb6: {  	v7 =	vld [tilespmem:s11+$0xFFFFFFF0];
	_ =	sdelay $0x2  }
0xb7: {  	v2 =	vmul.f32 v4, v2;
	v1 =	vmul.f32 v5, v1;
	_ =	sdelay $0x1  }
0xb8: {  	v1 =	vmul.f32 v6, v1;
	v2 =	vmul.f32 v7, v2;
	_ =	sdelay $0x1  }
0xb9: {  	v1 =	vadd.f32 v2, v1;
	_ =	sdelay $0x1  }
0xba: {  	(xrf2) =	vadd.scan.msk.f32 $0xffff, v1;
	_ =	sdelay $0x9  }
0xbb: {  	v1, _, _ =	vpop (xrf2)  }
0xbc: {  	(v2sf) =	vpush v1, $0xF;
	_ =	sdelay $0xe  }
0xbd: {  	s18 =	spop (v2sf)  }
0xbe: {  	s18 =	smul.f32 $1.767766920e-01, s18;
	_ =	sdelay $0x1  }
0xbf: {  	v1 =	vmov s18  }
0xc0: {  	v1 =	vmul.f32 $1.442695020e+00, v1;
	_ =	sdelay $0x1  }
0xc1: {  	v1 =	vbroadcast v1, $0x0;
	_ =	sdelay $0x1  }
0xc2: {  	(erf) = vpow2.f32 v1;
	_ =	sdelay $0x1  }
0xc3: {  	v1 =	vld [tilespmem:s10+$0x1510]  }
0xc4: {  	v2 =	vld [tilespmem:s11+$0x20];
	_ =	sdelay $0x4  }
0xc5: {  	v1 =	vmul.f32 v2, v1  }
0xc6: {  	v2 =	vpop (erf)  }
0xc7: {  	v1 =	vmul.f32 v2, v1;
	_ =	sdelay $0x1  }
0xc8: {  	[tilespmem:s10+$0x1510] =	vst v1;
	v1 =	vld [tilespmem:s10+$0x1520]  }
0xc9: {  	v4 =	vld [tilespmem:s11+$0x30];
	_ =	sdelay $0x4  }
0xca: {  	v1 =	vmul.f32 v4, v1;
	_ =	sdelay $0x1  }
0xcb: {  	v1 =	vmul.f32 v2, v1;
	_ =	sdelay $0x1  }
0xcc: {  	s23 =	sadd.s32 $0x10, s23;
	[tilespmem:s10+$0x1520] =	vst v1;
	v1 =	vsel vm1, v3, v2  }
0xcd: {  	s10 =	sshra.s32 s17, $0x2;
	[tilespmem:s23+$0x0] =	vst v1  }
.Ltmp0:
0xce: {  	v1 =	vld [tilespmem:s10+$0x100];
	(pc) =	sbr.rel @p1 .LBB2_3-.Ltmp0, $4  }
0xcf: {  	v2 =	vld [tilespmem:s10+$0x2900]  }
0xd0: {  	v3 =	vld [tilespmem:s10+$0xF0]  }
0xd1: {  	s11 =	sadd.s32 $0x80, s11;
	v5 =	vld [tilespmem:s10+$0x28F0]  }
0xd2: {  	s17 =	sadd.s32 $0x100, s17;
	v4 =	vld [tilespmem:s11+$0xFFFFFFD0]  }
0xd3: {  	v6 =	vld [tilespmem:s11+$0xFFFFFFC0];
	_ =	sdelay $0x2  }
0xd4: {  	v1 =	vmul.f32 v1, v2;
	v3 =	vmul.f32 v3, v5;
	_ =	sdelay $0x1  }
0xd5: {  	v1 =	vmul.f32 v4, v1;
	v2 =	vmul.f32 v6, v3;
	_ =	sdelay $0x1  }
0xd6: {  	v1 =	vadd.f32 v1, v2;
	_ =	sdelay $0x1  }
0xd7: {  	(xrf2) =	vadd.scan.msk.f32 $0xffff, v1;
	_ =	sdelay $0x9  }
0xd8: {  	v1, _, _ =	vpop (xrf2)  }
0xd9: {  	(v2sf) =	vpush v1, $0xF;
	_ =	sdelay $0xe  }
0xda: {  	s17 =	spop (v2sf)  }
0xdb: {  	s17 =	smul.f32 $1.767766920e-01, s17;
	_ =	sdelay $0x1  }
0xdc: {  	v1 =	vmov s17  }
0xdd: {  	v1 =	vmul.f32 $1.442695020e+00, v1;
	_ =	sdelay $0x1  }
0xde: {  	v1 =	vbroadcast v1, $0x0;
	_ =	sdelay $0x1  }
0xdf: {  	(erf) = vpow2.f32 v1;
	_ =	sdelay $0x1  }
0xe0: {  	v2 =	vld [tilespmem:s10+$0x14F0]  }
0xe1: {  	v1 =	vld [tilespmem:s11+$0x0];
	_ =	sdelay $0x4  }
0xe2: {  	v1 =	vmul.f32 v1, v2  }
0xe3: {  	v2 =	vpop (erf)  }
0xe4: {  	v1 =	vmul.f32 v2, v1;
	_ =	sdelay $0x1  }
0xe5: {  	[tilespmem:s10+$0x14F0] =	vst v1;
	v1 =	vld [tilespmem:s10+$0x1500]  }
0xe6: {  	v3 =	vld [tilespmem:s11+$0x10];
	_ =	sdelay $0x4  }
0xe7: {  	v1 =	vmul.f32 v3, v1  }
0xe8: {  	v60 =	vld [tilespmem:s10+$0x2920]  }
0xe9: {  	v61 =	vld [tilespmem:s10+$0x110];
	v1 =	vmul.f32 v2, v1  }
0xea: {  	v3 =	vld [tilespmem:s10+$0x120]  }
0xeb: {  	[tilespmem:s10+$0x1500] =	vst v1;
	v1 =	vld [tilespmem:s10+$0x2910]  }
0xec: {  	v62 =	vld [tilespmem:s11+$0xFFFFFFE0]  }
0xed: {  	v7 =	vld [tilespmem:s11+$0xFFFFFFF0];
	_ =	sdelay $0x2  }
0xee: {  	v3 =	vmul.f32 v3, v60;
	v1 =	vmul.f32 v61, v1;
	_ =	sdelay $0x1  }
0xef: {  	v3 =	vmul.f32 v7, v3;
	v1 =	vmul.f32 v62, v1;
	_ =	sdelay $0x1  }
0xf0: {  	v1 =	vadd.f32 v3, v1;
	_ =	sdelay $0x1  }
0xf1: {  	(xrf2) =	vadd.scan.msk.f32 $0xffff, v1;
	_ =	sdelay $0x9  }
0xf2: {  	v1, _, _ =	vpop (xrf2)  }
0xf3: {  	(v2sf) =	vpush v1, $0xF;
	_ =	sdelay $0xe  }
0xf4: {  	s18 =	spop (v2sf)  }
0xf5: {  	s17 =	smul.f32 $1.767766920e-01, s18;
	_ =	sdelay $0x1  }
0xf6: {  	v1 =	vmov s17  }
0xf7: {  	v1 =	vmul.f32 $1.442695020e+00, v1;
	_ =	sdelay $0x1  }
0xf8: {  	v1 =	vbroadcast v1, $0x0;
	_ =	sdelay $0x1  }
0xf9: {  	(erf) = vpow2.f32 v1;
	_ =	sdelay $0x1  }
0xfa: {  	v3 =	vld [tilespmem:s11+$0x20]  }
0xfb: {  	v1 =	vld [tilespmem:s10+$0x1510];
	_ =	sdelay $0x4  }
0xfc: {  	v1 =	vmul.f32 v3, v1  }
0xfd: {  	v3 =	vpop (erf)  }
0xfe: {  	v1 =	vmul.f32 v3, v1;
	_ =	sdelay $0x1  }
0xff: {  	[tilespmem:s10+$0x1510] =	vst v1;
	v1 =	vld [tilespmem:s10+$0x1520]  }
0x100: {  	v63 =	vld [tilespmem:s11+$0x30];
	_ =	sdelay $0x4  }
0x101: {  	v1 =	vmul.f32 v63, v1;
	_ =	sdelay $0x1  }
0x102: {  	v1 =	vmul.f32 v3, v1  }
0x103: {  	v2 =	vnsel vm0, $0x0, v2  }
0x104: {  	s23 =	sadd.s32 $0x10, s23;
	[tilespmem:s10+$0x1520] =	vst v1;
	v1 =	vsel vm1, v2, v3  }
0x105: {  	[tilespmem:s23+$0x0] =	vst v1  }
0x106: {  	[spmem:s1] =	stream.indirect.scatter.add.f32 [tilespmem:s28], [sflag:$0x4], $0x40, s25, s25, $0xb8;
	[tilespmem:$0x12D40] =	vst v63  }
0x107: {  	s22 =	sadd.s32 $0x1, s22;
	_ =	swait.ge [sflag:s24], $0x1400  }
0x108: {  	p1 =	sne.s32 s22, $0xFA;
	[sflag:s24] =	ssyncset.done $0x0  }
.Ltmp1:
0x109: {  	[sflag:s24] =	ssyncadd.s32 $0xFFFFEC00;
	(pc) =	sbr.rel @p1 .LBB2_2-.Ltmp1, $4  }
0x10a: {  	[spmem:s2] =	stream.indirect.scatter.add.f32 [tilespmem:s15], [sflag:$0x4], $0x10, s25, s25, $0xb8;
	[tilespmem:$0x12D40] =	vst v63  }
0x10b: {  	_ =	swait.ge [sflag:s24], $0x500  }
0x10c: {  	[sflag:s24] =	ssyncset.done $0x0  }
0x10d: {  	[sflag:s24] =	ssyncadd.s32 $0xFFFFFB00  }
0x10e: {  	[bflag:$0x0] =	sbarrier.arrive $0xFFFF  }
0x10f: {  	s10 =	rddreg [dreg:$0x9]  }
0x110: {  	s11 =	rddreg [dreg:$0xf]  }
0x111: {  	[hbm:s10], [sflag:s13] =	dma.local [spmem:s11], $0x1380  }
0x112: {  	_ =	swait.ge [sflag:s24], $0x1380  }
0x113: {  	[sflag:s24] =	ssyncset.done $0x0;
	s18 =	rddreg [dreg:$0xa]  }
0x114: {  	s22 =	rddreg [dreg:$0x10];
	[sflag:s24] =	ssyncadd.s32 $0xFFFFEC80  }
0x115: {  	[hbm:s18], [sflag:s13] =	dma.local [spmem:s22], $0x4E0  }
0x116: {  	_ =	swait.ge [sflag:s24], $0x4E0  }
0x117: {  	[sflag:s24] =	ssyncset.done $0x0  }
0x118: {  	s10 =	rddreg [dreg:$0xc];
	[sflag:s24] =	ssyncadd.s32 $0xFFFFFB20  }
0x119: {  	[hbm:s10], [sflag:s13] =	dma.local @!p0 [spmem:s19], $0x80  }
0x11a: {  	s10 =	simm.s32 @!p0 $0x4  }
0x11b: {  	_ =	swait.ge @!p0 [sflag:s10], $0x80  }
0x11c: {  	[sflag:s10] =	ssyncset.done @!p0 $0x0  }
0x11d: {  	s11 =	rddreg [dreg:$0xd];
	[sflag:s10] =	ssyncadd.s32 @!p0 $0xFFFFFF80  }
0x11e: {  	[hbm:s11], [sflag:s13] =	dma.local @!p0 [spmem:s21], $0x20  }
0x11f: {  	_ =	swait.ge @!p0 [sflag:s10], $0x20  }
0x120: {  	s3 =	sadd.s32 $0x1, s3;
	s23 =	rddreg [dreg:$0xe]  }
0x121: {  	p1 =	sne.s32 s3, s23  }
.Ltmp2:
0x122: {  	_ = 	snop;
	(pc) =	sbr.rel @p1 .LBB2_1-.Ltmp2, $3  }
0x123: {  	_ =	sdelay $0x1  }
0x124: {  	[sflag:s10] =	ssyncset.done @!p0 $0x0  }
0x125: {  	[sflag:s10] =	ssyncadd.s32 @!p0 $0xFFFFFFE0  }
0x126: {  	_ =	sfence.sel $0x180000  }
0x127: {  	[bflag:$0x0] =	sbarrier.arrive $0xFFFF  }
0x128: {  	_ =	strace $0x9000004A  }
0x129: {  	[bflag:$0x2] =	sbarrier.arrive $0xFFFF  }
0x12a: {  	s0 =	rddreg [dreg:$0x3]  }
0x12b: {  	s0 =	sadd.s32 @!p0 $0x100000, s0  }
0x12c: {  	[sflag:s0] =	ssyncadd.tile.s32 @!p0 $0x1;
	_ =	shalt  }
.Lfunc_end2:
_tile_overlayer_lowered:
.L_overlay_start_2:
0x12d: {  	(tag) =	ssettag $0x2  }
0x12e: {  	s0 =	rddreg [dreg:$0x0];
	s2 =	stileid.u32  }
0x12f: {  	s1 =	rddreg [dreg:$0x1];
	p0 =	sne.s32 s2, $0x0  }
0x130: {  	s3 =	rddreg [dreg:$0x2];
	[bflag:$0x3] =	sbarrier.arrive $0xFFFF;
	s2 =	simm.s32 @!p0 $0x1C04  }
0x131: {  	[timem:s3], [sflag:s2] =	dma.local @!p0 [hbm:s0], s1  }
0x132: {  	s0 =	simm.s32 @!p0 $0x4  }
0x133: {  	_ =	swait.ge @!p0 [sflag:s0], s1  }
0x134: {  	s1 =	ssub.s32 @!p0 $0x0, s1;
	[sflag:s0] =	ssyncset.done @!p0 $0x0  }
0x135: {  	[sflag:s0] =	ssyncadd.s32 @!p0 s1  }
0x136: {  	[bflag:$0x3] =	sbarrier.arrive $0xFFFF  }
0x137: {  	_ =	shalt  }

// kernel: kernel.18.cloned.1.call-start
scs
__scs_entry_jumppad:
0x0: {  	(pc) =	sbr.rel $0x88, $3  }
0x1: {  	(tag) =	ssettag $0x0;
	lr =	simm.s32 $0x1  }
0x2: {  	[smem:$0x3F7F] =	sst lr;
	_ =	strace $0xD0000000  }
0x3: {  	_ = 	snop  }
0x4: {  	_ = 	snop  }
0x5: {  	_ = 	snop  }
0x6: {  	_ = 	snop  }
0x7: {  	_ = 	snop  }
__scs_overlays_trampoline_lowered:
0x8: {  	[smem:$0x3F8E] =	sst s0  }
0x9: {  	[smem:$0x3F8F] =	sst s1  }
0xa: {  	[smem:$0x3F90] =	sst s2  }
0xb: {  	[smem:$0x3F91] =	sst s3  }
0xc: {  	[smem:$0x3F92] =	sst s4  }
0xd: {  	[smem:$0x3F93] =	sst s5  }
0xe: {  	[smem:$0x3F94] =	sst s6  }
0xf: {  	[smem:$0x3F95] =	sst s7  }
0x10: {  	[smem:$0x3F96] =	sst s8  }
0x11: {  	[smem:$0x3F97] =	sst s9;
	s0 =	simm.s32 @!p0 $0x0  }
0x12: {  	s1 =	sld [smem:$0x3F7D];
	s0 =	simm.s32 @p0 $0x1  }
0x13: {  	[smem:$0x3F98] =	sst s0;
	s0 =	simm.s32 @!p1 $0x0  }
0x14: {  	s2 =	sld [smem:$0x3F7C];
	s0 =	simm.s32 @p1 $0x1  }
0x15: {  	[smem:$0x3F99] =	sst s0;
	s0 =	simm.s32 @!p2 $0x0  }
0x16: {  	s3 =	sld [smem:$0x3FDB];
	s0 =	simm.s32 @p2 $0x1  }
0x17: {  	s4 =	simm.s32 $0x1BF5;
	[smem:$0x3F9B] =	sst s0  }
0x18: {  	s0 =	sld [smem:$0x3F7E];
	_ =	swait.ge [sflag:s4], $0x0  }
0x19: {  	s7 =	sld [smem:$0x3F7F]  }
0x1a: {  	s8 =	sadd.s32 $0xFFFFE003, lr  }
0x1b: {  	s9 =	sadd.s32 $0xFFFFFEF7, lr;
	s5 =	simm.s32 $0xFFFFFFFF;
	p2 =	slt.u32 s8, $0xFFFFF086  }
0x1c: {  	p1 =	slt.u32 s9, $0xF7A;
	s5 =	simm.s32 @!p2 $0x0  }
0x1d: {  	s5 =	simm.s32 @p1 $0x1;
	p0 =	seq.s32 s7, s2  }
0x1e: {  	s7 =	smul.u32 @!p0 $0xF7A, s2;
	p2 =	seq.s32 @!p0 s5, $0x0  }
0x1f: {  	s9 =	smul.u32 $0xF7A, s1;
	s8 =	simm.s32 @!p0 $0x1BF5;
	p2 =	por !p2, p0  }
0x20: {  	[sflag:s8] =	ssyncset.s32 @!p0 $0xFFFFF086;
	s6 =	sadd.s32 @!p0 s3, s7;
	s7 =	simm.s32 @!p0 $0x108  }
0x21: {  	s3 =	sadd.s32 s3, s9;
	s6 =	sadd.s32 @!p0 $0x88, s6;
	s7 =	simm.s32 @p2 $0x1082  }
0x22: {  	[simem:s7], [sflag:s8] =	dma.local @!p0 [hbm:s6], $0xF7A  }
0x23: {  	s9 =	sor.u32 $0xD0000000, s2;
	s6 =	simm.s32 $0x108;
	_ =	swait.ge @!p0 [sflag:s8], $0x0  }
0x24: {  	s3 =	sadd.s32 $0x88, s3;
	s6 =	simm.s32 @!p1 $0x1082;
	[sflag:s4] =	ssyncset.s32 $0xFFFFF086  }
0x25: {  	[simem:s6], [sflag:s4] =	dma.local [hbm:s3], $0xF7A  }
0x26: {  	[smem:$0x3F7F] =	sst s1;
	(tag) =	ssettag s2;
	_ =	strace s9  }
0x27: {  	s1 =	sld [smem:$0x3F8F]  }
0x28: {  	s2 =	sld [smem:$0x3F90]  }
0x29: {  	s4 =	sld [smem:$0x3F92]  }
0x2a: {  	p0 =	seq.s32 s5, $0x0;
	s5 =	sld [smem:$0x3F93]  }
0x2b: {  	s6 =	sld [smem:$0x3F94]  }
0x2c: {  	s7 =	sld [smem:$0x3F95]  }
0x2d: {  	s3 =	simm.s32 $0x108;
	s8 =	sld [smem:$0x3F96]  }
0x2e: {  	s3 =	simm.s32 @!p0 $0x1082;
	s9 =	sld [smem:$0x3F97]  }
0x2f: {  	lr =	sadd.s32 s0, s3;
	s0 =	sld [smem:$0x3F8E]  }
0x30: {  	s3 =	sld [smem:$0x3F91]  }
0x31: {  	[smem:$0x3F9A] =	sst s10  }
0x32: {  	s10 =	sld [smem:$0x3F98];
	_ =	sdelay $0x3  }
0x33: {  	p0 =	seq.s32 s10, $0x1;
	s10 =	sld [smem:$0x3F9A];
	_ =	sdelay $0x3  }
0x34: {  	[smem:$0x3F9A] =	sst s10  }
0x35: {  	s10 =	sld [smem:$0x3F99];
	_ =	sdelay $0x3  }
0x36: {  	p1 =	seq.s32 s10, $0x1;
	s10 =	sld [smem:$0x3F9A];
	_ =	sdelay $0x3  }
0x37: {  	[smem:$0x3F9A] =	sst s10  }
0x38: {  	s10 =	sld [smem:$0x3F9B]  }
0x39: {  	_ = 	snop;
	(pc) =	sbr.ind lr, $3  }
0x3a: {  	_ = 	snop  }
0x3b: {  	_ = 	snop  }
0x3c: {  	p2 =	seq.s32 s10, $0x1;
	s10 =	sld [smem:$0x3F9A]  }
0x3d: {  	_ =	shalt  }
0x3e: {  	_ =	shalt  }
0x3f: {  	_ =	shalt  }
0x40: {  	_ =	shalt  }
0x41: {  	_ =	shalt  }
0x42: {  	_ =	shalt  }
0x43: {  	_ =	shalt  }
0x44: {  	_ =	shalt  }
0x45: {  	_ =	shalt  }
0x46: {  	_ =	shalt  }
0x47: {  	_ =	shalt  }
0x48: {  	_ =	shalt  }
0x49: {  	_ =	shalt  }
0x4a: {  	_ =	shalt  }
0x4b: {  	_ =	shalt  }
0x4c: {  	_ =	shalt  }
0x4d: {  	_ =	shalt  }
0x4e: {  	_ =	shalt  }
0x4f: {  	_ =	shalt  }
0x50: {  	_ =	shalt  }
0x51: {  	_ =	shalt  }
0x52: {  	_ =	shalt  }
0x53: {  	_ =	shalt  }
0x54: {  	_ =	shalt  }
0x55: {  	_ =	shalt  }
0x56: {  	_ =	shalt  }
0x57: {  	_ =	shalt  }
0x58: {  	_ =	shalt  }
0x59: {  	_ =	shalt  }
0x5a: {  	_ =	shalt  }
0x5b: {  	_ =	shalt  }
0x5c: {  	_ =	shalt  }
0x5d: {  	_ =	shalt  }
0x5e: {  	_ =	shalt  }
0x5f: {  	_ =	shalt  }
0x60: {  	_ =	shalt  }
0x61: {  	_ =	shalt  }
0x62: {  	_ =	shalt  }
0x63: {  	_ =	shalt  }
0x64: {  	_ =	shalt  }
0x65: {  	_ =	shalt  }
0x66: {  	_ =	shalt  }
0x67: {  	_ =	shalt  }
0x68: {  	_ =	shalt  }
0x69: {  	_ =	shalt  }
0x6a: {  	_ =	shalt  }
0x6b: {  	_ =	shalt  }
0x6c: {  	_ =	shalt  }
0x6d: {  	_ =	shalt  }
0x6e: {  	_ =	shalt  }
0x6f: {  	_ =	shalt  }
0x70: {  	_ =	shalt  }
0x71: {  	_ =	shalt  }
0x72: {  	_ =	shalt  }
0x73: {  	_ =	shalt  }
0x74: {  	_ =	shalt  }
0x75: {  	_ =	shalt  }
0x76: {  	_ =	shalt  }
0x77: {  	_ =	shalt  }
0x78: {  	_ =	shalt  }
0x79: {  	_ =	shalt  }
0x7a: {  	_ =	shalt  }
0x7b: {  	_ =	shalt  }
0x7c: {  	_ =	shalt  }
0x7d: {  	_ =	shalt  }
0x7e: {  	_ =	shalt  }
0x7f: {  	_ =	shalt  }
0x80: {  	_ =	shalt  }
0x81: {  	_ =	shalt  }
0x82: {  	_ =	shalt  }
0x83: {  	_ =	shalt  }
0x84: {  	_ =	shalt  }
0x85: {  	_ =	shalt  }
0x86: {  	_ =	shalt  }
0x87: {  	_ =	shalt  }
.Lfunc_end0:
.L_simem_size_0:
called_computation.2_lowered:
.L_overlay_start_0:
0x88: {  	s2 =	sld [smem:$0x3FD9]  }
0x89: {  	s3 =	sld [smem:$0x3FFE];
	_ =	sdelay $0x1  }
0x8a: {  	s1 =	srdreg.scid  }
0x8b: {  	s0 =	sand.u32 $0x1, s1  }
0x8c: {  	s16 =	sshll.u32 s0, $0xA;
	s2 =	sadd.s32 s3, s2  }
0x8d: {  	s2 =	sadd.s32 s2, s16  }
0x8e: {  	[smem:$0x3FA6] =	sst s2  }
0x8f: {  	_ = 	snop  }
0x90: {  	(tm) =	ssettm $0x1  }
0x91: {  	s17 =	sld [smem:$0x3FFB];
	_ =	sdelay $0x3  }
0x92: {  	_ =	strace s17  }
0x93: {  	s2 =	sld [smem:$0x3FFC];
	_ =	sdelay $0x3  }
0x94: {  	_ =	strace s2  }
0x95: {  	s2 =	sld [smem:$0x3FFD];
	_ =	sdelay $0x3  }
0x96: {  	_ =	strace s2  }
0x97: {  	_ =	strace $0x8FFFFFFF  }
0x98: {  	s18 =	sld [smem:$0x3FDB];
	_ =	sdelay $0x1  }
0x99: {  	s19 =	simm.s32 $_scs_section_size  }
0x9a: {  	s4 =	simm.s32 $_size__tile_overlayer_lowered;
	s5 =	simm.s32 $_tile_overlayer_lowered  }
0x9b: {  	s22 =	simm.s32 $0x1BFF;
	s21 =	sshll.u32 s5, $0x1;
	s2 =	sadd.s32 s19, s18  }
0x9c: {  	s6 =	simm.s32 $0x0;
	s20 =	sshll.u32 s4, $0x1;
	s4 =	sadd.s32 s21, s2  }
0x9d: {  	[timem:s6], [sflag:s22] =	dma.local [hbm:s4], s20  }
0x9e: {  	_ =	swait.ge [sflag:s22], s20  }
0x9f: {  	s3 =	ssub.s32 $0x0, s20;
	[sflag:s22] =	ssyncset.done $0x0  }
0xa0: {  	[sflag:s22] =	ssyncadd.s32 s3;
	_ =	sdelay $0x1  }
0xa1: {  	s23 =	simm.s32 $0x1B8B  }
0xa2: {  	_ =	swait.ge [sflag:s23], $0x1  }
0xa3: {  	[sflag:s23] =	ssyncset.done $0x0  }
0xa4: {  	s25 =	simm.s32 $0x1B8E;
	s24 =	sld [smem:$0x3FFE];
	[sflag:s23] =	ssyncadd.s32 $0xFFFFFFFF  }
0xa5: {  	s26 =	simm.s32 $execute0_lowered;
	[smem:$0x3FD2] =	sst s25  }
0xa6: {  	s4 =	sshll.u32 s26, $0x1;
	_ =	strace $0x8000004C;
	[dreg:$0x1] =	wrdreg $0xFFFFFFFF  }
0xa7: {  	s28 =	simm.s32 $_size_execute0_lowered;
	s2 =	sadd.s32 s2, s4;
	[dreg:$0x0] =	wrdreg $0x0  }
0xa8: {  	s4 =	sshll.u32 s28, $0x1;
	[dreg:$0x2] =	wrdreg s2  }
0xa9: {  	[dreg:$0x3] =	wrdreg s4  }
0xaa: {  	[dreg:$0x4] =	wrdreg $0xC0  }
0xab: {  	_ =	task [dreg:s6], $0x5FFFF  }
0xac: {  	[dreg:$0x1] =	wrdreg $0xFFFFFFFF  }
0xad: {  	[dreg:$0x0] =	wrdreg $0x60  }
0xae: {  	[dreg:$0x2] =	wrdreg s24  }
0xaf: {  	[dreg:$0x3] =	wrdreg $0x2DA00  }
0xb0: {  	[dreg:$0x4] =	wrdreg $0xC9E00  }
0xb1: {  	[dreg:$0x5] =	wrdreg $0x9  }
0xb2: {  	_ =	task.clear_ibuf [dreg:s6], $0x6FFFF;
	_ =	strace $0x9000004C  }
0xb3: {  	s29 =	simm.s32 $0x9;
	_ =	strace $0x8000004E  }
0xb4: {  	_ =	swait.ge [sflag:s29], $0x1  }
0xb5: {  	[sflag:s29] =	ssyncadd.s32 $0xFFFFFFFF  }
0xb6: {  	_ =	strace $0x9000004E  }
0xb7: {  	_ =	sfence  }
0xb8: {  	s30 =	sld [smem:$0x0];
	_ =	sdelay $0x2  }
0xb9: {  	s31 =	sshll.u32 s1, $0xD;
	s1 =	sshrl.u32 s1, $0x2  }
0xba: {  	s3 =	sand.u32 $0x4000, s31;
	s1 =	sadd.s32 s1, s30  }
0xbb: {  	s0 =	sor.u32 s3, s0;
	s1 =	sshll.u32 s1, $0x11  }
0xbc: {  	s0 =	sor.u32 s1, s0  }
0xbd: {  	s0 =	sadd.s32 $0x8F2B, s0  }
0xbe: {  	[sflag:s0] =	ssyncadd.remote.s32 $0x1  }
0xbf: {  	_ =	sfence.sel $0xFFFF  }
0xc0: {  	[dreg:$0x0] =	wrdreg $0xFFFFFFFF;
	(pc) =	sbr.abs _section_cstart, $3  }
0xc1: {  	[dreg:$0x1] =	wrdreg $0xFFFFFFFF  }
0xc2: {  	_ =	task.clear_ibuf [dreg:s6], $0x2FFFF;
	_ =	strace $0x9FFFFFFF  }
0xc3: {  	(tm) =	ssettm $0x7FFFFFFF  }
tec
execute0_lowered:
.L_overlay_start_1:
0x0: {  	(tag) =	ssettag $0x1  }
0x1: {  	s0 =	rddreg [dreg:$0x0]  }
0x2: {  	s1 =	rddreg [dreg:$0x1]  }
0x3: {  	s2 =	rddreg [dreg:$0x2];
	s3 =	simm.s32 $0x0  }
0x4: {  	s9 =	srdreg.scid;
	s28 =	simm.s32 $0x28A0;
	s4 =	sadd.s32 $0xEC7C00, s0  }
0x5: {  	s11 =	stileid.u32;
	s5 =	sadd.s32 $0xF6FE00, s0;
	s6 =	sadd.s32 $0xEBDE00, s0  }
0x6: {  	s8 =	sadd.s32 $0xEEEE00, s0;
	s13 =	sand.u32 $0x1, s9;
	s9 =	sadd.s32 $0xEF0200, s0  }
0x7: {  	[smem:$0x7FF] =	sst s3;
	s14 =	smul.u32 $0x9C00, s11;
	s15 =	sadd.s32 $0xEFA600, s0  }
0x8: {  	s7 =	sadd.s32 $0xEB4000, s0;
	s18 =	smul.u32 $0x2700, s11;
	s0 =	sadd.s32 $0xEF0800, s0  }
0x9: {  	s22 =	sshll.u32 s11, $0x6;
	s23 =	sadd.s32 $0x9C000, s1;
	s24 =	sadd.s32 $0x27000, s2  }
0xa: {  	p0 =	sne.s32 s11, $0x0;
	_ =	strace $0x8000004D;
	s19 =	smul.u32 $0x9C400, s13  }
0xb: {  	s10 =	ssub.s32 $0x2, s13;
	s25 =	smul.u32 $0x2710, s13;
	[dreg:$0x6] =	wrdreg s23  }
0xc: {  	[dreg:$0x7] =	wrdreg s24;
	s23 =	simm.s32 $0x50;
	s24 =	simm.s32 $0xA0  }
0xd: {  	s12 =	sshrl.u32 s10, $0x1;
	s20 =	sadd.s32 s14, s1;
	s16 =	sadd.s32 s18, s2  }
0xe: {  	s21 =	ssub.s32 s10, s12;
	s10 =	smul.u32 $0x4E20, s11;
	[dreg:$0x4] =	wrdreg s20  }
0xf: {  	s12 =	sor.u32 $0x1C02, s22;
	[dreg:$0x5] =	wrdreg s16;
	s20 =	smul.u32 $0x27100, s13  }
0x10: {  	s14 =	sadd.s32 s14, s19;
	s16 =	smul.u32 $0x4E200, s13;
	s30 =	sshrl.u32 s19, $0x3  }
0x11: {  	s22 =	simm.s32 $0x2;
	v0 =	vmov s25;
	s25 =	simm.s32 $0x14A0;
	s26 =	sshrl.u32 s14, $0x3  }
0x12: {  	s14 =	sadd.s32 s15, s30;
	s13 =	sadd.s32 s15, s26;
	s29 =	sadd.s32 s18, s20  }
0x13: {  	s31 =	sshrl.u32 s20, $0x3;
	[dreg:$0x8] =	wrdreg s13;
	s13 =	sshrl.u32 s29, $0x3  }
0x14: {  	v1 =	vimm.f32 $0.0e+00;
	vm0 =	vcmask $0x300;
	s21 =	smax.u32 s21, $0x1;
	s18 =	sadd.s32 s0, s13;
	s0 =	sadd.s32 s0, s31  }
0x15: {  	v1 =	vsel vm0, $0x3F800000, v1;
	s19 =	sadd.s32 $0x13800, s14;
	s26 =	simm.s32 $0x1;
	s20 =	sadd.s32 $0x4E00, s0  }
.LBB2_1:
0x16: {  	s0 =	rddreg [dreg:$0x4]  }
0x17: {  	s29 =	sshrl.u32 s0, $0x3  }
0x18: {  	[spmem:s29], [sflag:s12] =	dma.local [hbm:s8], $0x1380  }
0x19: {  	_ =	swait.ge [sflag:s22], $0x1380  }
0x1a: {  	[sflag:s22] =	ssyncset.done $0x0;
	s17 =	rddreg [dreg:$0x5]  }
0x1b: {  	[sflag:s22] =	ssyncadd.s32 $0xFFFFEC80;
	s30 =	sshrl.u32 s17, $0x3  }
0x1c: {  	[spmem:s30], [sflag:s12] =	dma.local [hbm:s9], $0x4E0  }
0x1d: {  	_ =	swait.ge [sflag:s22], $0x4E0  }
0x1e: {  	[sflag:s22] =	ssyncset.done $0x0;
	s0 =	rddreg [dreg:$0x6]  }
0x1f: {  	s11 =	simm.s32 @!p0 $0x2;
	[sflag:s22] =	ssyncadd.s32 $0xFFFFFB20;
	s31 =	sshrl.u32 @!p0 s0, $0x3  }
0x20: {  	[spmem:s31], [sflag:s12] =	dma.local @!p0 [hbm:s8], $0x80  }
0x21: {  	_ =	swait.ge @!p0 [sflag:s11], $0x80  }
0x22: {  	[sflag:s11] =	ssyncset.done @!p0 $0x0;
	s0 =	rddreg [dreg:$0x7]  }
0x23: {  	[sflag:s11] =	ssyncadd.s32 @!p0 $0xFFFFFF80;
	s0 =	sshrl.u32 @!p0 s0, $0x3  }
0x24: {  	[spmem:s0], [sflag:s12] =	dma.local @!p0 [hbm:s9], $0x20  }
0x25: {  	_ =	swait.ge @!p0 [sflag:s11], $0x20  }
0x26: {  	[sflag:s11] =	ssyncset.done @!p0 $0x0  }
0x27: {  	[sflag:s11] =	ssyncadd.s32 @!p0 $0xFFFFFFE0  }
0x28: {  	s13 =	simm.s32 $0x0;
	s11 =	simm.s32 $0x40;
	[bflag:$0x0] =	sbarrier.arrive $0xFFFF  }
.LBB2_2:
0x29: {  	p1 =	sne.s32 s11, $0x13C0;
	[tilespmem:s13+$0x28A0] =	vst v1;
	s13 =	smov.u32 s11;
	s11 =	sadd.s32 $0x40, s11  }
.Ltmp0:
0x2a: {  	(pc) =	sbr.rel @p1 .LBB2_2-.Ltmp0, $2  }
0x2b: {  	_ =	sdelay $0x2  }
0x2c: {  	s13 =	sshra.s32 s13, $0x2  }
0x2d: {  	[tilespmem:s13+$0x28A0] =	vst v1;
	s11 =	simm.s32 $0x0;
	s13 =	simm.s32 $0x0  }
.LBB2_4:
0x2e: {  	s14 =	smul.u32 $0x50, s13;
	_ =	sdelay $0x1  }
0x2f: {  	s14 =	sadd.s32 s10, s14  }
0x30: {  	s15 =	sshrl.u32 s14, $0x3  }
0x31: {  	s17 =	sadd.s32 s6, s15  }
0x32: {  	[tilespmem:s11], [sflag:$0x2] =	stream.linear.gather [hbm4b:s17+s11], $0x50, $0x38;
	[tilespmem:$0xF0F0] =	vst v63  }
0x33: {  	_ =	swait.ge [sflag:s22], $0x50  }
0x34: {  	[sflag:s22] =	ssyncset.done $0x0  }
0x35: {  	s15 =	sadd.s32 s7, s15;
	[sflag:s22] =	ssyncadd.s32 $0xFFFFFFB0  }
0x36: {  	[tilespmem:s23], [sflag:$0x2] =	stream.linear.gather [hbm4b:s15+s11], $0x50, $0x38;
	[tilespmem:$0xF0F0] =	vst v63  }
0x37: {  	_ =	swait.ge [sflag:s22], $0x50  }
0x38: {  	[sflag:s22] =	ssyncset.done $0x0  }
0x39: {  	[sflag:s22] =	ssyncadd.s32 $0xFFFFFFB0  }
0x3a: {  	v2 =	vld [tilespmem:$0x0]  }
0x3b: {  	v3 =	vld [tilespmem:$0x10]  }
0x3c: {  	v4 =	vld [tilespmem:$0x20]  }
0x3d: {  	v5 =	vld [tilespmem:$0x30]  }
0x3e: {  	v6 =	vld [tilespmem:$0x40]  }
0x3f: {  	v2 =	vadd.s32 v0, v2  }
0x40: {  	[tilespmem:$0x0] =	vst v2;
	v2 =	vadd.s32 v0, v3  }
0x41: {  	[tilespmem:$0x10] =	vst v2;
	v2 =	vadd.s32 v0, v4  }
0x42: {  	[tilespmem:$0x20] =	vst v2;
	v2 =	vadd.s32 v0, v5  }
0x43: {  	s14 =	sadd.s32 s16, s14;
	[tilespmem:$0x30] =	vst v2;
	v2 =	vadd.s32 v0, v6  }
0x44: {  	s14 =	sshll.u32 s14, $0x3;
	[tilespmem:$0x40] =	vst v2  }
0x45: {  	[tilespmem:s24], [sflag:$0x1] =	stream.indirect.gather [hbm4b:s4+s23], $0x40, s11, s23, $0xb8;
	[tilespmem:$0xF0F0] =	vst v63  }
0x46: {  	s14 =	sadd.s32 s5, s14  }
0x47: {  	[tilespmem:s25], [sflag:$0x2] =	stream.linear.gather [hbm4b:s14+s11], $0x1400, $0x38;
	[tilespmem:$0xF0F0] =	vst v63  }
0x48: {  	_ =	swait.ge [sflag:s22], $0x1400  }
0x49: {  	[sflag:s22] =	ssyncset.done $0x0  }
0x4a: {  	[sflag:s22] =	ssyncadd.s32 $0xFFFFEC00  }
0x4b: {  	_ =	swait.ge [sflag:s26], $0x1400  }
0x4c: {  	[sflag:s26] =	ssyncset.done $0x0  }
0x4d: {  	s14 =	simm.s32 $0x0;
	[sflag:s26] =	ssyncadd.s32 $0xFFFFEC00  }
0x4e: {  	v7 =	vld [tilespmem:s14+$0x14A0]  }
0x4f: {  	v8 =	vld [tilespmem:s14+$0x14B0]  }
0x50: {  	v3 =	vld [tilespmem:s14+$0x14C0]  }
0x51: {  	v2 =	vld [tilespmem:s14+$0x14D0]  }
0x52: {  	v4 =	vld [tilespmem:s14+$0xA0]  }
0x53: {  	v6 =	vld [tilespmem:s14+$0xB0]  }
0x54: {  	s15 =	simm.s32 $0x100;
	v5 =	vld [tilespmem:s14+$0xC0]  }
.LBB2_5:
0x55: {  	s17 =	sshra.s32 s15, $0x2;
	p1 =	sne.s32 s15, $0x4F00;
	v9 =	vld [tilespmem:s14+$0xD0];
	v10 =	vmov v3  }
0x56: {  	v11 =	vld [tilespmem:s17+$0x14A0];
	v12 =	vmov v2  }
0x57: {  	v13 =	vld [tilespmem:s17+$0x14B0];
	v4 =	vmul.f32 v7, v4  }
.Ltmp1:
0x58: {  	v3 =	vld [tilespmem:s17+$0x14C0];
	v6 =	vmul.f32 v8, v6;
	(pc) =	sbr.rel @p1 .LBB2_5-.Ltmp1, $4  }
0x59: {  	v2 =	vld [tilespmem:s17+$0x14D0];
	[tilespmem:s14+$0xA0] =	vst v4;
	v5 =	vmul.f32 v10, v5  }
0x5a: {  	v4 =	vld [tilespmem:s17+$0xA0];
	[tilespmem:s14+$0xB0] =	vst v6;
	v9 =	vmul.f32 v12, v9  }
0x5b: {  	v6 =	vld [tilespmem:s17+$0xB0];
	[tilespmem:s14+$0xC0] =	vst v5;
	v7 =	vmov v11  }
0x5c: {  	s15 =	sadd.s32 $0x100, s15;
	v5 =	vld [tilespmem:s17+$0xC0];
	[tilespmem:s14+$0xD0] =	vst v9;
	v8 =	vmov v13;
	s14 =	smov.u32 s17  }
0x5d: {  	v9 =	vld [tilespmem:s14+$0xD0];
	_ =	sdelay $0x1  }
0x5e: {  	v4 =	vmul.f32 v7, v4  }
0x5f: {  	v6 =	vmul.f32 v8, v6  }
0x60: {  	[tilespmem:s14+$0xA0] =	vst v4;
	v3 =	vmul.f32 v3, v5  }
0x61: {  	[tilespmem:s14+$0xB0] =	vst v6;
	v2 =	vmul.f32 v2, v9  }
0x62: {  	[tilespmem:s14+$0xC0] =	vst v3  }
0x63: {  	[tilespmem:s14+$0xD0] =	vst v2  }
0x64: {  	[spmem:s1] =	stream.indirect.scatter.add.f32 [tilespmem:s24], [sflag:$0x2], $0x40, s23, s23, $0xb8;
	[tilespmem:$0xF0F0] =	vst v63  }
0x65: {  	s13 =	sadd.s32 $0x1, s13;
	_ =	swait.ge [sflag:s22], $0x1400  }
0x66: {  	p1 =	sne.s32 s13, $0xFA;
	[sflag:s22] =	ssyncset.done $0x0  }
.Ltmp2:
0x67: {  	[sflag:s22] =	ssyncadd.s32 $0xFFFFEC00;
	(pc) =	sbr.rel @p1 .LBB2_4-.Ltmp2, $4  }
0x68: {  	[spmem:s2] =	stream.indirect.scatter.add.f32 [tilespmem:s28], [sflag:$0x2], $0x10, s23, s23, $0xb8;
	[tilespmem:$0xF0F0] =	vst v63  }
0x69: {  	_ =	swait.ge [sflag:s22], $0x500  }
0x6a: {  	[sflag:s22] =	ssyncset.done $0x0  }
0x6b: {  	[sflag:s22] =	ssyncadd.s32 $0xFFFFFB00  }
0x6c: {  	[bflag:$0x0] =	sbarrier.arrive $0xFFFF  }
0x6d: {  	s11 =	rddreg [dreg:$0x8]  }
0x6e: {  	[hbm:s11], [sflag:s12] =	dma.local [spmem:s29], $0x1380  }
0x6f: {  	_ =	swait.ge [sflag:s22], $0x1380  }
0x70: {  	[sflag:s22] =	ssyncset.done $0x0  }
0x71: {  	[sflag:s22] =	ssyncadd.s32 $0xFFFFEC80  }
0x72: {  	[hbm:s18], [sflag:s12] =	dma.local [spmem:s30], $0x4E0  }
0x73: {  	_ =	swait.ge [sflag:s22], $0x4E0  }
0x74: {  	[sflag:s22] =	ssyncset.done $0x0  }
0x75: {  	s11 =	simm.s32 @!p0 $0x2;
	[sflag:s22] =	ssyncadd.s32 $0xFFFFFB20  }
0x76: {  	[hbm:s19], [sflag:s12] =	dma.local @!p0 [spmem:s31], $0x80  }
0x77: {  	s3 =	sadd.s32 $0x1, s3;
	_ =	swait.ge @!p0 [sflag:s11], $0x80  }
0x78: {  	p1 =	sne.s32 s3, s21;
	[sflag:s11] =	ssyncset.done @!p0 $0x0  }
.Ltmp3:
0x79: {  	[sflag:s11] =	ssyncadd.s32 @!p0 $0xFFFFFF80;
	(pc) =	sbr.rel @p1 .LBB2_1-.Ltmp3, $4  }
0x7a: {  	[hbm:s20], [sflag:s12] =	dma.local @!p0 [spmem:s0], $0x20  }
0x7b: {  	_ =	swait.ge @!p0 [sflag:s11], $0x20  }
0x7c: {  	[sflag:s11] =	ssyncset.done @!p0 $0x0  }
0x7d: {  	[sflag:s11] =	ssyncadd.s32 @!p0 $0xFFFFFFE0  }
0x7e: {  	_ =	sfence.sel $0x180000  }
0x7f: {  	[bflag:$0x0] =	sbarrier.arrive $0xFFFF  }
0x80: {  	_ =	strace $0x9000004D  }
0x81: {  	[bflag:$0x2] =	sbarrier.arrive $0xFFFF  }
0x82: {  	s0 =	rddreg [dreg:$0x3]  }
0x83: {  	s0 =	sadd.s32 @!p0 $0x100000, s0  }
0x84: {  	[sflag:s0] =	ssyncadd.tile.s32 @!p0 $0x1;
	_ =	shalt  }
.Lfunc_end2:
_tile_overlayer_lowered:
.L_overlay_start_2:
0x85: {  	(tag) =	ssettag $0x2  }
0x86: {  	s0 =	rddreg [dreg:$0x0];
	s2 =	stileid.u32  }
0x87: {  	s1 =	rddreg [dreg:$0x1];
	p0 =	sne.s32 s2, $0x0  }
0x88: {  	s3 =	rddreg [dreg:$0x2];
	[bflag:$0x3] =	sbarrier.arrive $0xFFFF;
	s2 =	simm.s32 @!p0 $0x1C02  }
0x89: {  	[timem:s3], [sflag:s2] =	dma.local @!p0 [hbm:s0], s1  }
0x8a: {  	s0 =	simm.s32 @!p0 $0x2  }
0x8b: {  	_ =	swait.ge @!p0 [sflag:s0], s1  }
0x8c: {  	s1 =	ssub.s32 @!p0 $0x0, s1;
	[sflag:s0] =	ssyncset.done @!p0 $0x0  }
0x8d: {  	[sflag:s0] =	ssyncadd.s32 @!p0 s1  }
0x8e: {  	[bflag:$0x3] =	sbarrier.arrive $0xFFFF  }
0x8f: {  	_ =	shalt  }

</sc_bundles>
